<compile_context>
chip_gen: v7x
topology: tpu7x:2x2x1
jax: 0.10.2.dev20260603
libtpu: 0.0.44.dev20260713+nightly
codegen_flags: <defaults>
</compile_context>

<pallas_src>
import functools

import jax
import jax.numpy as jnp
from jax import lax
from jax.experimental import pallas as pl
from jax.experimental.pallas import tpu as pltpu
from jax.experimental.pallas import tpu_sc as plsc

N = 10000
E = 160000
IN_C = 256
HID = 128
OUT_C = 3

NC = 2
NS = 16
L = 16
NPAD = 10240
DROWS = NPAD // L
EPS = E // NS
NW = NC * NS
EPW = E // NW
CHUNK = 128
REAL = 125
NCHUNK = EPW // REAL
SLAB = 624
ZCH = ((0, 128), (128, 128), (256, 128), (384, 128), (512, 112))
TAIL = N - NS * SLAB
NACC = N + CHUNK

_sc_mesh = plsc.VectorSubcoreMesh(
    core_axis_name="c", subcore_axis_name="s", num_cores=NC, num_subcores=NS)


@functools.partial(
    pl.kernel,
    out_type=jax.ShapeDtypeStruct((NC, DROWS, L), jnp.float32),
    mesh=_sc_mesh,
    scratch_types=[
        pltpu.VMEM((EPS,), jnp.int32),
        pltpu.VMEM((NPAD,), jnp.float32),
        pltpu.VMEM((DROWS, L), jnp.float32),
        pltpu.VMEM((DROWS // NS, L), jnp.float32),
        pltpu.VMEM((5, 128), jnp.int32),
        pltpu.VMEM_SHARED((DROWS, L), jnp.float32),
    ],
    compiler_params=pltpu.CompilerParams(needs_layout_passes=False),
)
def _deg_dis_kernel(dst_hbm, out_hbm, dst_v, deg1_v, deg_v, tmp_v, rowidx_v,
                    acc_sh):
    c = lax.axis_index("c")
    s = lax.axis_index("s")
    zeros16 = jnp.zeros((L,), jnp.float32)
    ones16 = jnp.ones((L,), jnp.float32)
    rps = DROWS // NS

    def zero_deg(t, carry):
        deg1_v[pl.ds(t * L, L)] = zeros16
        return carry
    lax.fori_loop(0, DROWS, zero_deg, 0)

    def zero_tmp(t, carry):
        tmp_v[t, :] = zeros16
        return carry
    lax.fori_loop(0, rps, zero_tmp, 0)

    def fill_rowidx(t, carry):
        k = t // 8
        j = t % 8
        rowidx_v[k, pl.ds(j * L, L)] = lax.iota(jnp.int32, L) + k * 128 + j * L
        return carry
    lax.fori_loop(0, rps, fill_rowidx, 0)

    pltpu.sync_copy(tmp_v, acc_sh.at[pl.ds(s * rps, rps)])

    pltpu.sync_copy(dst_hbm.at[s], dst_v)

    def hist(i, carry):
        idx = dst_v[pl.ds(i * L, L)]
        plsc.addupdate_scatter(deg1_v, [idx], ones16)
        return carry
    lax.fori_loop(0, EPS // L, hist, 0)

    def repack(t, carry):
        deg_v[t, :] = deg1_v[pl.ds(t * L, L)]
        return carry
    lax.fori_loop(0, DROWS, repack, 0)

    plsc.subcore_barrier()
    for k in range(5):
        pltpu.sync_copy(deg_v.at[pl.ds(k * 128, 128)],
                        acc_sh.at[rowidx_v.at[k]], add=True)
    plsc.subcore_barrier()

    pltpu.sync_copy(acc_sh.at[pl.ds(s * rps, rps)], deg_v.at[pl.ds(0, rps)])

    def rsq(t, carry):
        d = deg_v[t, :] + 1.0
        i = plsc.bitcast(d, jnp.int32)
        y = plsc.bitcast(jnp.int32(0x5F3759DF) - (i >> 1), jnp.float32)
        y = y * (1.5 - 0.5 * d * y * y)
        y = y * (1.5 - 0.5 * d * y * y)
        y = y * (1.5 - 0.5 * d * y * y)
        tmp_v[t, :] = y
        return carry
    lax.fori_loop(0, rps, rsq, 0)
    pltpu.sync_copy(tmp_v, out_hbm.at[c, pl.ds(s * rps, rps)])


def _make_agg_kernel(D):
    DL = D // L

    @functools.partial(
        pl.kernel,
        out_type=jax.ShapeDtypeStruct((NC, N, D), jnp.float32),
        mesh=_sc_mesh,
        scratch_types=[
            pltpu.VMEM((NCHUNK, CHUNK), jnp.int32),
            pltpu.VMEM((NCHUNK, CHUNK), jnp.int32),
            pltpu.VMEM((CHUNK, D), jnp.float32),
            pltpu.VMEM((CHUNK, D), jnp.float32),
            pltpu.VMEM_SHARED((NACC, D), jnp.float32),
            pltpu.SemaphoreType.DMA,
            pltpu.SemaphoreType.DMA,
        ],
        compiler_params=pltpu.CompilerParams(needs_layout_passes=False),
    )
    def agg(g_hbm, src_hbm, dst_hbm, out_hbm, src_v, dst_v, rows_v, rows2_v,
            acc_sh, sem, sem2):
        c = lax.axis_index("c")
        s = lax.axis_index("s")
        w = c * NS + s
        zeros16 = jnp.zeros((L,), jnp.float32)

        def zero_rows(t, carry):
            rows_v[t // DL, pl.ds((t % DL) * L, L)] = zeros16
            return carry
        lax.fori_loop(0, CHUNK * DL, zero_rows, 0)

        for off, ln in ZCH:
            pltpu.sync_copy(rows_v.at[pl.ds(0, ln)],
                            acc_sh.at[pl.ds(s * SLAB + off, ln)])

        @pl.when(s == 0)
        def _zero_tail():
            pltpu.sync_copy(rows_v.at[pl.ds(0, TAIL)],
                            acc_sh.at[pl.ds(NS * SLAB, TAIL)])

        pltpu.sync_copy(src_hbm.at[w], src_v)
        pltpu.sync_copy(dst_hbm.at[w], dst_v)
        plsc.subcore_barrier()

        def step(j, carry):
            j2 = 2 * j
            cpa = pltpu.async_copy(g_hbm.at[src_v.at[j2]], rows_v, sem)
            cpb = pltpu.async_copy(g_hbm.at[src_v.at[j2 + 1]], rows2_v, sem2)
            cpa.wait()
            cpb.wait()
            pltpu.sync_copy(rows_v, acc_sh.at[dst_v.at[j2]], add=True)
            pltpu.sync_copy(rows2_v, acc_sh.at[dst_v.at[j2 + 1]], add=True)
            return carry
        lax.fori_loop(0, NCHUNK // 2, step, 0)

        plsc.subcore_barrier()
        for off, ln in ZCH:
            base = s * SLAB + off
            pltpu.sync_copy(acc_sh.at[pl.ds(base, ln)],
                            rows_v.at[pl.ds(0, ln)])
            pltpu.sync_copy(rows_v.at[pl.ds(0, ln)],
                            out_hbm.at[c, pl.ds(base, ln)])

        @pl.when(s == 0)
        def _out_tail():
            pltpu.sync_copy(acc_sh.at[pl.ds(NS * SLAB, TAIL)],
                            rows_v.at[pl.ds(0, TAIL)])
            pltpu.sync_copy(rows_v.at[pl.ds(0, TAIL)],
                            out_hbm.at[c, pl.ds(NS * SLAB, TAIL)])
    return agg


_agg128 = _make_agg_kernel(HID)


def _mm1_body(f_ref, w_ref, d_ref, o_ref):
    h = jnp.dot(f_ref[...], w_ref[...], preferred_element_type=jnp.float32)
    o_ref[...] = h * d_ref[...]


def _combine1_body(a_ref, g_ref, d_ref, b1_ref, o_ref):
    x = (a_ref[0] + a_ref[1] + g_ref[...]) * d_ref[...] + b1_ref[...]
    o_ref[...] = jnp.maximum(x, 0.0) * d_ref[...]


def _combine2_body(a_ref, y_ref, d_ref, b2_ref, w2_ref, o_ref):
    t = a_ref[0] + a_ref[1] + y_ref[...]
    o_ref[...] = jnp.dot(t, w2_ref[...],
                         preferred_element_type=jnp.float32) * d_ref[...] + b2_ref[...]


def kernel(features, edges, edges2, edge_features, additional_feature,
           W1, b1, W2, b2):
    src = edges[0]
    dst = edges[1]

    dis_t = _deg_dis_kernel(dst.reshape(NS, EPS))
    dis = dis_t[0].reshape(NPAD)[:N].reshape(N, 1)

    g1 = pl.pallas_call(
        _mm1_body,
        out_shape=jax.ShapeDtypeStruct((N, HID), jnp.float32),
    )(features, W1, dis)

    src3 = src.reshape(NW, NCHUNK, REAL)
    dst3 = dst.reshape(NW, NCHUNK, REAL)
    pad_src = jnp.zeros((NW, NCHUNK, CHUNK - REAL), jnp.int32)
    pad_dst = jnp.full((NW, NCHUNK, CHUNK - REAL), N, jnp.int32)
    src3 = jnp.concatenate([src3, pad_src], axis=2)
    dst3 = jnp.concatenate([dst3, pad_dst], axis=2)

    agg1 = _agg128(g1, src3, dst3)

    b1r = b1.reshape(1, HID)
    y = pl.pallas_call(
        _combine1_body,
        out_shape=jax.ShapeDtypeStruct((N, HID), jnp.float32),
    )(agg1, g1, dis, b1r)

    agg2 = _agg128(y, src3, dst3)

    W2p = jnp.zeros((HID, 16), jnp.float32).at[:, :OUT_C].set(W2)
    b2p = jnp.zeros((1, 16), jnp.float32).at[0, :OUT_C].set(b2)
    out = pl.pallas_call(
        _combine2_body,
        out_shape=jax.ShapeDtypeStruct((N, 16), jnp.float32),
    )(agg2, y, dis, b2p, W2p)
    return out[:, :OUT_C]

# --- scband reference (transcript-rebuilt; emitter-appended) ---
"""Pipeline reference for scband-gcnconv-model-17712445128819 (READ-ONLY COPY).

The authoritative reference and input builder live on the scoring server;
editing this copy changes nothing except your own understanding.
"""

import jax, jax.numpy as jnp
import numpy as np

N = 10000
E = 160000
IN_C = 256
HID = 128
OUT_C = 3


def setup_inputs(seed: int = 0) -> dict:
    key = jax.random.key(seed)
    ks = jax.random.split(key, 9)
    features = jax.random.normal(ks[0], (N, IN_C), dtype=jnp.float32)
    edges = jax.random.randint(ks[1], (2, E), 0, N, dtype=jnp.int32)
    edges2 = jax.random.randint(ks[2], (2, E), 0, N, dtype=jnp.int32)
    edge_features = jax.random.normal(ks[3], (E, 16), dtype=jnp.float32)
    additional_feature = jax.random.normal(ks[4], (N, 4), dtype=jnp.float32)
    # GCN layer params (glorot-ish scale)
    W1 = jax.random.normal(ks[5], (IN_C, HID), dtype=jnp.float32) * (1.0 / np.sqrt(IN_C))
    b1 = jnp.zeros((HID,), dtype=jnp.float32)
    W2 = jax.random.normal(ks[6], (HID, OUT_C), dtype=jnp.float32) * (1.0 / np.sqrt(HID))
    b2 = jnp.zeros((OUT_C,), dtype=jnp.float32)
    return {"features": features, "edges": edges, "edges2": edges2,
            "edge_features": edge_features, "additional_feature": additional_feature,
            "W1": W1, "b1": b1, "W2": W2, "b2": b2}


def _gcn_conv(x, edge_index, W, b):
    # torch_geometric GCNConv with edge_weight=None:
    # add self-loops, symmetric normalization, linear transform, scatter-add aggregate.
    src = edge_index[0]
    dst = edge_index[1]
    loop = jnp.arange(N, dtype=edge_index.dtype)
    src = jnp.concatenate([src, loop])
    dst = jnp.concatenate([dst, loop])
    deg = jnp.zeros((N,), jnp.float32).at[dst].add(1.0)
    deg_inv_sqrt = jnp.where(deg > 0, 1.0 / jnp.sqrt(jnp.maximum(deg, 1e-12)), 0.0)
    norm = deg_inv_sqrt[src] * deg_inv_sqrt[dst]
    h = x @ W
    msg = jnp.take(h, src, axis=0) * norm[:, None]
    out = jnp.zeros((N, h.shape[1]), jnp.float32).at[dst].add(msg)
    return out + b


def reference(features, edges, edges2, edge_features, additional_feature, W1, b1, W2, b2):
    # Model sets edge_features = None, so plain GCN (eval mode: dropout is identity).
    x = _gcn_conv(features, edges, W1, b1)
    x = jax.nn.relu(x)
    return _gcn_conv(x, edges, W2, b2)

if __name__ == "__main__":
    import jax
    _d = setup_inputs()
    print(jax.jit(kernel)(*tuple(_d.values())))

</pallas_src>

<mosaic_0001>
#map = affine_map<(d0, d1) -> (0, 0)>
#map1 = affine_map<(d0, d1) -> (0, 0, 0)>
module attributes {stable_mosaic.version = 14 : i64} {
  func.func @_deg_dis_kernel(%arg0: i32, %arg1: i32, %arg2: memref<16x10000xi32, #tpu.memory_space<hbm>>, %arg3: memref<2x640x16xf32, #tpu.memory_space<hbm>>, %arg4: memref<10000xi32, #tpu.memory_space<vmem>>, %arg5: memref<10240xf32, #tpu.memory_space<vmem>>, %arg6: memref<640x16xf32, #tpu.memory_space<vmem>>, %arg7: memref<40x16xf32, #tpu.memory_space<vmem>>, %arg8: memref<5x128xi32, #tpu.memory_space<vmem>>, %arg9: memref<640x16xf32, #tpu.memory_space<vmem_shared>>) attributes {dimension_semantics = [#tpu.dimension_semantics<core_parallel>, #tpu.dimension_semantics<subcore_parallel>], iteration_bounds = array<i64: 2, 16>, scalar_prefetch = 0 : i64, scratch_operands = 6 : i64, tpu.core_type = #tpu.core_type<sc_vector_subcore>, window_params = [{transform_indices = #map}, {transform_indices = #map1}]} {
    %broadcast_in_dim3A = arith.constant 0.000000e+00 : f32
    %broadcast_in_dim3A_0 = vector.broadcast %broadcast_in_dim3A : f32 to vector<16xf32>
    %broadcast_in_dim3A_1 = arith.constant 1.000000e+00 : f32
    %broadcast_in_dim3A_2 = vector.broadcast %broadcast_in_dim3A_1 : f32 to vector<16xf32>
    %scan3A = arith.constant 0 : i32
    %scan3A_3 = arith.constant 0 : i32
    %scan3A_4 = arith.constant 640 : i32
    %scan3A_5 = arith.addi %scan3A_3, %scan3A_4 : i32
    %scan3A_6 = arith.constant 1 : i32
    scf.for %scan3A_48 = %scan3A_3 to %scan3A_5 step %scan3A_6  : i32 {
      %mul3A_49 = arith.constant 16 : i32
      %mul3A_50 = arith.muli %scan3A_48, %mul3A_49 : i32
      %swap3A = arith.index_cast %mul3A_50 : i32 to index
      %swap3A_51 = tpu.vector_load %arg5[%swap3A] {strides = array<i32>} : memref<10240xf32, #tpu.memory_space<vmem>>, vector<16xf32>,
      tpu.vector_store %arg5[%swap3A], %broadcast_in_dim3A_0 {strides = array<i32>} : memref<10240xf32, #tpu.memory_space<vmem>>, vector<16xf32>,
    }
    %scan3A_7 = arith.constant 640 : i32
    %scan3A_8 = arith.constant 0 : i32
    %scan3A_9 = arith.constant 0 : i32
    %scan3A_10 = arith.constant 40 : i32
    %scan3A_11 = arith.addi %scan3A_9, %scan3A_10 : i32
    %scan3A_12 = arith.constant 1 : i32
    scf.for %scan3A_48 = %scan3A_9 to %scan3A_11 step %scan3A_12  : i32 {
      %swap3A = arith.index_cast %scan3A_48 : i32 to index
      %swap3A_49 = arith.constant 0 : index
      %swap3A_50 = tpu.vector_load %arg7[%swap3A, %swap3A_49] {strides = array<i32>} : memref<40x16xf32, #tpu.memory_space<vmem>>, vector<16xf32>,
      tpu.vector_store %arg7[%swap3A, %swap3A_49], %broadcast_in_dim3A_0 {strides = array<i32>} : memref<40x16xf32, #tpu.memory_space<vmem>>, vector<16xf32>,
    }
    %scan3A_13 = arith.constant 40 : i32
    %scan3A_14 = arith.constant 0 : i32
    %scan3A_15 = arith.constant 0 : i32
    %scan3A_16 = arith.constant 40 : i32
    %scan3A_17 = arith.addi %scan3A_15, %scan3A_16 : i32
    %scan3A_18 = arith.constant 1 : i32
    scf.for %scan3A_48 = %scan3A_15 to %scan3A_17 step %scan3A_18  : i32 {
      %jit3A = arith.constant 8 : i32
      %div3A = arith.divsi %scan3A_48, %jit3A : i32
      %sign3A = arith.constant 0 : i32
      %sign3A_49 = arith.cmpi sgt, %scan3A_48, %sign3A : i32
      %sign3A_50 = arith.extui %sign3A_49 : i1 to i32
      %sign3A_51 = arith.constant 0 : i32
      %sign3A_52 = arith.cmpi slt, %scan3A_48, %sign3A_51 : i32
      %sign3A_53 = arith.extui %sign3A_52 : i1 to i32
      %sign3A_54 = arith.subi %sign3A_50, %sign3A_53 : i32
      %sign3A_55 = arith.constant 0 : i32
      %sign3A_56 = arith.cmpi sgt, %jit3A, %sign3A_55 : i32
      %sign3A_57 = arith.extui %sign3A_56 : i1 to i32
      %sign3A_58 = arith.constant 0 : i32
      %sign3A_59 = arith.cmpi slt, %jit3A, %sign3A_58 : i32
      %sign3A_60 = arith.extui %sign3A_59 : i1 to i32
      %sign3A_61 = arith.subi %sign3A_57, %sign3A_60 : i32
      %ne3A = arith.cmpi ne, %sign3A_54, %sign3A_61 : i32
      %rem3A = arith.remsi %scan3A_48, %jit3A : i32
      %ne3A_62 = arith.constant 0 : i32
      %ne3A_63 = arith.cmpi ne, %rem3A, %ne3A_62 : i32
      %and3A = arith.andi %ne3A, %ne3A_63 : i1
      %sub3A = arith.constant 1 : i32
      %sub3A_64 = arith.subi %div3A, %sub3A : i32
      %select_n3A = arith.select %and3A, %sub3A_64, %div3A : i32
      %jit3A_65 = arith.constant 8 : i32
      %eq3A = arith.constant 0 : i32
      %eq3A_66 = arith.cmpi eq, %jit3A_65, %eq3A : i32
      %jit3A_67 = arith.constant 1 : i32
      %select_n3A_68 = arith.select %eq3A_66, %jit3A_67, %jit3A_65 : i32
      %rem3A_69 = arith.remsi %scan3A_48, %select_n3A_68 : i32
      %ne3A_70 = arith.constant 0 : i32
      %ne3A_71 = arith.cmpi ne, %rem3A_69, %ne3A_70 : i32
      %lt3A = arith.constant 0 : i32
      %lt3A_72 = arith.cmpi slt, %rem3A_69, %lt3A : i32
      %lt3A_73 = arith.constant 0 : i32
      %lt3A_74 = arith.cmpi slt, %select_n3A_68, %lt3A_73 : i32
      %ne3A_75 = arith.xori %lt3A_72, %lt3A_74 : i1
      %and3A_76 = arith.andi %ne3A_75, %ne3A_71 : i1
      %add3A = arith.addi %rem3A_69, %select_n3A_68 : i32
      %select_n3A_77 = arith.select %and3A_76, %add3A, %rem3A_69 : i32
      %iota3A = tpu.iota {dimensions = array<i32: 0>} : vector<16xi32>
      %mul3A_78 = arith.constant 128 : i32
      %mul3A_79 = arith.muli %select_n3A, %mul3A_78 : i32
      %add3A_80 = vector.broadcast %mul3A_79 : i32 to vector<16xi32>
      %add3A_81 = arith.addi %iota3A, %add3A_80 : vector<16xi32>
      %mul3A_82 = arith.constant 16 : i32
      %mul3A_83 = arith.muli %select_n3A_77, %mul3A_82 : i32
      %add3A_84 = vector.broadcast %mul3A_83 : i32 to vector<16xi32>
      %add3A_85 = arith.addi %add3A_81, %add3A_84 : vector<16xi32>
      %mul3A_86 = arith.constant 16 : i32
      %mul3A_87 = arith.muli %select_n3A_77, %mul3A_86 : i32
      %swap3A = arith.index_cast %select_n3A : i32 to index
      %swap3A_88 = arith.index_cast %mul3A_87 : i32 to index
      %swap3A_89 = tpu.vector_load %arg8[%swap3A, %swap3A_88] {strides = array<i32>} : memref<5x128xi32, #tpu.memory_space<vmem>>, vector<16xi32>,
      tpu.vector_store %arg8[%swap3A, %swap3A_88], %add3A_85 {strides = array<i32>} : memref<5x128xi32, #tpu.memory_space<vmem>>, vector<16xi32>,
    }
    %scan3A_19 = arith.constant 40 : i32
    %mul3A = arith.constant 40 : i32
    %mul3A_20 = arith.muli %arg1, %mul3A : i32
    "tpu.region"() ({
      %run_scoped3A_48 = tpu.sem_alloc : memref<!tpu.dma_semaphore, #tpu.memory_space<semaphore_mem>>
      %dma_start3A = arith.constant 0 : i32
      %dma_start3A_49 = tpu.memref_slice %arg9[%mul3A_20, %dma_start3A] : memref<640x16xf32, #tpu.memory_space<vmem_shared>> -> memref<40x16xf32, #tpu.memory_space<vmem_shared>>
      %dma_start3A_50 = arith.constant 0 : i32
      %dma_start3A_51 = tpu.memref_slice %arg9[%mul3A_20, %dma_start3A_50] : memref<640x16xf32, #tpu.memory_space<vmem_shared>> -> memref<40x16xf32, #tpu.memory_space<vmem_shared>>
      tpu.enqueue_dma source(%arg7 : memref<40x16xf32, #tpu.memory_space<vmem>>) target(%dma_start3A_51 : memref<40x16xf32, #tpu.memory_space<vmem_shared>>) target_semaphore(%run_scoped3A_48 : memref<!tpu.dma_semaphore, #tpu.memory_space<semaphore_mem>>)
      %dma_wait3A = arith.constant 0 : i32
      %dma_wait3A_52 = tpu.memref_slice %arg9[%mul3A_20, %dma_wait3A] : memref<640x16xf32, #tpu.memory_space<vmem_shared>> -> memref<40x16xf32, #tpu.memory_space<vmem_shared>>
      %dma_wait3A_53 = arith.constant 0 : i32
      %dma_wait3A_54 = tpu.memref_slice %arg9[%mul3A_20, %dma_wait3A_53] : memref<640x16xf32, #tpu.memory_space<vmem_shared>> -> memref<40x16xf32, #tpu.memory_space<vmem_shared>>
      tpu.wait_dma2 semaphore(%run_scoped3A_48 : memref<!tpu.dma_semaphore, #tpu.memory_space<semaphore_mem>>) src(%arg7 : memref<40x16xf32, #tpu.memory_space<vmem>>) dst(%dma_wait3A_54 : memref<40x16xf32, #tpu.memory_space<vmem_shared>>)
      tpu.yield
    }) : () -> ()
    "tpu.region"() ({
      %run_scoped3A_48 = tpu.sem_alloc : memref<!tpu.dma_semaphore, #tpu.memory_space<semaphore_mem>>
      %dma_start3A = arith.constant 0 : i32
      %dma_start3A_49 = tpu.memref_slice %arg2[%arg1, %dma_start3A] : memref<16x10000xi32, #tpu.memory_space<hbm>> -> memref<1x10000xi32, #tpu.memory_space<hbm>>
      %dma_start3A_50 = tpu.memref_squeeze %dma_start3A_49 : memref<1x10000xi32, #tpu.memory_space<hbm>> -> memref<10000xi32, #tpu.memory_space<hbm>>
      %dma_start3A_51 = arith.constant 0 : i32
      %dma_start3A_52 = tpu.memref_slice %arg2[%arg1, %dma_start3A_51] : memref<16x10000xi32, #tpu.memory_space<hbm>> -> memref<1x10000xi32, #tpu.memory_space<hbm>>
      %dma_start3A_53 = tpu.memref_squeeze %dma_start3A_52 : memref<1x10000xi32, #tpu.memory_space<hbm>> -> memref<10000xi32, #tpu.memory_space<hbm>>
      tpu.enqueue_dma source(%dma_start3A_53 : memref<10000xi32, #tpu.memory_space<hbm>>) target(%arg4 : memref<10000xi32, #tpu.memory_space<vmem>>) target_semaphore(%run_scoped3A_48 : memref<!tpu.dma_semaphore, #tpu.memory_space<semaphore_mem>>)
      %dma_wait3A = arith.constant 0 : i32
      %dma_wait3A_54 = tpu.memref_slice %arg2[%arg1, %dma_wait3A] : memref<16x10000xi32, #tpu.memory_space<hbm>> -> memref<1x10000xi32, #tpu.memory_space<hbm>>
      %dma_wait3A_55 = tpu.memref_squeeze %dma_wait3A_54 : memref<1x10000xi32, #tpu.memory_space<hbm>> -> memref<10000xi32, #tpu.memory_space<hbm>>
      %dma_wait3A_56 = arith.constant 0 : i32
      %dma_wait3A_57 = tpu.memref_slice %arg2[%arg1, %dma_wait3A_56] : memref<16x10000xi32, #tpu.memory_space<hbm>> -> memref<1x10000xi32, #tpu.memory_space<hbm>>
      %dma_wait3A_58 = tpu.memref_squeeze %dma_wait3A_57 : memref<1x10000xi32, #tpu.memory_space<hbm>> -> memref<10000xi32, #tpu.memory_space<hbm>>
      tpu.wait_dma2 semaphore(%run_scoped3A_48 : memref<!tpu.dma_semaphore, #tpu.memory_space<semaphore_mem>>) src(%dma_wait3A_58 : memref<10000xi32, #tpu.memory_space<hbm>>) dst(%arg4 : memref<10000xi32, #tpu.memory_space<vmem>>)
      tpu.yield
    }) : () -> ()
    %scan3A_21 = arith.constant 0 : i32
    %scan3A_22 = arith.constant 0 : i32
    %scan3A_23 = arith.constant 625 : i32
    %scan3A_24 = arith.addi %scan3A_22, %scan3A_23 : i32
    %scan3A_25 = arith.constant 1 : i32
    scf.for %scan3A_48 = %scan3A_22 to %scan3A_24 step %scan3A_25  : i32 {
      %mul3A_49 = arith.constant 16 : i32
      %mul3A_50 = arith.muli %scan3A_48, %mul3A_49 : i32
      %get3A = arith.index_cast %mul3A_50 : i32 to index
      %get3A_51 = tpu.vector_load %arg4[%get3A] {strides = array<i32>} : memref<10000xi32, #tpu.memory_space<vmem>>, vector<16xi32>,
      tpu.vector_store_idx %arg5[%get3A_51], %broadcast_in_dim3A_2 {add = true} : memref<10240xf32, #tpu.memory_space<vmem>>[vector<16xi32>], vector<16xf32>,
    }
    %scan3A_26 = arith.constant 625 : i32
    %scan3A_27 = arith.constant 0 : i32
    %scan3A_28 = arith.constant 0 : i32
    %scan3A_29 = arith.constant 640 : i32
    %scan3A_30 = arith.addi %scan3A_28, %scan3A_29 : i32
    %scan3A_31 = arith.constant 1 : i32
    scf.for %scan3A_48 = %scan3A_28 to %scan3A_30 step %scan3A_31  : i32 {
      %mul3A_49 = arith.constant 16 : i32
      %mul3A_50 = arith.muli %scan3A_48, %mul3A_49 : i32
      %get3A = arith.index_cast %mul3A_50 : i32 to index
      %get3A_51 = tpu.vector_load %arg5[%get3A] {strides = array<i32>} : memref<10240xf32, #tpu.memory_space<vmem>>, vector<16xf32>,
      %swap3A = arith.index_cast %scan3A_48 : i32 to index
      %swap3A_52 = arith.constant 0 : index
      %swap3A_53 = tpu.vector_load %arg6[%swap3A, %swap3A_52] {strides = array<i32>} : memref<640x16xf32, #tpu.memory_space<vmem>>, vector<16xf32>,
      tpu.vector_store %arg6[%swap3A, %swap3A_52], %get3A_51 {strides = array<i32>} : memref<640x16xf32, #tpu.memory_space<vmem>>, vector<16xf32>,
    }
    %scan3A_32 = arith.constant 640 : i32
    %barrier3A = arith.constant 0 : index
    tpu.barrier barrier_id(%barrier3A)
    %run_scoped3A = arith.constant 0 : i32
    "tpu.region"() ({
      %run_scoped3A_48 = tpu.sem_alloc : memref<!tpu.dma_semaphore, #tpu.memory_space<semaphore_mem>>
      %dma_start3A = arith.constant 0 : i32
      %dma_start3A_49 = arith.constant 0 : i32
      %dma_start3A_50 = tpu.memref_slice %arg6[%dma_start3A, %dma_start3A_49] : memref<640x16xf32, #tpu.memory_space<vmem>> -> memref<128x16xf32, #tpu.memory_space<vmem>>
      %dma_start3A_51 = arith.constant 0 : i32
      %dma_start3A_52 = tpu.memref_slice %arg8[%run_scoped3A, %dma_start3A_51] : memref<5x128xi32, #tpu.memory_space<vmem>> -> memref<1x128xi32, #tpu.memory_space<vmem>>
      %dma_start3A_53 = tpu.memref_squeeze %dma_start3A_52 : memref<1x128xi32, #tpu.memory_space<vmem>> -> memref<128xi32, #tpu.memory_space<vmem>>
      %dma_start3A_54 = arith.constant 0 : i32
      %dma_start3A_55 = arith.constant 0 : i32
      %dma_start3A_56 = tpu.memref_slice %arg9[%dma_start3A_54, %dma_start3A_55] : memref<640x16xf32, #tpu.memory_space<vmem_shared>> -> memref<640x16xf32, #tpu.memory_space<vmem_shared>>
      tpu.enqueue_indirect_dma source(%dma_start3A_50 : memref<128x16xf32, #tpu.memory_space<vmem>>) target(%dma_start3A_56 : memref<640x16xf32, #tpu.memory_space<vmem_shared>>) offsets(%dma_start3A_53 : memref<128xi32, #tpu.memory_space<vmem>>) semaphore(%run_scoped3A_48 : memref<!tpu.dma_semaphore, #tpu.memory_space<semaphore_mem>>) {add = true}
      %dma_wait3A = arith.constant 0 : i32
      %dma_wait3A_57 = arith.constant 0 : i32
      %dma_wait3A_58 = tpu.memref_slice %arg6[%dma_wait3A, %dma_wait3A_57] : memref<640x16xf32, #tpu.memory_space<vmem>> -> memref<128x16xf32, #tpu.memory_space<vmem>>
      %dma_wait3A_59 = arith.constant 0 : i32
      %dma_wait3A_60 = tpu.memref_slice %arg8[%run_scoped3A, %dma_wait3A_59] : memref<5x128xi32, #tpu.memory_space<vmem>> -> memref<1x128xi32, #tpu.memory_space<vmem>>
      %dma_wait3A_61 = tpu.memref_squeeze %dma_wait3A_60 : memref<1x128xi32, #tpu.memory_space<vmem>> -> memref<128xi32, #tpu.memory_space<vmem>>
      %dma_wait3A_62 = arith.constant 0 : i32
      %dma_wait3A_63 = arith.constant 0 : i32
      %dma_wait3A_64 = tpu.memref_slice %arg9[%dma_wait3A_62, %dma_wait3A_63] : memref<640x16xf32, #tpu.memory_space<vmem_shared>> -> memref<640x16xf32, #tpu.memory_space<vmem_shared>>
      tpu.wait_indirect_dma semaphore(%run_scoped3A_48 : memref<!tpu.dma_semaphore, #tpu.memory_space<semaphore_mem>>) src(%dma_wait3A_58 : memref<128x16xf32, #tpu.memory_space<vmem>>) dst(%dma_wait3A_64 : memref<640x16xf32, #tpu.memory_space<vmem_shared>>)
      tpu.yield
    }) : () -> ()
    %run_scoped3A_33 = arith.constant 1 : i32
    "tpu.region"() ({
      %run_scoped3A_48 = tpu.sem_alloc : memref<!tpu.dma_semaphore, #tpu.memory_space<semaphore_mem>>
      %dma_start3A = arith.constant 128 : i32
      %dma_start3A_49 = arith.constant 0 : i32
      %dma_start3A_50 = tpu.memref_slice %arg6[%dma_start3A, %dma_start3A_49] : memref<640x16xf32, #tpu.memory_space<vmem>> -> memref<128x16xf32, #tpu.memory_space<vmem>>
      %dma_start3A_51 = arith.constant 0 : i32
      %dma_start3A_52 = tpu.memref_slice %arg8[%run_scoped3A_33, %dma_start3A_51] : memref<5x128xi32, #tpu.memory_space<vmem>> -> memref<1x128xi32, #tpu.memory_space<vmem>>
      %dma_start3A_53 = tpu.memref_squeeze %dma_start3A_52 : memref<1x128xi32, #tpu.memory_space<vmem>> -> memref<128xi32, #tpu.memory_space<vmem>>
      %dma_start3A_54 = arith.constant 0 : i32
      %dma_start3A_55 = arith.constant 0 : i32
      %dma_start3A_56 = tpu.memref_slice %arg9[%dma_start3A_54, %dma_start3A_55] : memref<640x16xf32, #tpu.memory_space<vmem_shared>> -> memref<640x16xf32, #tpu.memory_space<vmem_shared>>
      tpu.enqueue_indirect_dma source(%dma_start3A_50 : memref<128x16xf32, #tpu.memory_space<vmem>>) target(%dma_start3A_56 : memref<640x16xf32, #tpu.memory_space<vmem_shared>>) offsets(%dma_start3A_53 : memref<128xi32, #tpu.memory_space<vmem>>) semaphore(%run_scoped3A_48 : memref<!tpu.dma_semaphore, #tpu.memory_space<semaphore_mem>>) {add = true}
      %dma_wait3A = arith.constant 128 : i32
      %dma_wait3A_57 = arith.constant 0 : i32
      %dma_wait3A_58 = tpu.memref_slice %arg6[%dma_wait3A, %dma_wait3A_57] : memref<640x16xf32, #tpu.memory_space<vmem>> -> memref<128x16xf32, #tpu.memory_space<vmem>>
      %dma_wait3A_59 = arith.constant 0 : i32
      %dma_wait3A_60 = tpu.memref_slice %arg8[%run_scoped3A_33, %dma_wait3A_59] : memref<5x128xi32, #tpu.memory_space<vmem>> -> memref<1x128xi32, #tpu.memory_space<vmem>>
      %dma_wait3A_61 = tpu.memref_squeeze %dma_wait3A_60 : memref<1x128xi32, #tpu.memory_space<vmem>> -> memref<128xi32, #tpu.memory_space<vmem>>
      %dma_wait3A_62 = arith.constant 0 : i32
      %dma_wait3A_63 = arith.constant 0 : i32
      %dma_wait3A_64 = tpu.memref_slice %arg9[%dma_wait3A_62, %dma_wait3A_63] : memref<640x16xf32, #tpu.memory_space<vmem_shared>> -> memref<640x16xf32, #tpu.memory_space<vmem_shared>>
      tpu.wait_indirect_dma semaphore(%run_scoped3A_48 : memref<!tpu.dma_semaphore, #tpu.memory_space<semaphore_mem>>) src(%dma_wait3A_58 : memref<128x16xf32, #tpu.memory_space<vmem>>) dst(%dma_wait3A_64 : memref<640x16xf32, #tpu.memory_space<vmem_shared>>)
      tpu.yield
    }) : () -> ()
    %run_scoped3A_34 = arith.constant 2 : i32
    "tpu.region"() ({
      %run_scoped3A_48 = tpu.sem_alloc : memref<!tpu.dma_semaphore, #tpu.memory_space<semaphore_mem>>
      %dma_start3A = arith.constant 256 : i32
      %dma_start3A_49 = arith.constant 0 : i32
      %dma_start3A_50 = tpu.memref_slice %arg6[%dma_start3A, %dma_start3A_49] : memref<640x16xf32, #tpu.memory_space<vmem>> -> memref<128x16xf32, #tpu.memory_space<vmem>>
      %dma_start3A_51 = arith.constant 0 : i32
      %dma_start3A_52 = tpu.memref_slice %arg8[%run_scoped3A_34, %dma_start3A_51] : memref<5x128xi32, #tpu.memory_space<vmem>> -> memref<1x128xi32, #tpu.memory_space<vmem>>
      %dma_start3A_53 = tpu.memref_squeeze %dma_start3A_52 : memref<1x128xi32, #tpu.memory_space<vmem>> -> memref<128xi32, #tpu.memory_space<vmem>>
      %dma_start3A_54 = arith.constant 0 : i32
      %dma_start3A_55 = arith.constant 0 : i32
      %dma_start3A_56 = tpu.memref_slice %arg9[%dma_start3A_54, %dma_start3A_55] : memref<640x16xf32, #tpu.memory_space<vmem_shared>> -> memref<640x16xf32, #tpu.memory_space<vmem_shared>>
      tpu.enqueue_indirect_dma source(%dma_start3A_50 : memref<128x16xf32, #tpu.memory_space<vmem>>) target(%dma_start3A_56 : memref<640x16xf32, #tpu.memory_space<vmem_shared>>) offsets(%dma_start3A_53 : memref<128xi32, #tpu.memory_space<vmem>>) semaphore(%run_scoped3A_48 : memref<!tpu.dma_semaphore, #tpu.memory_space<semaphore_mem>>) {add = true}
      %dma_wait3A = arith.constant 256 : i32
      %dma_wait3A_57 = arith.constant 0 : i32
      %dma_wait3A_58 = tpu.memref_slice %arg6[%dma_wait3A, %dma_wait3A_57] : memref<640x16xf32, #tpu.memory_space<vmem>> -> memref<128x16xf32, #tpu.memory_space<vmem>>
      %dma_wait3A_59 = arith.constant 0 : i32
      %dma_wait3A_60 = tpu.memref_slice %arg8[%run_scoped3A_34, %dma_wait3A_59] : memref<5x128xi32, #tpu.memory_space<vmem>> -> memref<1x128xi32, #tpu.memory_space<vmem>>
      %dma_wait3A_61 = tpu.memref_squeeze %dma_wait3A_60 : memref<1x128xi32, #tpu.memory_space<vmem>> -> memref<128xi32, #tpu.memory_space<vmem>>
      %dma_wait3A_62 = arith.constant 0 : i32
      %dma_wait3A_63 = arith.constant 0 : i32
      %dma_wait3A_64 = tpu.memref_slice %arg9[%dma_wait3A_62, %dma_wait3A_63] : memref<640x16xf32, #tpu.memory_space<vmem_shared>> -> memref<640x16xf32, #tpu.memory_space<vmem_shared>>
      tpu.wait_indirect_dma semaphore(%run_scoped3A_48 : memref<!tpu.dma_semaphore, #tpu.memory_space<semaphore_mem>>) src(%dma_wait3A_58 : memref<128x16xf32, #tpu.memory_space<vmem>>) dst(%dma_wait3A_64 : memref<640x16xf32, #tpu.memory_space<vmem_shared>>)
      tpu.yield
    }) : () -> ()
    %run_scoped3A_35 = arith.constant 3 : i32
    "tpu.region"() ({
      %run_scoped3A_48 = tpu.sem_alloc : memref<!tpu.dma_semaphore, #tpu.memory_space<semaphore_mem>>
      %dma_start3A = arith.constant 384 : i32
      %dma_start3A_49 = arith.constant 0 : i32
      %dma_start3A_50 = tpu.memref_slice %arg6[%dma_start3A, %dma_start3A_49] : memref<640x16xf32, #tpu.memory_space<vmem>> -> memref<128x16xf32, #tpu.memory_space<vmem>>
      %dma_start3A_51 = arith.constant 0 : i32
      %dma_start3A_52 = tpu.memref_slice %arg8[%run_scoped3A_35, %dma_start3A_51] : memref<5x128xi32, #tpu.memory_space<vmem>> -> memref<1x128xi32, #tpu.memory_space<vmem>>
      %dma_start3A_53 = tpu.memref_squeeze %dma_start3A_52 : memref<1x128xi32, #tpu.memory_space<vmem>> -> memref<128xi32, #tpu.memory_space<vmem>>
      %dma_start3A_54 = arith.constant 0 : i32
      %dma_start3A_55 = arith.constant 0 : i32
      %dma_start3A_56 = tpu.memref_slice %arg9[%dma_start3A_54, %dma_start3A_55] : memref<640x16xf32, #tpu.memory_space<vmem_shared>> -> memref<640x16xf32, #tpu.memory_space<vmem_shared>>
      tpu.enqueue_indirect_dma source(%dma_start3A_50 : memref<128x16xf32, #tpu.memory_space<vmem>>) target(%dma_start3A_56 : memref<640x16xf32, #tpu.memory_space<vmem_shared>>) offsets(%dma_start3A_53 : memref<128xi32, #tpu.memory_space<vmem>>) semaphore(%run_scoped3A_48 : memref<!tpu.dma_semaphore, #tpu.memory_space<semaphore_mem>>) {add = true}
      %dma_wait3A = arith.constant 384 : i32
      %dma_wait3A_57 = arith.constant 0 : i32
      %dma_wait3A_58 = tpu.memref_slice %arg6[%dma_wait3A, %dma_wait3A_57] : memref<640x16xf32, #tpu.memory_space<vmem>> -> memref<128x16xf32, #tpu.memory_space<vmem>>
      %dma_wait3A_59 = arith.constant 0 : i32
      %dma_wait3A_60 = tpu.memref_slice %arg8[%run_scoped3A_35, %dma_wait3A_59] : memref<5x128xi32, #tpu.memory_space<vmem>> -> memref<1x128xi32, #tpu.memory_space<vmem>>
      %dma_wait3A_61 = tpu.memref_squeeze %dma_wait3A_60 : memref<1x128xi32, #tpu.memory_space<vmem>> -> memref<128xi32, #tpu.memory_space<vmem>>
      %dma_wait3A_62 = arith.constant 0 : i32
      %dma_wait3A_63 = arith.constant 0 : i32
      %dma_wait3A_64 = tpu.memref_slice %arg9[%dma_wait3A_62, %dma_wait3A_63] : memref<640x16xf32, #tpu.memory_space<vmem_shared>> -> memref<640x16xf32, #tpu.memory_space<vmem_shared>>
      tpu.wait_indirect_dma semaphore(%run_scoped3A_48 : memref<!tpu.dma_semaphore, #tpu.memory_space<semaphore_mem>>) src(%dma_wait3A_58 : memref<128x16xf32, #tpu.memory_space<vmem>>) dst(%dma_wait3A_64 : memref<640x16xf32, #tpu.memory_space<vmem_shared>>)
      tpu.yield
    }) : () -> ()
    %run_scoped3A_36 = arith.constant 4 : i32
    "tpu.region"() ({
      %run_scoped3A_48 = tpu.sem_alloc : memref<!tpu.dma_semaphore, #tpu.memory_space<semaphore_mem>>
      %dma_start3A = arith.constant 512 : i32
      %dma_start3A_49 = arith.constant 0 : i32
      %dma_start3A_50 = tpu.memref_slice %arg6[%dma_start3A, %dma_start3A_49] : memref<640x16xf32, #tpu.memory_space<vmem>> -> memref<128x16xf32, #tpu.memory_space<vmem>>
      %dma_start3A_51 = arith.constant 0 : i32
      %dma_start3A_52 = tpu.memref_slice %arg8[%run_scoped3A_36, %dma_start3A_51] : memref<5x128xi32, #tpu.memory_space<vmem>> -> memref<1x128xi32, #tpu.memory_space<vmem>>
      %dma_start3A_53 = tpu.memref_squeeze %dma_start3A_52 : memref<1x128xi32, #tpu.memory_space<vmem>> -> memref<128xi32, #tpu.memory_space<vmem>>
      %dma_start3A_54 = arith.constant 0 : i32
      %dma_start3A_55 = arith.constant 0 : i32
      %dma_start3A_56 = tpu.memref_slice %arg9[%dma_start3A_54, %dma_start3A_55] : memref<640x16xf32, #tpu.memory_space<vmem_shared>> -> memref<640x16xf32, #tpu.memory_space<vmem_shared>>
      tpu.enqueue_indirect_dma source(%dma_start3A_50 : memref<128x16xf32, #tpu.memory_space<vmem>>) target(%dma_start3A_56 : memref<640x16xf32, #tpu.memory_space<vmem_shared>>) offsets(%dma_start3A_53 : memref<128xi32, #tpu.memory_space<vmem>>) semaphore(%run_scoped3A_48 : memref<!tpu.dma_semaphore, #tpu.memory_space<semaphore_mem>>) {add = true}
      %dma_wait3A = arith.constant 512 : i32
      %dma_wait3A_57 = arith.constant 0 : i32
      %dma_wait3A_58 = tpu.memref_slice %arg6[%dma_wait3A, %dma_wait3A_57] : memref<640x16xf32, #tpu.memory_space<vmem>> -> memref<128x16xf32, #tpu.memory_space<vmem>>
      %dma_wait3A_59 = arith.constant 0 : i32
      %dma_wait3A_60 = tpu.memref_slice %arg8[%run_scoped3A_36, %dma_wait3A_59] : memref<5x128xi32, #tpu.memory_space<vmem>> -> memref<1x128xi32, #tpu.memory_space<vmem>>
      %dma_wait3A_61 = tpu.memref_squeeze %dma_wait3A_60 : memref<1x128xi32, #tpu.memory_space<vmem>> -> memref<128xi32, #tpu.memory_space<vmem>>
      %dma_wait3A_62 = arith.constant 0 : i32
      %dma_wait3A_63 = arith.constant 0 : i32
      %dma_wait3A_64 = tpu.memref_slice %arg9[%dma_wait3A_62, %dma_wait3A_63] : memref<640x16xf32, #tpu.memory_space<vmem_shared>> -> memref<640x16xf32, #tpu.memory_space<vmem_shared>>
      tpu.wait_indirect_dma semaphore(%run_scoped3A_48 : memref<!tpu.dma_semaphore, #tpu.memory_space<semaphore_mem>>) src(%dma_wait3A_58 : memref<128x16xf32, #tpu.memory_space<vmem>>) dst(%dma_wait3A_64 : memref<640x16xf32, #tpu.memory_space<vmem_shared>>)
      tpu.yield
    }) : () -> ()
    %barrier3A_37 = arith.constant 0 : index
    tpu.barrier barrier_id(%barrier3A_37)
    %mul3A_38 = arith.constant 40 : i32
    %mul3A_39 = arith.muli %arg1, %mul3A_38 : i32
    "tpu.region"() ({
      %run_scoped3A_48 = tpu.sem_alloc : memref<!tpu.dma_semaphore, #tpu.memory_space<semaphore_mem>>
      %dma_start3A = arith.constant 0 : i32
      %dma_start3A_49 = arith.constant 0 : i32
      %dma_start3A_50 = tpu.memref_slice %arg6[%dma_start3A, %dma_start3A_49] : memref<640x16xf32, #tpu.memory_space<vmem>> -> memref<40x16xf32, #tpu.memory_space<vmem>>
      %dma_start3A_51 = arith.constant 0 : i32
      %dma_start3A_52 = tpu.memref_slice %arg9[%mul3A_39, %dma_start3A_51] : memref<640x16xf32, #tpu.memory_space<vmem_shared>> -> memref<40x16xf32, #tpu.memory_space<vmem_shared>>
      %dma_start3A_53 = arith.constant 0 : i32
      %dma_start3A_54 = arith.constant 0 : i32
      %dma_start3A_55 = tpu.memref_slice %arg6[%dma_start3A_53, %dma_start3A_54] : memref<640x16xf32, #tpu.memory_space<vmem>> -> memref<40x16xf32, #tpu.memory_space<vmem>>
      %dma_start3A_56 = arith.constant 0 : i32
      %dma_start3A_57 = tpu.memref_slice %arg9[%mul3A_39, %dma_start3A_56] : memref<640x16xf32, #tpu.memory_space<vmem_shared>> -> memref<40x16xf32, #tpu.memory_space<vmem_shared>>
      tpu.enqueue_dma source(%dma_start3A_57 : memref<40x16xf32, #tpu.memory_space<vmem_shared>>) target(%dma_start3A_55 : memref<40x16xf32, #tpu.memory_space<vmem>>) target_semaphore(%run_scoped3A_48 : memref<!tpu.dma_semaphore, #tpu.memory_space<semaphore_mem>>)
      %dma_wait3A = arith.constant 0 : i32
      %dma_wait3A_58 = arith.constant 0 : i32
      %dma_wait3A_59 = tpu.memref_slice %arg6[%dma_wait3A, %dma_wait3A_58] : memref<640x16xf32, #tpu.memory_space<vmem>> -> memref<40x16xf32, #tpu.memory_space<vmem>>
      %dma_wait3A_60 = arith.constant 0 : i32
      %dma_wait3A_61 = tpu.memref_slice %arg9[%mul3A_39, %dma_wait3A_60] : memref<640x16xf32, #tpu.memory_space<vmem_shared>> -> memref<40x16xf32, #tpu.memory_space<vmem_shared>>
      %dma_wait3A_62 = arith.constant 0 : i32
      %dma_wait3A_63 = arith.constant 0 : i32
      %dma_wait3A_64 = tpu.memref_slice %arg6[%dma_wait3A_62, %dma_wait3A_63] : memref<640x16xf32, #tpu.memory_space<vmem>> -> memref<40x16xf32, #tpu.memory_space<vmem>>
      %dma_wait3A_65 = arith.constant 0 : i32
      %dma_wait3A_66 = tpu.memref_slice %arg9[%mul3A_39, %dma_wait3A_65] : memref<640x16xf32, #tpu.memory_space<vmem_shared>> -> memref<40x16xf32, #tpu.memory_space<vmem_shared>>
      tpu.wait_dma2 semaphore(%run_scoped3A_48 : memref<!tpu.dma_semaphore, #tpu.memory_space<semaphore_mem>>) src(%dma_wait3A_66 : memref<40x16xf32, #tpu.memory_space<vmem_shared>>) dst(%dma_wait3A_64 : memref<40x16xf32, #tpu.memory_space<vmem>>)
      tpu.yield
    }) : () -> ()
    %scan3A_40 = arith.constant 0 : i32
    %scan3A_41 = arith.constant 0 : i32
    %scan3A_42 = arith.constant 40 : i32
    %scan3A_43 = arith.addi %scan3A_41, %scan3A_42 : i32
    %scan3A_44 = arith.constant 1 : i32
    scf.for %scan3A_48 = %scan3A_41 to %scan3A_43 step %scan3A_44  : i32 {
      %get3A = arith.index_cast %scan3A_48 : i32 to index
      %get3A_49 = arith.constant 0 : index
      %get3A_50 = tpu.vector_load %arg6[%get3A, %get3A_49] {strides = array<i32>} : memref<640x16xf32, #tpu.memory_space<vmem>>, vector<16xf32>,
      %add3A = arith.constant 1.000000e+00 : f32
      %add3A_51 = vector.broadcast %add3A : f32 to vector<16xf32>
      %add3A_52 = arith.addf %get3A_50, %add3A_51 : vector<16xf32>
      %bitcast3A = vector.bitcast %add3A_52 : vector<16xf32> to vector<16xi32>
      %shift_right_arithmetic3A = arith.constant 1 : i32
      %shift_right_arithmetic3A_53 = vector.broadcast %shift_right_arithmetic3A : i32 to vector<16xi32>
      %shift_right_arithmetic3A_54 = arith.shrsi %bitcast3A, %shift_right_arithmetic3A_53 : vector<16xi32>
      %sub3A = arith.constant 1597463007 : i32
      %sub3A_55 = vector.broadcast %sub3A : i32 to vector<16xi32>
      %sub3A_56 = arith.subi %sub3A_55, %shift_right_arithmetic3A_54 : vector<16xi32>
      %bitcast3A_57 = vector.bitcast %sub3A_56 : vector<16xi32> to vector<16xf32>
      %mul3A_58 = arith.constant 5.000000e-01 : f32
      %mul3A_59 = vector.broadcast %mul3A_58 : f32 to vector<16xf32>
      %mul3A_60 = arith.mulf %mul3A_59, %add3A_52 : vector<16xf32>
      %mul3A_61 = arith.mulf %mul3A_60, %bitcast3A_57 : vector<16xf32>
      %mul3A_62 = arith.mulf %mul3A_61, %bitcast3A_57 : vector<16xf32>
      %sub3A_63 = arith.constant 1.500000e+00 : f32
      %sub3A_64 = vector.broadcast %sub3A_63 : f32 to vector<16xf32>
      %sub3A_65 = arith.subf %sub3A_64, %mul3A_62 : vector<16xf32>
      %mul3A_66 = arith.mulf %bitcast3A_57, %sub3A_65 : vector<16xf32>
      %mul3A_67 = arith.constant 5.000000e-01 : f32
      %mul3A_68 = vector.broadcast %mul3A_67 : f32 to vector<16xf32>
      %mul3A_69 = arith.mulf %mul3A_68, %add3A_52 : vector<16xf32>
      %mul3A_70 = arith.mulf %mul3A_69, %mul3A_66 : vector<16xf32>
      %mul3A_71 = arith.mulf %mul3A_70, %mul3A_66 : vector<16xf32>
      %sub3A_72 = arith.constant 1.500000e+00 : f32
      %sub3A_73 = vector.broadcast %sub3A_72 : f32 to vector<16xf32>
      %sub3A_74 = arith.subf %sub3A_73, %mul3A_71 : vector<16xf32>
      %mul3A_75 = arith.mulf %mul3A_66, %sub3A_74 : vector<16xf32>
      %mul3A_76 = arith.constant 5.000000e-01 : f32
      %mul3A_77 = vector.broadcast %mul3A_76 : f32 to vector<16xf32>
      %mul3A_78 = arith.mulf %mul3A_77, %add3A_52 : vector<16xf32>
      %mul3A_79 = arith.mulf %mul3A_78, %mul3A_75 : vector<16xf32>
      %mul3A_80 = arith.mulf %mul3A_79, %mul3A_75 : vector<16xf32>
      %sub3A_81 = arith.constant 1.500000e+00 : f32
      %sub3A_82 = vector.broadcast %sub3A_81 : f32 to vector<16xf32>
      %sub3A_83 = arith.subf %sub3A_82, %mul3A_80 : vector<16xf32>
      %mul3A_84 = arith.mulf %mul3A_75, %sub3A_83 : vector<16xf32>
      %swap3A = arith.index_cast %scan3A_48 : i32 to index
      %swap3A_85 = arith.constant 0 : index
      %swap3A_86 = tpu.vector_load %arg7[%swap3A, %swap3A_85] {strides = array<i32>} : memref<40x16xf32, #tpu.memory_space<vmem>>, vector<16xf32>,
      tpu.vector_store %arg7[%swap3A, %swap3A_85], %mul3A_84 {strides = array<i32>} : memref<40x16xf32, #tpu.memory_space<vmem>>, vector<16xf32>,
    }
    %scan3A_45 = arith.constant 40 : i32
    %mul3A_46 = arith.constant 40 : i32
    %mul3A_47 = arith.muli %arg1, %mul3A_46 : i32
    "tpu.region"() ({
      %run_scoped3A_48 = tpu.sem_alloc : memref<!tpu.dma_semaphore, #tpu.memory_space<semaphore_mem>>
      %dma_start3A = arith.constant 0 : i32
      %dma_start3A_49 = tpu.memref_slice %arg3[%arg0, %mul3A_47, %dma_start3A] : memref<2x640x16xf32, #tpu.memory_space<hbm>> -> memref<1x40x16xf32, #tpu.memory_space<hbm>>
      %dma_start3A_50 = tpu.memref_squeeze %dma_start3A_49 : memref<1x40x16xf32, #tpu.memory_space<hbm>> -> memref<40x16xf32, #tpu.memory_space<hbm>>
      %dma_start3A_51 = arith.constant 0 : i32
      %dma_start3A_52 = tpu.memref_slice %arg3[%arg0, %mul3A_47, %dma_start3A_51] : memref<2x640x16xf32, #tpu.memory_space<hbm>> -> memref<1x40x16xf32, #tpu.memory_space<hbm>>
      %dma_start3A_53 = tpu.memref_squeeze %dma_start3A_52 : memref<1x40x16xf32, #tpu.memory_space<hbm>> -> memref<40x16xf32, #tpu.memory_space<hbm>>
      tpu.enqueue_dma source(%arg7 : memref<40x16xf32, #tpu.memory_space<vmem>>) target(%dma_start3A_53 : memref<40x16xf32, #tpu.memory_space<hbm>>) target_semaphore(%run_scoped3A_48 : memref<!tpu.dma_semaphore, #tpu.memory_space<semaphore_mem>>)
      %dma_wait3A = arith.constant 0 : i32
      %dma_wait3A_54 = tpu.memref_slice %arg3[%arg0, %mul3A_47, %dma_wait3A] : memref<2x640x16xf32, #tpu.memory_space<hbm>> -> memref<1x40x16xf32, #tpu.memory_space<hbm>>
      %dma_wait3A_55 = tpu.memref_squeeze %dma_wait3A_54 : memref<1x40x16xf32, #tpu.memory_space<hbm>> -> memref<40x16xf32, #tpu.memory_space<hbm>>
      %dma_wait3A_56 = arith.constant 0 : i32
      %dma_wait3A_57 = tpu.memref_slice %arg3[%arg0, %mul3A_47, %dma_wait3A_56] : memref<2x640x16xf32, #tpu.memory_space<hbm>> -> memref<1x40x16xf32, #tpu.memory_space<hbm>>
      %dma_wait3A_58 = tpu.memref_squeeze %dma_wait3A_57 : memref<1x40x16xf32, #tpu.memory_space<hbm>> -> memref<40x16xf32, #tpu.memory_space<hbm>>
      tpu.wait_dma2 semaphore(%run_scoped3A_48 : memref<!tpu.dma_semaphore, #tpu.memory_space<semaphore_mem>>) src(%arg7 : memref<40x16xf32, #tpu.memory_space<vmem>>) dst(%dma_wait3A_58 : memref<40x16xf32, #tpu.memory_space<hbm>>)
      tpu.yield
    }) : () -> ()
    return
  }
}

#map = affine_map<(d0, d1) -> (0, 0)>
#map1 = affine_map<(d0, d1) -> (0, 0, 0)>
module attributes {stable_mosaic.version = 14 : i64} {
  func.func @agg(%arg0: i32, %arg1: i32, %arg2: memref<10000x128xf32, #tpu.memory_space<hbm>>, %arg3: memref<32x40x128xi32, #tpu.memory_space<hbm>>, %arg4: memref<32x40x128xi32, #tpu.memory_space<hbm>>, %arg5: memref<2x10000x128xf32, #tpu.memory_space<hbm>>, %arg6: memref<40x128xi32, #tpu.memory_space<vmem>>, %arg7: memref<40x128xi32, #tpu.memory_space<vmem>>, %arg8: memref<128x128xf32, #tpu.memory_space<vmem>>, %arg9: memref<128x128xf32, #tpu.memory_space<vmem>>, %arg10: memref<10128x128xf32, #tpu.memory_space<vmem_shared>>, %arg11: memref<!tpu.dma_semaphore, #tpu.memory_space<semaphore_mem>>, %arg12: memref<!tpu.dma_semaphore, #tpu.memory_space<semaphore_mem>>) attributes {dimension_semantics = [#tpu.dimension_semantics<core_parallel>, #tpu.dimension_semantics<subcore_parallel>], iteration_bounds = array<i64: 2, 16>, scalar_prefetch = 0 : i64, scratch_operands = 7 : i64, tpu.core_type = #tpu.core_type<sc_vector_subcore>, window_params = [{transform_indices = #map}, {transform_indices = #map1}, {transform_indices = #map1}, {transform_indices = #map1}]} {
    %mul3A = arith.constant 16 : i32
    %mul3A_0 = arith.muli %arg0, %mul3A : i32
    %add3A = arith.addi %mul3A_0, %arg1 : i32
    %broadcast_in_dim3A = arith.constant 0.000000e+00 : f32
    %broadcast_in_dim3A_1 = vector.broadcast %broadcast_in_dim3A : f32 to vector<16xf32>
    %scan3A = arith.constant 0 : i32
    %scan3A_2 = arith.constant 0 : i32
    %scan3A_3 = arith.constant 1024 : i32
    %scan3A_4 = arith.addi %scan3A_2, %scan3A_3 : i32
    %scan3A_5 = arith.constant 1 : i32
    scf.for %scan3A_61 = %scan3A_2 to %scan3A_4 step %scan3A_5  : i32 {
      %jit3A = arith.constant 8 : i32
      %div3A = arith.divsi %scan3A_61, %jit3A : i32
      %sign3A = arith.constant 0 : i32
      %sign3A_62 = arith.cmpi sgt, %scan3A_61, %sign3A : i32
      %sign3A_63 = arith.extui %sign3A_62 : i1 to i32
      %sign3A_64 = arith.constant 0 : i32
      %sign3A_65 = arith.cmpi slt, %scan3A_61, %sign3A_64 : i32
      %sign3A_66 = arith.extui %sign3A_65 : i1 to i32
      %sign3A_67 = arith.subi %sign3A_63, %sign3A_66 : i32
      %sign3A_68 = arith.constant 0 : i32
      %sign3A_69 = arith.cmpi sgt, %jit3A, %sign3A_68 : i32
      %sign3A_70 = arith.extui %sign3A_69 : i1 to i32
      %sign3A_71 = arith.constant 0 : i32
      %sign3A_72 = arith.cmpi slt, %jit3A, %sign3A_71 : i32
      %sign3A_73 = arith.extui %sign3A_72 : i1 to i32
      %sign3A_74 = arith.subi %sign3A_70, %sign3A_73 : i32
      %ne3A = arith.cmpi ne, %sign3A_67, %sign3A_74 : i32
      %rem3A = arith.remsi %scan3A_61, %jit3A : i32
      %ne3A_75 = arith.constant 0 : i32
      %ne3A_76 = arith.cmpi ne, %rem3A, %ne3A_75 : i32
      %and3A = arith.andi %ne3A, %ne3A_76 : i1
      %sub3A = arith.constant 1 : i32
      %sub3A_77 = arith.subi %div3A, %sub3A : i32
      %select_n3A = arith.select %and3A, %sub3A_77, %div3A : i32
      %jit3A_78 = arith.constant 8 : i32
      %eq3A_79 = arith.constant 0 : i32
      %eq3A_80 = arith.cmpi eq, %jit3A_78, %eq3A_79 : i32
      %jit3A_81 = arith.constant 1 : i32
      %select_n3A_82 = arith.select %eq3A_80, %jit3A_81, %jit3A_78 : i32
      %rem3A_83 = arith.remsi %scan3A_61, %select_n3A_82 : i32
      %ne3A_84 = arith.constant 0 : i32
      %ne3A_85 = arith.cmpi ne, %rem3A_83, %ne3A_84 : i32
      %lt3A = arith.constant 0 : i32
      %lt3A_86 = arith.cmpi slt, %rem3A_83, %lt3A : i32
      %lt3A_87 = arith.constant 0 : i32
      %lt3A_88 = arith.cmpi slt, %select_n3A_82, %lt3A_87 : i32
      %ne3A_89 = arith.xori %lt3A_86, %lt3A_88 : i1
      %and3A_90 = arith.andi %ne3A_89, %ne3A_85 : i1
      %add3A_91 = arith.addi %rem3A_83, %select_n3A_82 : i32
      %select_n3A_92 = arith.select %and3A_90, %add3A_91, %rem3A_83 : i32
      %mul3A_93 = arith.constant 16 : i32
      %mul3A_94 = arith.muli %select_n3A_92, %mul3A_93 : i32
      %swap3A = arith.index_cast %select_n3A : i32 to index
      %swap3A_95 = arith.index_cast %mul3A_94 : i32 to index
      %swap3A_96 = tpu.vector_load %arg8[%swap3A, %swap3A_95] {strides = array<i32>} : memref<128x128xf32, #tpu.memory_space<vmem>>, vector<16xf32>,
      tpu.vector_store %arg8[%swap3A, %swap3A_95], %broadcast_in_dim3A_1 {strides = array<i32>} : memref<128x128xf32, #tpu.memory_space<vmem>>, vector<16xf32>,
    }
    %scan3A_6 = arith.constant 1024 : i32
    %mul3A_7 = arith.constant 624 : i32
    %mul3A_8 = arith.muli %arg1, %mul3A_7 : i32
    %add3A_9 = arith.constant 0 : i32
    %add3A_10 = arith.addi %mul3A_8, %add3A_9 : i32
    "tpu.region"() ({
      %run_scoped3A = tpu.sem_alloc : memref<!tpu.dma_semaphore, #tpu.memory_space<semaphore_mem>>
      %dma_start3A = arith.constant 0 : i32
      %dma_start3A_61 = arith.constant 0 : i32
      %dma_start3A_62 = tpu.memref_slice %arg8[%dma_start3A, %dma_start3A_61] : memref<128x128xf32, #tpu.memory_space<vmem>> -> memref<128x128xf32, #tpu.memory_space<vmem>>
      %dma_start3A_63 = arith.constant 0 : i32
      %dma_start3A_64 = tpu.memref_slice %arg10[%add3A_10, %dma_start3A_63] : memref<10128x128xf32, #tpu.memory_space<vmem_shared>> -> memref<128x128xf32, #tpu.memory_space<vmem_shared>>
      %dma_start3A_65 = arith.constant 0 : i32
      %dma_start3A_66 = tpu.memref_slice %arg10[%add3A_10, %dma_start3A_65] : memref<10128x128xf32, #tpu.memory_space<vmem_shared>> -> memref<128x128xf32, #tpu.memory_space<vmem_shared>>
      %dma_start3A_67 = arith.constant 0 : i32
      %dma_start3A_68 = arith.constant 0 : i32
      %dma_start3A_69 = tpu.memref_slice %arg8[%dma_start3A_67, %dma_start3A_68] : memref<128x128xf32, #tpu.memory_space<vmem>> -> memref<128x128xf32, #tpu.memory_space<vmem>>
      tpu.enqueue_dma source(%dma_start3A_69 : memref<128x128xf32, #tpu.memory_space<vmem>>) target(%dma_start3A_66 : memref<128x128xf32, #tpu.memory_space<vmem_shared>>) target_semaphore(%run_scoped3A : memref<!tpu.dma_semaphore, #tpu.memory_space<semaphore_mem>>)
      %dma_wait3A = arith.constant 0 : i32
      %dma_wait3A_70 = arith.constant 0 : i32
      %dma_wait3A_71 = tpu.memref_slice %arg8[%dma_wait3A, %dma_wait3A_70] : memref<128x128xf32, #tpu.memory_space<vmem>> -> memref<128x128xf32, #tpu.memory_space<vmem>>
      %dma_wait3A_72 = arith.constant 0 : i32
      %dma_wait3A_73 = tpu.memref_slice %arg10[%add3A_10, %dma_wait3A_72] : memref<10128x128xf32, #tpu.memory_space<vmem_shared>> -> memref<128x128xf32, #tpu.memory_space<vmem_shared>>
      %dma_wait3A_74 = arith.constant 0 : i32
      %dma_wait3A_75 = tpu.memref_slice %arg10[%add3A_10, %dma_wait3A_74] : memref<10128x128xf32, #tpu.memory_space<vmem_shared>> -> memref<128x128xf32, #tpu.memory_space<vmem_shared>>
      %dma_wait3A_76 = arith.constant 0 : i32
      %dma_wait3A_77 = arith.constant 0 : i32
      %dma_wait3A_78 = tpu.memref_slice %arg8[%dma_wait3A_76, %dma_wait3A_77] : memref<128x128xf32, #tpu.memory_space<vmem>> -> memref<128x128xf32, #tpu.memory_space<vmem>>
      tpu.wait_dma2 semaphore(%run_scoped3A : memref<!tpu.dma_semaphore, #tpu.memory_space<semaphore_mem>>) src(%dma_wait3A_78 : memref<128x128xf32, #tpu.memory_space<vmem>>) dst(%dma_wait3A_75 : memref<128x128xf32, #tpu.memory_space<vmem_shared>>)
      tpu.yield
    }) : () -> ()
    %mul3A_11 = arith.constant 624 : i32
    %mul3A_12 = arith.muli %arg1, %mul3A_11 : i32
    %add3A_13 = arith.constant 128 : i32
    %add3A_14 = arith.addi %mul3A_12, %add3A_13 : i32
    "tpu.region"() ({
      %run_scoped3A = tpu.sem_alloc : memref<!tpu.dma_semaphore, #tpu.memory_space<semaphore_mem>>
      %dma_start3A = arith.constant 0 : i32
      %dma_start3A_61 = arith.constant 0 : i32
      %dma_start3A_62 = tpu.memref_slice %arg8[%dma_start3A, %dma_start3A_61] : memref<128x128xf32, #tpu.memory_space<vmem>> -> memref<128x128xf32, #tpu.memory_space<vmem>>
      %dma_start3A_63 = arith.constant 0 : i32
      %dma_start3A_64 = tpu.memref_slice %arg10[%add3A_14, %dma_start3A_63] : memref<10128x128xf32, #tpu.memory_space<vmem_shared>> -> memref<128x128xf32, #tpu.memory_space<vmem_shared>>
      %dma_start3A_65 = arith.constant 0 : i32
      %dma_start3A_66 = tpu.memref_slice %arg10[%add3A_14, %dma_start3A_65] : memref<10128x128xf32, #tpu.memory_space<vmem_shared>> -> memref<128x128xf32, #tpu.memory_space<vmem_shared>>
      %dma_start3A_67 = arith.constant 0 : i32
      %dma_start3A_68 = arith.constant 0 : i32
      %dma_start3A_69 = tpu.memref_slice %arg8[%dma_start3A_67, %dma_start3A_68] : memref<128x128xf32, #tpu.memory_space<vmem>> -> memref<128x128xf32, #tpu.memory_space<vmem>>
      tpu.enqueue_dma source(%dma_start3A_69 : memref<128x128xf32, #tpu.memory_space<vmem>>) target(%dma_start3A_66 : memref<128x128xf32, #tpu.memory_space<vmem_shared>>) target_semaphore(%run_scoped3A : memref<!tpu.dma_semaphore, #tpu.memory_space<semaphore_mem>>)
      %dma_wait3A = arith.constant 0 : i32
      %dma_wait3A_70 = arith.constant 0 : i32
      %dma_wait3A_71 = tpu.memref_slice %arg8[%dma_wait3A, %dma_wait3A_70] : memref<128x128xf32, #tpu.memory_space<vmem>> -> memref<128x128xf32, #tpu.memory_space<vmem>>
      %dma_wait3A_72 = arith.constant 0 : i32
      %dma_wait3A_73 = tpu.memref_slice %arg10[%add3A_14, %dma_wait3A_72] : memref<10128x128xf32, #tpu.memory_space<vmem_shared>> -> memref<128x128xf32, #tpu.memory_space<vmem_shared>>
      %dma_wait3A_74 = arith.constant 0 : i32
      %dma_wait3A_75 = tpu.memref_slice %arg10[%add3A_14, %dma_wait3A_74] : memref<10128x128xf32, #tpu.memory_space<vmem_shared>> -> memref<128x128xf32, #tpu.memory_space<vmem_shared>>
      %dma_wait3A_76 = arith.constant 0 : i32
      %dma_wait3A_77 = arith.constant 0 : i32
      %dma_wait3A_78 = tpu.memref_slice %arg8[%dma_wait3A_76, %dma_wait3A_77] : memref<128x128xf32, #tpu.memory_space<vmem>> -> memref<128x128xf32, #tpu.memory_space<vmem>>
      tpu.wait_dma2 semaphore(%run_scoped3A : memref<!tpu.dma_semaphore, #tpu.memory_space<semaphore_mem>>) src(%dma_wait3A_78 : memref<128x128xf32, #tpu.memory_space<vmem>>) dst(%dma_wait3A_75 : memref<128x128xf32, #tpu.memory_space<vmem_shared>>)
      tpu.yield
    }) : () -> ()
    %mul3A_15 = arith.constant 624 : i32
    %mul3A_16 = arith.muli %arg1, %mul3A_15 : i32
    %add3A_17 = arith.constant 256 : i32
    %add3A_18 = arith.addi %mul3A_16, %add3A_17 : i32
    "tpu.region"() ({
      %run_scoped3A = tpu.sem_alloc : memref<!tpu.dma_semaphore, #tpu.memory_space<semaphore_mem>>
      %dma_start3A = arith.constant 0 : i32
      %dma_start3A_61 = arith.constant 0 : i32
      %dma_start3A_62 = tpu.memref_slice %arg8[%dma_start3A, %dma_start3A_61] : memref<128x128xf32, #tpu.memory_space<vmem>> -> memref<128x128xf32, #tpu.memory_space<vmem>>
      %dma_start3A_63 = arith.constant 0 : i32
      %dma_start3A_64 = tpu.memref_slice %arg10[%add3A_18, %dma_start3A_63] : memref<10128x128xf32, #tpu.memory_space<vmem_shared>> -> memref<128x128xf32, #tpu.memory_space<vmem_shared>>
      %dma_start3A_65 = arith.constant 0 : i32
      %dma_start3A_66 = tpu.memref_slice %arg10[%add3A_18, %dma_start3A_65] : memref<10128x128xf32, #tpu.memory_space<vmem_shared>> -> memref<128x128xf32, #tpu.memory_space<vmem_shared>>
      %dma_start3A_67 = arith.constant 0 : i32
      %dma_start3A_68 = arith.constant 0 : i32
      %dma_start3A_69 = tpu.memref_slice %arg8[%dma_start3A_67, %dma_start3A_68] : memref<128x128xf32, #tpu.memory_space<vmem>> -> memref<128x128xf32, #tpu.memory_space<vmem>>
      tpu.enqueue_dma source(%dma_start3A_69 : memref<128x128xf32, #tpu.memory_space<vmem>>) target(%dma_start3A_66 : memref<128x128xf32, #tpu.memory_space<vmem_shared>>) target_semaphore(%run_scoped3A : memref<!tpu.dma_semaphore, #tpu.memory_space<semaphore_mem>>)
      %dma_wait3A = arith.constant 0 : i32
      %dma_wait3A_70 = arith.constant 0 : i32
      %dma_wait3A_71 = tpu.memref_slice %arg8[%dma_wait3A, %dma_wait3A_70] : memref<128x128xf32, #tpu.memory_space<vmem>> -> memref<128x128xf32, #tpu.memory_space<vmem>>
      %dma_wait3A_72 = arith.constant 0 : i32
      %dma_wait3A_73 = tpu.memref_slice %arg10[%add3A_18, %dma_wait3A_72] : memref<10128x128xf32, #tpu.memory_space<vmem_shared>> -> memref<128x128xf32, #tpu.memory_space<vmem_shared>>
      %dma_wait3A_74 = arith.constant 0 : i32
      %dma_wait3A_75 = tpu.memref_slice %arg10[%add3A_18, %dma_wait3A_74] : memref<10128x128xf32, #tpu.memory_space<vmem_shared>> -> memref<128x128xf32, #tpu.memory_space<vmem_shared>>
      %dma_wait3A_76 = arith.constant 0 : i32
      %dma_wait3A_77 = arith.constant 0 : i32
      %dma_wait3A_78 = tpu.memref_slice %arg8[%dma_wait3A_76, %dma_wait3A_77] : memref<128x128xf32, #tpu.memory_space<vmem>> -> memref<128x128xf32, #tpu.memory_space<vmem>>
      tpu.wait_dma2 semaphore(%run_scoped3A : memref<!tpu.dma_semaphore, #tpu.memory_space<semaphore_mem>>) src(%dma_wait3A_78 : memref<128x128xf32, #tpu.memory_space<vmem>>) dst(%dma_wait3A_75 : memref<128x128xf32, #tpu.memory_space<vmem_shared>>)
      tpu.yield
    }) : () -> ()
    %mul3A_19 = arith.constant 624 : i32
    %mul3A_20 = arith.muli %arg1, %mul3A_19 : i32
    %add3A_21 = arith.constant 384 : i32
    %add3A_22 = arith.addi %mul3A_20, %add3A_21 : i32
    "tpu.region"() ({
      %run_scoped3A = tpu.sem_alloc : memref<!tpu.dma_semaphore, #tpu.memory_space<semaphore_mem>>
      %dma_start3A = arith.constant 0 : i32
      %dma_start3A_61 = arith.constant 0 : i32
      %dma_start3A_62 = tpu.memref_slice %arg8[%dma_start3A, %dma_start3A_61] : memref<128x128xf32, #tpu.memory_space<vmem>> -> memref<128x128xf32, #tpu.memory_space<vmem>>
      %dma_start3A_63 = arith.constant 0 : i32
      %dma_start3A_64 = tpu.memref_slice %arg10[%add3A_22, %dma_start3A_63] : memref<10128x128xf32, #tpu.memory_space<vmem_shared>> -> memref<128x128xf32, #tpu.memory_space<vmem_shared>>
      %dma_start3A_65 = arith.constant 0 : i32
      %dma_start3A_66 = tpu.memref_slice %arg10[%add3A_22, %dma_start3A_65] : memref<10128x128xf32, #tpu.memory_space<vmem_shared>> -> memref<128x128xf32, #tpu.memory_space<vmem_shared>>
      %dma_start3A_67 = arith.constant 0 : i32
      %dma_start3A_68 = arith.constant 0 : i32
      %dma_start3A_69 = tpu.memref_slice %arg8[%dma_start3A_67, %dma_start3A_68] : memref<128x128xf32, #tpu.memory_space<vmem>> -> memref<128x128xf32, #tpu.memory_space<vmem>>
      tpu.enqueue_dma source(%dma_start3A_69 : memref<128x128xf32, #tpu.memory_space<vmem>>) target(%dma_start3A_66 : memref<128x128xf32, #tpu.memory_space<vmem_shared>>) target_semaphore(%run_scoped3A : memref<!tpu.dma_semaphore, #tpu.memory_space<semaphore_mem>>)
      %dma_wait3A = arith.constant 0 : i32
      %dma_wait3A_70 = arith.constant 0 : i32
      %dma_wait3A_71 = tpu.memref_slice %arg8[%dma_wait3A, %dma_wait3A_70] : memref<128x128xf32, #tpu.memory_space<vmem>> -> memref<128x128xf32, #tpu.memory_space<vmem>>
      %dma_wait3A_72 = arith.constant 0 : i32
      %dma_wait3A_73 = tpu.memref_slice %arg10[%add3A_22, %dma_wait3A_72] : memref<10128x128xf32, #tpu.memory_space<vmem_shared>> -> memref<128x128xf32, #tpu.memory_space<vmem_shared>>
      %dma_wait3A_74 = arith.constant 0 : i32
      %dma_wait3A_75 = tpu.memref_slice %arg10[%add3A_22, %dma_wait3A_74] : memref<10128x128xf32, #tpu.memory_space<vmem_shared>> -> memref<128x128xf32, #tpu.memory_space<vmem_shared>>
      %dma_wait3A_76 = arith.constant 0 : i32
      %dma_wait3A_77 = arith.constant 0 : i32
      %dma_wait3A_78 = tpu.memref_slice %arg8[%dma_wait3A_76, %dma_wait3A_77] : memref<128x128xf32, #tpu.memory_space<vmem>> -> memref<128x128xf32, #tpu.memory_space<vmem>>
      tpu.wait_dma2 semaphore(%run_scoped3A : memref<!tpu.dma_semaphore, #tpu.memory_space<semaphore_mem>>) src(%dma_wait3A_78 : memref<128x128xf32, #tpu.memory_space<vmem>>) dst(%dma_wait3A_75 : memref<128x128xf32, #tpu.memory_space<vmem_shared>>)
      tpu.yield
    }) : () -> ()
    %mul3A_23 = arith.constant 624 : i32
    %mul3A_24 = arith.muli %arg1, %mul3A_23 : i32
    %add3A_25 = arith.constant 512 : i32
    %add3A_26 = arith.addi %mul3A_24, %add3A_25 : i32
    "tpu.region"() ({
      %run_scoped3A = tpu.sem_alloc : memref<!tpu.dma_semaphore, #tpu.memory_space<semaphore_mem>>
      %dma_start3A = arith.constant 0 : i32
      %dma_start3A_61 = arith.constant 0 : i32
      %dma_start3A_62 = tpu.memref_slice %arg8[%dma_start3A, %dma_start3A_61] : memref<128x128xf32, #tpu.memory_space<vmem>> -> memref<112x128xf32, #tpu.memory_space<vmem>>
      %dma_start3A_63 = arith.constant 0 : i32
      %dma_start3A_64 = tpu.memref_slice %arg10[%add3A_26, %dma_start3A_63] : memref<10128x128xf32, #tpu.memory_space<vmem_shared>> -> memref<112x128xf32, #tpu.memory_space<vmem_shared>>
      %dma_start3A_65 = arith.constant 0 : i32
      %dma_start3A_66 = tpu.memref_slice %arg10[%add3A_26, %dma_start3A_65] : memref<10128x128xf32, #tpu.memory_space<vmem_shared>> -> memref<112x128xf32, #tpu.memory_space<vmem_shared>>
      %dma_start3A_67 = arith.constant 0 : i32
      %dma_start3A_68 = arith.constant 0 : i32
      %dma_start3A_69 = tpu.memref_slice %arg8[%dma_start3A_67, %dma_start3A_68] : memref<128x128xf32, #tpu.memory_space<vmem>> -> memref<112x128xf32, #tpu.memory_space<vmem>>
      tpu.enqueue_dma source(%dma_start3A_69 : memref<112x128xf32, #tpu.memory_space<vmem>>) target(%dma_start3A_66 : memref<112x128xf32, #tpu.memory_space<vmem_shared>>) target_semaphore(%run_scoped3A : memref<!tpu.dma_semaphore, #tpu.memory_space<semaphore_mem>>)
      %dma_wait3A = arith.constant 0 : i32
      %dma_wait3A_70 = arith.constant 0 : i32
      %dma_wait3A_71 = tpu.memref_slice %arg8[%dma_wait3A, %dma_wait3A_70] : memref<128x128xf32, #tpu.memory_space<vmem>> -> memref<112x128xf32, #tpu.memory_space<vmem>>
      %dma_wait3A_72 = arith.constant 0 : i32
      %dma_wait3A_73 = tpu.memref_slice %arg10[%add3A_26, %dma_wait3A_72] : memref<10128x128xf32, #tpu.memory_space<vmem_shared>> -> memref<112x128xf32, #tpu.memory_space<vmem_shared>>
      %dma_wait3A_74 = arith.constant 0 : i32
      %dma_wait3A_75 = tpu.memref_slice %arg10[%add3A_26, %dma_wait3A_74] : memref<10128x128xf32, #tpu.memory_space<vmem_shared>> -> memref<112x128xf32, #tpu.memory_space<vmem_shared>>
      %dma_wait3A_76 = arith.constant 0 : i32
      %dma_wait3A_77 = arith.constant 0 : i32
      %dma_wait3A_78 = tpu.memref_slice %arg8[%dma_wait3A_76, %dma_wait3A_77] : memref<128x128xf32, #tpu.memory_space<vmem>> -> memref<112x128xf32, #tpu.memory_space<vmem>>
      tpu.wait_dma2 semaphore(%run_scoped3A : memref<!tpu.dma_semaphore, #tpu.memory_space<semaphore_mem>>) src(%dma_wait3A_78 : memref<112x128xf32, #tpu.memory_space<vmem>>) dst(%dma_wait3A_75 : memref<112x128xf32, #tpu.memory_space<vmem_shared>>)
      tpu.yield
    }) : () -> ()
    %eq3A = arith.constant 0 : i32
    %eq3A_27 = arith.cmpi eq, %arg1, %eq3A : i32
    %convert_element_type3A = arith.extui %eq3A_27 : i1 to i32
    %cond3A = arith.constant 0 : i32
    %cond3A_28 = arith.cmpi ne, %convert_element_type3A, %cond3A : i32
    scf.if %cond3A_28 {
      "tpu.region"() ({
        %run_scoped3A = tpu.sem_alloc : memref<!tpu.dma_semaphore, #tpu.memory_space<semaphore_mem>>
        %dma_start3A = arith.constant 0 : i32
        %dma_start3A_61 = arith.constant 0 : i32
        %dma_start3A_62 = tpu.memref_slice %arg8[%dma_start3A, %dma_start3A_61] : memref<128x128xf32, #tpu.memory_space<vmem>> -> memref<16x128xf32, #tpu.memory_space<vmem>>
        %dma_start3A_63 = arith.constant 9984 : i32
        %dma_start3A_64 = arith.constant 0 : i32
        %dma_start3A_65 = tpu.memref_slice %arg10[%dma_start3A_63, %dma_start3A_64] : memref<10128x128xf32, #tpu.memory_space<vmem_shared>> -> memref<16x128xf32, #tpu.memory_space<vmem_shared>>
        %dma_start3A_66 = arith.constant 9984 : i32
        %dma_start3A_67 = arith.constant 0 : i32
        %dma_start3A_68 = tpu.memref_slice %arg10[%dma_start3A_66, %dma_start3A_67] : memref<10128x128xf32, #tpu.memory_space<vmem_shared>> -> memref<16x128xf32, #tpu.memory_space<vmem_shared>>
        %dma_start3A_69 = arith.constant 0 : i32
        %dma_start3A_70 = arith.constant 0 : i32
        %dma_start3A_71 = tpu.memref_slice %arg8[%dma_start3A_69, %dma_start3A_70] : memref<128x128xf32, #tpu.memory_space<vmem>> -> memref<16x128xf32, #tpu.memory_space<vmem>>
        tpu.enqueue_dma source(%dma_start3A_71 : memref<16x128xf32, #tpu.memory_space<vmem>>) target(%dma_start3A_68 : memref<16x128xf32, #tpu.memory_space<vmem_shared>>) target_semaphore(%run_scoped3A : memref<!tpu.dma_semaphore, #tpu.memory_space<semaphore_mem>>)
        %dma_wait3A = arith.constant 0 : i32
        %dma_wait3A_72 = arith.constant 0 : i32
        %dma_wait3A_73 = tpu.memref_slice %arg8[%dma_wait3A, %dma_wait3A_72] : memref<128x128xf32, #tpu.memory_space<vmem>> -> memref<16x128xf32, #tpu.memory_space<vmem>>
        %dma_wait3A_74 = arith.constant 9984 : i32
        %dma_wait3A_75 = arith.constant 0 : i32
        %dma_wait3A_76 = tpu.memref_slice %arg10[%dma_wait3A_74, %dma_wait3A_75] : memref<10128x128xf32, #tpu.memory_space<vmem_shared>> -> memref<16x128xf32, #tpu.memory_space<vmem_shared>>
        %dma_wait3A_77 = arith.constant 9984 : i32
        %dma_wait3A_78 = arith.constant 0 : i32
        %dma_wait3A_79 = tpu.memref_slice %arg10[%dma_wait3A_77, %dma_wait3A_78] : memref<10128x128xf32, #tpu.memory_space<vmem_shared>> -> memref<16x128xf32, #tpu.memory_space<vmem_shared>>
        %dma_wait3A_80 = arith.constant 0 : i32
        %dma_wait3A_81 = arith.constant 0 : i32
        %dma_wait3A_82 = tpu.memref_slice %arg8[%dma_wait3A_80, %dma_wait3A_81] : memref<128x128xf32, #tpu.memory_space<vmem>> -> memref<16x128xf32, #tpu.memory_space<vmem>>
        tpu.wait_dma2 semaphore(%run_scoped3A : memref<!tpu.dma_semaphore, #tpu.memory_space<semaphore_mem>>) src(%dma_wait3A_82 : memref<16x128xf32, #tpu.memory_space<vmem>>) dst(%dma_wait3A_79 : memref<16x128xf32, #tpu.memory_space<vmem_shared>>)
        tpu.yield
      }) : () -> ()
    } else {
    }
    "tpu.region"() ({
      %run_scoped3A = tpu.sem_alloc : memref<!tpu.dma_semaphore, #tpu.memory_space<semaphore_mem>>
      %dma_start3A = arith.constant 0 : i32
      %dma_start3A_61 = arith.constant 0 : i32
      %dma_start3A_62 = tpu.memref_slice %arg3[%add3A, %dma_start3A, %dma_start3A_61] : memref<32x40x128xi32, #tpu.memory_space<hbm>> -> memref<1x40x128xi32, #tpu.memory_space<hbm>>
      %dma_start3A_63 = tpu.memref_squeeze %dma_start3A_62 : memref<1x40x128xi32, #tpu.memory_space<hbm>> -> memref<40x128xi32, #tpu.memory_space<hbm>>
      %dma_start3A_64 = arith.constant 0 : i32
      %dma_start3A_65 = arith.constant 0 : i32
      %dma_start3A_66 = tpu.memref_slice %arg3[%add3A, %dma_start3A_64, %dma_start3A_65] : memref<32x40x128xi32, #tpu.memory_space<hbm>> -> memref<1x40x128xi32, #tpu.memory_space<hbm>>
      %dma_start3A_67 = tpu.memref_squeeze %dma_start3A_66 : memref<1x40x128xi32, #tpu.memory_space<hbm>> -> memref<40x128xi32, #tpu.memory_space<hbm>>
      tpu.enqueue_dma source(%dma_start3A_67 : memref<40x128xi32, #tpu.memory_space<hbm>>) target(%arg6 : memref<40x128xi32, #tpu.memory_space<vmem>>) target_semaphore(%run_scoped3A : memref<!tpu.dma_semaphore, #tpu.memory_space<semaphore_mem>>)
      %dma_wait3A = arith.constant 0 : i32
      %dma_wait3A_68 = arith.constant 0 : i32
      %dma_wait3A_69 = tpu.memref_slice %arg3[%add3A, %dma_wait3A, %dma_wait3A_68] : memref<32x40x128xi32, #tpu.memory_space<hbm>> -> memref<1x40x128xi32, #tpu.memory_space<hbm>>
      %dma_wait3A_70 = tpu.memref_squeeze %dma_wait3A_69 : memref<1x40x128xi32, #tpu.memory_space<hbm>> -> memref<40x128xi32, #tpu.memory_space<hbm>>
      %dma_wait3A_71 = arith.constant 0 : i32
      %dma_wait3A_72 = arith.constant 0 : i32
      %dma_wait3A_73 = tpu.memref_slice %arg3[%add3A, %dma_wait3A_71, %dma_wait3A_72] : memref<32x40x128xi32, #tpu.memory_space<hbm>> -> memref<1x40x128xi32, #tpu.memory_space<hbm>>
      %dma_wait3A_74 = tpu.memref_squeeze %dma_wait3A_73 : memref<1x40x128xi32, #tpu.memory_space<hbm>> -> memref<40x128xi32, #tpu.memory_space<hbm>>
      tpu.wait_dma2 semaphore(%run_scoped3A : memref<!tpu.dma_semaphore, #tpu.memory_space<semaphore_mem>>) src(%dma_wait3A_74 : memref<40x128xi32, #tpu.memory_space<hbm>>) dst(%arg6 : memref<40x128xi32, #tpu.memory_space<vmem>>)
      tpu.yield
    }) : () -> ()
    "tpu.region"() ({
      %run_scoped3A = tpu.sem_alloc : memref<!tpu.dma_semaphore, #tpu.memory_space<semaphore_mem>>
      %dma_start3A = arith.constant 0 : i32
      %dma_start3A_61 = arith.constant 0 : i32
      %dma_start3A_62 = tpu.memref_slice %arg4[%add3A, %dma_start3A, %dma_start3A_61] : memref<32x40x128xi32, #tpu.memory_space<hbm>> -> memref<1x40x128xi32, #tpu.memory_space<hbm>>
      %dma_start3A_63 = tpu.memref_squeeze %dma_start3A_62 : memref<1x40x128xi32, #tpu.memory_space<hbm>> -> memref<40x128xi32, #tpu.memory_space<hbm>>
      %dma_start3A_64 = arith.constant 0 : i32
      %dma_start3A_65 = arith.constant 0 : i32
      %dma_start3A_66 = tpu.memref_slice %arg4[%add3A, %dma_start3A_64, %dma_start3A_65] : memref<32x40x128xi32, #tpu.memory_space<hbm>> -> memref<1x40x128xi32, #tpu.memory_space<hbm>>
      %dma_start3A_67 = tpu.memref_squeeze %dma_start3A_66 : memref<1x40x128xi32, #tpu.memory_space<hbm>> -> memref<40x128xi32, #tpu.memory_space<hbm>>
      tpu.enqueue_dma source(%dma_start3A_67 : memref<40x128xi32, #tpu.memory_space<hbm>>) target(%arg7 : memref<40x128xi32, #tpu.memory_space<vmem>>) target_semaphore(%run_scoped3A : memref<!tpu.dma_semaphore, #tpu.memory_space<semaphore_mem>>)
      %dma_wait3A = arith.constant 0 : i32
      %dma_wait3A_68 = arith.constant 0 : i32
      %dma_wait3A_69 = tpu.memref_slice %arg4[%add3A, %dma_wait3A, %dma_wait3A_68] : memref<32x40x128xi32, #tpu.memory_space<hbm>> -> memref<1x40x128xi32, #tpu.memory_space<hbm>>
      %dma_wait3A_70 = tpu.memref_squeeze %dma_wait3A_69 : memref<1x40x128xi32, #tpu.memory_space<hbm>> -> memref<40x128xi32, #tpu.memory_space<hbm>>
      %dma_wait3A_71 = arith.constant 0 : i32
      %dma_wait3A_72 = arith.constant 0 : i32
      %dma_wait3A_73 = tpu.memref_slice %arg4[%add3A, %dma_wait3A_71, %dma_wait3A_72] : memref<32x40x128xi32, #tpu.memory_space<hbm>> -> memref<1x40x128xi32, #tpu.memory_space<hbm>>
      %dma_wait3A_74 = tpu.memref_squeeze %dma_wait3A_73 : memref<1x40x128xi32, #tpu.memory_space<hbm>> -> memref<40x128xi32, #tpu.memory_space<hbm>>
      tpu.wait_dma2 semaphore(%run_scoped3A : memref<!tpu.dma_semaphore, #tpu.memory_space<semaphore_mem>>) src(%dma_wait3A_74 : memref<40x128xi32, #tpu.memory_space<hbm>>) dst(%arg7 : memref<40x128xi32, #tpu.memory_space<vmem>>)
      tpu.yield
    }) : () -> ()
    %barrier3A = arith.constant 0 : index
    tpu.barrier barrier_id(%barrier3A)
    %scan3A_29 = arith.constant 0 : i32
    %scan3A_30 = arith.constant 0 : i32
    %scan3A_31 = arith.constant 20 : i32
    %scan3A_32 = arith.addi %scan3A_30, %scan3A_31 : i32
    %scan3A_33 = arith.constant 1 : i32
    scf.for %scan3A_61 = %scan3A_30 to %scan3A_32 step %scan3A_33  : i32 {
      %mul3A_62 = arith.constant 2 : i32
      %mul3A_63 = arith.muli %mul3A_62, %scan3A_61 : i32
      %dma_start3A = arith.constant 0 : i32
      %dma_start3A_64 = tpu.memref_slice %arg6[%mul3A_63, %dma_start3A] : memref<40x128xi32, #tpu.memory_space<vmem>> -> memref<1x128xi32, #tpu.memory_space<vmem>>
      %dma_start3A_65 = tpu.memref_squeeze %dma_start3A_64 : memref<1x128xi32, #tpu.memory_space<vmem>> -> memref<128xi32, #tpu.memory_space<vmem>>
      %dma_start3A_66 = arith.constant 0 : i32
      %dma_start3A_67 = arith.constant 0 : i32
      %dma_start3A_68 = tpu.memref_slice %arg2[%dma_start3A_66, %dma_start3A_67] : memref<10000x128xf32, #tpu.memory_space<hbm>> -> memref<10000x128xf32, #tpu.memory_space<hbm>>
      tpu.enqueue_indirect_dma source(%dma_start3A_68 : memref<10000x128xf32, #tpu.memory_space<hbm>>) target(%arg8 : memref<128x128xf32, #tpu.memory_space<vmem>>) offsets(%dma_start3A_65 : memref<128xi32, #tpu.memory_space<vmem>>) semaphore(%arg11 : memref<!tpu.dma_semaphore, #tpu.memory_space<semaphore_mem>>)
      %add3A_69 = arith.constant 1 : i32
      %add3A_70 = arith.addi %mul3A_63, %add3A_69 : i32
      %dma_start3A_71 = arith.constant 0 : i32
      %dma_start3A_72 = tpu.memref_slice %arg6[%add3A_70, %dma_start3A_71] : memref<40x128xi32, #tpu.memory_space<vmem>> -> memref<1x128xi32, #tpu.memory_space<vmem>>
      %dma_start3A_73 = tpu.memref_squeeze %dma_start3A_72 : memref<1x128xi32, #tpu.memory_space<vmem>> -> memref<128xi32, #tpu.memory_space<vmem>>
      %dma_start3A_74 = arith.constant 0 : i32
      %dma_start3A_75 = arith.constant 0 : i32
      %dma_start3A_76 = tpu.memref_slice %arg2[%dma_start3A_74, %dma_start3A_75] : memref<10000x128xf32, #tpu.memory_space<hbm>> -> memref<10000x128xf32, #tpu.memory_space<hbm>>
      tpu.enqueue_indirect_dma source(%dma_start3A_76 : memref<10000x128xf32, #tpu.memory_space<hbm>>) target(%arg9 : memref<128x128xf32, #tpu.memory_space<vmem>>) offsets(%dma_start3A_73 : memref<128xi32, #tpu.memory_space<vmem>>) semaphore(%arg12 : memref<!tpu.dma_semaphore, #tpu.memory_space<semaphore_mem>>)
      %dma_wait3A = arith.constant 0 : i32
      %dma_wait3A_77 = tpu.memref_slice %arg6[%mul3A_63, %dma_wait3A] : memref<40x128xi32, #tpu.memory_space<vmem>> -> memref<1x128xi32, #tpu.memory_space<vmem>>
      %dma_wait3A_78 = tpu.memref_squeeze %dma_wait3A_77 : memref<1x128xi32, #tpu.memory_space<vmem>> -> memref<128xi32, #tpu.memory_space<vmem>>
      %dma_wait3A_79 = arith.constant 0 : i32
      %dma_wait3A_80 = arith.constant 0 : i32
      %dma_wait3A_81 = tpu.memref_slice %arg2[%dma_wait3A_79, %dma_wait3A_80] : memref<10000x128xf32, #tpu.memory_space<hbm>> -> memref<10000x128xf32, #tpu.memory_space<hbm>>
      tpu.wait_indirect_dma semaphore(%arg11 : memref<!tpu.dma_semaphore, #tpu.memory_space<semaphore_mem>>) src(%dma_wait3A_81 : memref<10000x128xf32, #tpu.memory_space<hbm>>) dst(%arg8 : memref<128x128xf32, #tpu.memory_space<vmem>>)
      %dma_wait3A_82 = arith.constant 0 : i32
      %dma_wait3A_83 = tpu.memref_slice %arg6[%add3A_70, %dma_wait3A_82] : memref<40x128xi32, #tpu.memory_space<vmem>> -> memref<1x128xi32, #tpu.memory_space<vmem>>
      %dma_wait3A_84 = tpu.memref_squeeze %dma_wait3A_83 : memref<1x128xi32, #tpu.memory_space<vmem>> -> memref<128xi32, #tpu.memory_space<vmem>>
      %dma_wait3A_85 = arith.constant 0 : i32
      %dma_wait3A_86 = arith.constant 0 : i32
      %dma_wait3A_87 = tpu.memref_slice %arg2[%dma_wait3A_85, %dma_wait3A_86] : memref<10000x128xf32, #tpu.memory_space<hbm>> -> memref<10000x128xf32, #tpu.memory_space<hbm>>
      tpu.wait_indirect_dma semaphore(%arg12 : memref<!tpu.dma_semaphore, #tpu.memory_space<semaphore_mem>>) src(%dma_wait3A_87 : memref<10000x128xf32, #tpu.memory_space<hbm>>) dst(%arg9 : memref<128x128xf32, #tpu.memory_space<vmem>>)
      "tpu.region"() ({
        %run_scoped3A = tpu.sem_alloc : memref<!tpu.dma_semaphore, #tpu.memory_space<semaphore_mem>>
        %dma_start3A_90 = arith.constant 0 : i32
        %dma_start3A_91 = tpu.memref_slice %arg7[%mul3A_63, %dma_start3A_90] : memref<40x128xi32, #tpu.memory_space<vmem>> -> memref<1x128xi32, #tpu.memory_space<vmem>>
        %dma_start3A_92 = tpu.memref_squeeze %dma_start3A_91 : memref<1x128xi32, #tpu.memory_space<vmem>> -> memref<128xi32, #tpu.memory_space<vmem>>
        %dma_start3A_93 = arith.constant 0 : i32
        %dma_start3A_94 = arith.constant 0 : i32
        %dma_start3A_95 = tpu.memref_slice %arg10[%dma_start3A_93, %dma_start3A_94] : memref<10128x128xf32, #tpu.memory_space<vmem_shared>> -> memref<10128x128xf32, #tpu.memory_space<vmem_shared>>
        tpu.enqueue_indirect_dma source(%arg8 : memref<128x128xf32, #tpu.memory_space<vmem>>) target(%dma_start3A_95 : memref<10128x128xf32, #tpu.memory_space<vmem_shared>>) offsets(%dma_start3A_92 : memref<128xi32, #tpu.memory_space<vmem>>) semaphore(%run_scoped3A : memref<!tpu.dma_semaphore, #tpu.memory_space<semaphore_mem>>) {add = true}
        %dma_wait3A_96 = arith.constant 0 : i32
        %dma_wait3A_97 = tpu.memref_slice %arg7[%mul3A_63, %dma_wait3A_96] : memref<40x128xi32, #tpu.memory_space<vmem>> -> memref<1x128xi32, #tpu.memory_space<vmem>>
        %dma_wait3A_98 = tpu.memref_squeeze %dma_wait3A_97 : memref<1x128xi32, #tpu.memory_space<vmem>> -> memref<128xi32, #tpu.memory_space<vmem>>
        %dma_wait3A_99 = arith.constant 0 : i32
        %dma_wait3A_100 = arith.constant 0 : i32
        %dma_wait3A_101 = tpu.memref_slice %arg10[%dma_wait3A_99, %dma_wait3A_100] : memref<10128x128xf32, #tpu.memory_space<vmem_shared>> -> memref<10128x128xf32, #tpu.memory_space<vmem_shared>>
        tpu.wait_indirect_dma semaphore(%run_scoped3A : memref<!tpu.dma_semaphore, #tpu.memory_space<semaphore_mem>>) src(%arg8 : memref<128x128xf32, #tpu.memory_space<vmem>>) dst(%dma_wait3A_101 : memref<10128x128xf32, #tpu.memory_space<vmem_shared>>)
        tpu.yield
      }) : () -> ()
      %add3A_88 = arith.constant 1 : i32
      %add3A_89 = arith.addi %mul3A_63, %add3A_88 : i32
      "tpu.region"() ({
        %run_scoped3A = tpu.sem_alloc : memref<!tpu.dma_semaphore, #tpu.memory_space<semaphore_mem>>
        %dma_start3A_90 = arith.constant 0 : i32
        %dma_start3A_91 = tpu.memref_slice %arg7[%add3A_89, %dma_start3A_90] : memref<40x128xi32, #tpu.memory_space<vmem>> -> memref<1x128xi32, #tpu.memory_space<vmem>>
        %dma_start3A_92 = tpu.memref_squeeze %dma_start3A_91 : memref<1x128xi32, #tpu.memory_space<vmem>> -> memref<128xi32, #tpu.memory_space<vmem>>
        %dma_start3A_93 = arith.constant 0 : i32
        %dma_start3A_94 = arith.constant 0 : i32
        %dma_start3A_95 = tpu.memref_slice %arg10[%dma_start3A_93, %dma_start3A_94] : memref<10128x128xf32, #tpu.memory_space<vmem_shared>> -> memref<10128x128xf32, #tpu.memory_space<vmem_shared>>
        tpu.enqueue_indirect_dma source(%arg9 : memref<128x128xf32, #tpu.memory_space<vmem>>) target(%dma_start3A_95 : memref<10128x128xf32, #tpu.memory_space<vmem_shared>>) offsets(%dma_start3A_92 : memref<128xi32, #tpu.memory_space<vmem>>) semaphore(%run_scoped3A : memref<!tpu.dma_semaphore, #tpu.memory_space<semaphore_mem>>) {add = true}
        %dma_wait3A_96 = arith.constant 0 : i32
        %dma_wait3A_97 = tpu.memref_slice %arg7[%add3A_89, %dma_wait3A_96] : memref<40x128xi32, #tpu.memory_space<vmem>> -> memref<1x128xi32, #tpu.memory_space<vmem>>
        %dma_wait3A_98 = tpu.memref_squeeze %dma_wait3A_97 : memref<1x128xi32, #tpu.memory_space<vmem>> -> memref<128xi32, #tpu.memory_space<vmem>>
        %dma_wait3A_99 = arith.constant 0 : i32
        %dma_wait3A_100 = arith.constant 0 : i32
        %dma_wait3A_101 = tpu.memref_slice %arg10[%dma_wait3A_99, %dma_wait3A_100] : memref<10128x128xf32, #tpu.memory_space<vmem_shared>> -> memref<10128x128xf32, #tpu.memory_space<vmem_shared>>
        tpu.wait_indirect_dma semaphore(%run_scoped3A : memref<!tpu.dma_semaphore, #tpu.memory_space<semaphore_mem>>) src(%arg9 : memref<128x128xf32, #tpu.memory_space<vmem>>) dst(%dma_wait3A_101 : memref<10128x128xf32, #tpu.memory_space<vmem_shared>>)
        tpu.yield
      }) : () -> ()
    }
    %scan3A_34 = arith.constant 20 : i32
    %barrier3A_35 = arith.constant 0 : index
    tpu.barrier barrier_id(%barrier3A_35)
    %mul3A_36 = arith.constant 624 : i32
    %mul3A_37 = arith.muli %arg1, %mul3A_36 : i32
    %add3A_38 = arith.constant 0 : i32
    %add3A_39 = arith.addi %mul3A_37, %add3A_38 : i32
    "tpu.region"() ({
      %run_scoped3A = tpu.sem_alloc : memref<!tpu.dma_semaphore, #tpu.memory_space<semaphore_mem>>
      %dma_start3A = arith.constant 0 : i32
      %dma_start3A_61 = arith.constant 0 : i32
      %dma_start3A_62 = tpu.memref_slice %arg8[%dma_start3A, %dma_start3A_61] : memref<128x128xf32, #tpu.memory_space<vmem>> -> memref<128x128xf32, #tpu.memory_space<vmem>>
      %dma_start3A_63 = arith.constant 0 : i32
      %dma_start3A_64 = tpu.memref_slice %arg10[%add3A_39, %dma_start3A_63] : memref<10128x128xf32, #tpu.memory_space<vmem_shared>> -> memref<128x128xf32, #tpu.memory_space<vmem_shared>>
      %dma_start3A_65 = arith.constant 0 : i32
      %dma_start3A_66 = arith.constant 0 : i32
      %dma_start3A_67 = tpu.memref_slice %arg8[%dma_start3A_65, %dma_start3A_66] : memref<128x128xf32, #tpu.memory_space<vmem>> -> memref<128x128xf32, #tpu.memory_space<vmem>>
      %dma_start3A_68 = arith.constant 0 : i32
      %dma_start3A_69 = tpu.memref_slice %arg10[%add3A_39, %dma_start3A_68] : memref<10128x128xf32, #tpu.memory_space<vmem_shared>> -> memref<128x128xf32, #tpu.memory_space<vmem_shared>>
      tpu.enqueue_dma source(%dma_start3A_69 : memref<128x128xf32, #tpu.memory_space<vmem_shared>>) target(%dma_start3A_67 : memref<128x128xf32, #tpu.memory_space<vmem>>) target_semaphore(%run_scoped3A : memref<!tpu.dma_semaphore, #tpu.memory_space<semaphore_mem>>)
      %dma_wait3A = arith.constant 0 : i32
      %dma_wait3A_70 = arith.constant 0 : i32
      %dma_wait3A_71 = tpu.memref_slice %arg8[%dma_wait3A, %dma_wait3A_70] : memref<128x128xf32, #tpu.memory_space<vmem>> -> memref<128x128xf32, #tpu.memory_space<vmem>>
      %dma_wait3A_72 = arith.constant 0 : i32
      %dma_wait3A_73 = tpu.memref_slice %arg10[%add3A_39, %dma_wait3A_72] : memref<10128x128xf32, #tpu.memory_space<vmem_shared>> -> memref<128x128xf32, #tpu.memory_space<vmem_shared>>
      %dma_wait3A_74 = arith.constant 0 : i32
      %dma_wait3A_75 = arith.constant 0 : i32
      %dma_wait3A_76 = tpu.memref_slice %arg8[%dma_wait3A_74, %dma_wait3A_75] : memref<128x128xf32, #tpu.memory_space<vmem>> -> memref<128x128xf32, #tpu.memory_space<vmem>>
      %dma_wait3A_77 = arith.constant 0 : i32
      %dma_wait3A_78 = tpu.memref_slice %arg10[%add3A_39, %dma_wait3A_77] : memref<10128x128xf32, #tpu.memory_space<vmem_shared>> -> memref<128x128xf32, #tpu.memory_space<vmem_shared>>
      tpu.wait_dma2 semaphore(%run_scoped3A : memref<!tpu.dma_semaphore, #tpu.memory_space<semaphore_mem>>) src(%dma_wait3A_78 : memref<128x128xf32, #tpu.memory_space<vmem_shared>>) dst(%dma_wait3A_76 : memref<128x128xf32, #tpu.memory_space<vmem>>)
      tpu.yield
    }) : () -> ()
    "tpu.region"() ({
      %run_scoped3A = tpu.sem_alloc : memref<!tpu.dma_semaphore, #tpu.memory_space<semaphore_mem>>
      %dma_start3A = arith.constant 0 : i32
      %dma_start3A_61 = arith.constant 0 : i32
      %dma_start3A_62 = tpu.memref_slice %arg8[%dma_start3A, %dma_start3A_61] : memref<128x128xf32, #tpu.memory_space<vmem>> -> memref<128x128xf32, #tpu.memory_space<vmem>>
      %dma_start3A_63 = arith.constant 0 : i32
      %dma_start3A_64 = tpu.memref_slice %arg5[%arg0, %add3A_39, %dma_start3A_63] : memref<2x10000x128xf32, #tpu.memory_space<hbm>> -> memref<1x128x128xf32, #tpu.memory_space<hbm>>
      %dma_start3A_65 = tpu.memref_squeeze %dma_start3A_64 : memref<1x128x128xf32, #tpu.memory_space<hbm>> -> memref<128x128xf32, #tpu.memory_space<hbm>>
      %dma_start3A_66 = arith.constant 0 : i32
      %dma_start3A_67 = tpu.memref_slice %arg5[%arg0, %add3A_39, %dma_start3A_66] : memref<2x10000x128xf32, #tpu.memory_space<hbm>> -> memref<1x128x128xf32, #tpu.memory_space<hbm>>
      %dma_start3A_68 = tpu.memref_squeeze %dma_start3A_67 : memref<1x128x128xf32, #tpu.memory_space<hbm>> -> memref<128x128xf32, #tpu.memory_space<hbm>>
      %dma_start3A_69 = arith.constant 0 : i32
      %dma_start3A_70 = arith.constant 0 : i32
      %dma_start3A_71 = tpu.memref_slice %arg8[%dma_start3A_69, %dma_start3A_70] : memref<128x128xf32, #tpu.memory_space<vmem>> -> memref<128x128xf32, #tpu.memory_space<vmem>>
      tpu.enqueue_dma source(%dma_start3A_71 : memref<128x128xf32, #tpu.memory_space<vmem>>) target(%dma_start3A_68 : memref<128x128xf32, #tpu.memory_space<hbm>>) target_semaphore(%run_scoped3A : memref<!tpu.dma_semaphore, #tpu.memory_space<semaphore_mem>>)
      %dma_wait3A = arith.constant 0 : i32
      %dma_wait3A_72 = arith.constant 0 : i32
      %dma_wait3A_73 = tpu.memref_slice %arg8[%dma_wait3A, %dma_wait3A_72] : memref<128x128xf32, #tpu.memory_space<vmem>> -> memref<128x128xf32, #tpu.memory_space<vmem>>
      %dma_wait3A_74 = arith.constant 0 : i32
      %dma_wait3A_75 = tpu.memref_slice %arg5[%arg0, %add3A_39, %dma_wait3A_74] : memref<2x10000x128xf32, #tpu.memory_space<hbm>> -> memref<1x128x128xf32, #tpu.memory_space<hbm>>
      %dma_wait3A_76 = tpu.memref_squeeze %dma_wait3A_75 : memref<1x128x128xf32, #tpu.memory_space<hbm>> -> memref<128x128xf32, #tpu.memory_space<hbm>>
      %dma_wait3A_77 = arith.constant 0 : i32
      %dma_wait3A_78 = tpu.memref_slice %arg5[%arg0, %add3A_39, %dma_wait3A_77] : memref<2x10000x128xf32, #tpu.memory_space<hbm>> -> memref<1x128x128xf32, #tpu.memory_space<hbm>>
      %dma_wait3A_79 = tpu.memref_squeeze %dma_wait3A_78 : memref<1x128x128xf32, #tpu.memory_space<hbm>> -> memref<128x128xf32, #tpu.memory_space<hbm>>
      %dma_wait3A_80 = arith.constant 0 : i32
      %dma_wait3A_81 = arith.constant 0 : i32
      %dma_wait3A_82 = tpu.memref_slice %arg8[%dma_wait3A_80, %dma_wait3A_81] : memref<128x128xf32, #tpu.memory_space<vmem>> -> memref<128x128xf32, #tpu.memory_space<vmem>>
      tpu.wait_dma2 semaphore(%run_scoped3A : memref<!tpu.dma_semaphore, #tpu.memory_space<semaphore_mem>>) src(%dma_wait3A_82 : memref<128x128xf32, #tpu.memory_space<vmem>>) dst(%dma_wait3A_79 : memref<128x128xf32, #tpu.memory_space<hbm>>)
      tpu.yield
    }) : () -> ()
    %mul3A_40 = arith.constant 624 : i32
    %mul3A_41 = arith.muli %arg1, %mul3A_40 : i32
    %add3A_42 = arith.constant 128 : i32
    %add3A_43 = arith.addi %mul3A_41, %add3A_42 : i32
    "tpu.region"() ({
      %run_scoped3A = tpu.sem_alloc : memref<!tpu.dma_semaphore, #tpu.memory_space<semaphore_mem>>
      %dma_start3A = arith.constant 0 : i32
      %dma_start3A_61 = arith.constant 0 : i32
      %dma_start3A_62 = tpu.memref_slice %arg8[%dma_start3A, %dma_start3A_61] : memref<128x128xf32, #tpu.memory_space<vmem>> -> memref<128x128xf32, #tpu.memory_space<vmem>>
      %dma_start3A_63 = arith.constant 0 : i32
      %dma_start3A_64 = tpu.memref_slice %arg10[%add3A_43, %dma_start3A_63] : memref<10128x128xf32, #tpu.memory_space<vmem_shared>> -> memref<128x128xf32, #tpu.memory_space<vmem_shared>>
      %dma_start3A_65 = arith.constant 0 : i32
      %dma_start3A_66 = arith.constant 0 : i32
      %dma_start3A_67 = tpu.memref_slice %arg8[%dma_start3A_65, %dma_start3A_66] : memref<128x128xf32, #tpu.memory_space<vmem>> -> memref<128x128xf32, #tpu.memory_space<vmem>>
      %dma_start3A_68 = arith.constant 0 : i32
      %dma_start3A_69 = tpu.memref_slice %arg10[%add3A_43, %dma_start3A_68] : memref<10128x128xf32, #tpu.memory_space<vmem_shared>> -> memref<128x128xf32, #tpu.memory_space<vmem_shared>>
      tpu.enqueue_dma source(%dma_start3A_69 : memref<128x128xf32, #tpu.memory_space<vmem_shared>>) target(%dma_start3A_67 : memref<128x128xf32, #tpu.memory_space<vmem>>) target_semaphore(%run_scoped3A : memref<!tpu.dma_semaphore, #tpu.memory_space<semaphore_mem>>)
      %dma_wait3A = arith.constant 0 : i32
      %dma_wait3A_70 = arith.constant 0 : i32
      %dma_wait3A_71 = tpu.memref_slice %arg8[%dma_wait3A, %dma_wait3A_70] : memref<128x128xf32, #tpu.memory_space<vmem>> -> memref<128x128xf32, #tpu.memory_space<vmem>>
      %dma_wait3A_72 = arith.constant 0 : i32
      %dma_wait3A_73 = tpu.memref_slice %arg10[%add3A_43, %dma_wait3A_72] : memref<10128x128xf32, #tpu.memory_space<vmem_shared>> -> memref<128x128xf32, #tpu.memory_space<vmem_shared>>
      %dma_wait3A_74 = arith.constant 0 : i32
      %dma_wait3A_75 = arith.constant 0 : i32
      %dma_wait3A_76 = tpu.memref_slice %arg8[%dma_wait3A_74, %dma_wait3A_75] : memref<128x128xf32, #tpu.memory_space<vmem>> -> memref<128x128xf32, #tpu.memory_space<vmem>>
      %dma_wait3A_77 = arith.constant 0 : i32
      %dma_wait3A_78 = tpu.memref_slice %arg10[%add3A_43, %dma_wait3A_77] : memref<10128x128xf32, #tpu.memory_space<vmem_shared>> -> memref<128x128xf32, #tpu.memory_space<vmem_shared>>
      tpu.wait_dma2 semaphore(%run_scoped3A : memref<!tpu.dma_semaphore, #tpu.memory_space<semaphore_mem>>) src(%dma_wait3A_78 : memref<128x128xf32, #tpu.memory_space<vmem_shared>>) dst(%dma_wait3A_76 : memref<128x128xf32, #tpu.memory_space<vmem>>)
      tpu.yield
    }) : () -> ()
    "tpu.region"() ({
      %run_scoped3A = tpu.sem_alloc : memref<!tpu.dma_semaphore, #tpu.memory_space<semaphore_mem>>
      %dma_start3A = arith.constant 0 : i32
      %dma_start3A_61 = arith.constant 0 : i32
      %dma_start3A_62 = tpu.memref_slice %arg8[%dma_start3A, %dma_start3A_61] : memref<128x128xf32, #tpu.memory_space<vmem>> -> memref<128x128xf32, #tpu.memory_space<vmem>>
      %dma_start3A_63 = arith.constant 0 : i32
      %dma_start3A_64 = tpu.memref_slice %arg5[%arg0, %add3A_43, %dma_start3A_63] : memref<2x10000x128xf32, #tpu.memory_space<hbm>> -> memref<1x128x128xf32, #tpu.memory_space<hbm>>
      %dma_start3A_65 = tpu.memref_squeeze %dma_start3A_64 : memref<1x128x128xf32, #tpu.memory_space<hbm>> -> memref<128x128xf32, #tpu.memory_space<hbm>>
      %dma_start3A_66 = arith.constant 0 : i32
      %dma_start3A_67 = tpu.memref_slice %arg5[%arg0, %add3A_43, %dma_start3A_66] : memref<2x10000x128xf32, #tpu.memory_space<hbm>> -> memref<1x128x128xf32, #tpu.memory_space<hbm>>
      %dma_start3A_68 = tpu.memref_squeeze %dma_start3A_67 : memref<1x128x128xf32, #tpu.memory_space<hbm>> -> memref<128x128xf32, #tpu.memory_space<hbm>>
      %dma_start3A_69 = arith.constant 0 : i32
      %dma_start3A_70 = arith.constant 0 : i32
      %dma_start3A_71 = tpu.memref_slice %arg8[%dma_start3A_69, %dma_start3A_70] : memref<128x128xf32, #tpu.memory_space<vmem>> -> memref<128x128xf32, #tpu.memory_space<vmem>>
      tpu.enqueue_dma source(%dma_start3A_71 : memref<128x128xf32, #tpu.memory_space<vmem>>) target(%dma_start3A_68 : memref<128x128xf32, #tpu.memory_space<hbm>>) target_semaphore(%run_scoped3A : memref<!tpu.dma_semaphore, #tpu.memory_space<semaphore_mem>>)
      %dma_wait3A = arith.constant 0 : i32
      %dma_wait3A_72 = arith.constant 0 : i32
      %dma_wait3A_73 = tpu.memref_slice %arg8[%dma_wait3A, %dma_wait3A_72] : memref<128x128xf32, #tpu.memory_space<vmem>> -> memref<128x128xf32, #tpu.memory_space<vmem>>
      %dma_wait3A_74 = arith.constant 0 : i32
      %dma_wait3A_75 = tpu.memref_slice %arg5[%arg0, %add3A_43, %dma_wait3A_74] : memref<2x10000x128xf32, #tpu.memory_space<hbm>> -> memref<1x128x128xf32, #tpu.memory_space<hbm>>
      %dma_wait3A_76 = tpu.memref_squeeze %dma_wait3A_75 : memref<1x128x128xf32, #tpu.memory_space<hbm>> -> memref<128x128xf32, #tpu.memory_space<hbm>>
      %dma_wait3A_77 = arith.constant 0 : i32
      %dma_wait3A_78 = tpu.memref_slice %arg5[%arg0, %add3A_43, %dma_wait3A_77] : memref<2x10000x128xf32, #tpu.memory_space<hbm>> -> memref<1x128x128xf32, #tpu.memory_space<hbm>>
      %dma_wait3A_79 = tpu.memref_squeeze %dma_wait3A_78 : memref<1x128x128xf32, #tpu.memory_space<hbm>> -> memref<128x128xf32, #tpu.memory_space<hbm>>
      %dma_wait3A_80 = arith.constant 0 : i32
      %dma_wait3A_81 = arith.constant 0 : i32
      %dma_wait3A_82 = tpu.memref_slice %arg8[%dma_wait3A_80, %dma_wait3A_81] : memref<128x128xf32, #tpu.memory_space<vmem>> -> memref<128x128xf32, #tpu.memory_space<vmem>>
      tpu.wait_dma2 semaphore(%run_scoped3A : memref<!tpu.dma_semaphore, #tpu.memory_space<semaphore_mem>>) src(%dma_wait3A_82 : memref<128x128xf32, #tpu.memory_space<vmem>>) dst(%dma_wait3A_79 : memref<128x128xf32, #tpu.memory_space<hbm>>)
      tpu.yield
    }) : () -> ()
    %mul3A_44 = arith.constant 624 : i32
    %mul3A_45 = arith.muli %arg1, %mul3A_44 : i32
    %add3A_46 = arith.constant 256 : i32
    %add3A_47 = arith.addi %mul3A_45, %add3A_46 : i32
    "tpu.region"() ({
      %run_scoped3A = tpu.sem_alloc : memref<!tpu.dma_semaphore, #tpu.memory_space<semaphore_mem>>
      %dma_start3A = arith.constant 0 : i32
      %dma_start3A_61 = arith.constant 0 : i32
      %dma_start3A_62 = tpu.memref_slice %arg8[%dma_start3A, %dma_start3A_61] : memref<128x128xf32, #tpu.memory_space<vmem>> -> memref<128x128xf32, #tpu.memory_space<vmem>>
      %dma_start3A_63 = arith.constant 0 : i32
      %dma_start3A_64 = tpu.memref_slice %arg10[%add3A_47, %dma_start3A_63] : memref<10128x128xf32, #tpu.memory_space<vmem_shared>> -> memref<128x128xf32, #tpu.memory_space<vmem_shared>>
      %dma_start3A_65 = arith.constant 0 : i32
      %dma_start3A_66 = arith.constant 0 : i32
      %dma_start3A_67 = tpu.memref_slice %arg8[%dma_start3A_65, %dma_start3A_66] : memref<128x128xf32, #tpu.memory_space<vmem>> -> memref<128x128xf32, #tpu.memory_space<vmem>>
      %dma_start3A_68 = arith.constant 0 : i32
      %dma_start3A_69 = tpu.memref_slice %arg10[%add3A_47, %dma_start3A_68] : memref<10128x128xf32, #tpu.memory_space<vmem_shared>> -> memref<128x128xf32, #tpu.memory_space<vmem_shared>>
      tpu.enqueue_dma source(%dma_start3A_69 : memref<128x128xf32, #tpu.memory_space<vmem_shared>>) target(%dma_start3A_67 : memref<128x128xf32, #tpu.memory_space<vmem>>) target_semaphore(%run_scoped3A : memref<!tpu.dma_semaphore, #tpu.memory_space<semaphore_mem>>)
      %dma_wait3A = arith.constant 0 : i32
      %dma_wait3A_70 = arith.constant 0 : i32
      %dma_wait3A_71 = tpu.memref_slice %arg8[%dma_wait3A, %dma_wait3A_70] : memref<128x128xf32, #tpu.memory_space<vmem>> -> memref<128x128xf32, #tpu.memory_space<vmem>>
      %dma_wait3A_72 = arith.constant 0 : i32
      %dma_wait3A_73 = tpu.memref_slice %arg10[%add3A_47, %dma_wait3A_72] : memref<10128x128xf32, #tpu.memory_space<vmem_shared>> -> memref<128x128xf32, #tpu.memory_space<vmem_shared>>
      %dma_wait3A_74 = arith.constant 0 : i32
      %dma_wait3A_75 = arith.constant 0 : i32
      %dma_wait3A_76 = tpu.memref_slice %arg8[%dma_wait3A_74, %dma_wait3A_75] : memref<128x128xf32, #tpu.memory_space<vmem>> -> memref<128x128xf32, #tpu.memory_space<vmem>>
      %dma_wait3A_77 = arith.constant 0 : i32
      %dma_wait3A_78 = tpu.memref_slice %arg10[%add3A_47, %dma_wait3A_77] : memref<10128x128xf32, #tpu.memory_space<vmem_shared>> -> memref<128x128xf32, #tpu.memory_space<vmem_shared>>
      tpu.wait_dma2 semaphore(%run_scoped3A : memref<!tpu.dma_semaphore, #tpu.memory_space<semaphore_mem>>) src(%dma_wait3A_78 : memref<128x128xf32, #tpu.memory_space<vmem_shared>>) dst(%dma_wait3A_76 : memref<128x128xf32, #tpu.memory_space<vmem>>)
      tpu.yield
    }) : () -> ()
    "tpu.region"() ({
      %run_scoped3A = tpu.sem_alloc : memref<!tpu.dma_semaphore, #tpu.memory_space<semaphore_mem>>
      %dma_start3A = arith.constant 0 : i32
      %dma_start3A_61 = arith.constant 0 : i32
      %dma_start3A_62 = tpu.memref_slice %arg8[%dma_start3A, %dma_start3A_61] : memref<128x128xf32, #tpu.memory_space<vmem>> -> memref<128x128xf32, #tpu.memory_space<vmem>>
      %dma_start3A_63 = arith.constant 0 : i32
      %dma_start3A_64 = tpu.memref_slice %arg5[%arg0, %add3A_47, %dma_start3A_63] : memref<2x10000x128xf32, #tpu.memory_space<hbm>> -> memref<1x128x128xf32, #tpu.memory_space<hbm>>
      %dma_start3A_65 = tpu.memref_squeeze %dma_start3A_64 : memref<1x128x128xf32, #tpu.memory_space<hbm>> -> memref<128x128xf32, #tpu.memory_space<hbm>>
      %dma_start3A_66 = arith.constant 0 : i32
      %dma_start3A_67 = tpu.memref_slice %arg5[%arg0, %add3A_47, %dma_start3A_66] : memref<2x10000x128xf32, #tpu.memory_space<hbm>> -> memref<1x128x128xf32, #tpu.memory_space<hbm>>
      %dma_start3A_68 = tpu.memref_squeeze %dma_start3A_67 : memref<1x128x128xf32, #tpu.memory_space<hbm>> -> memref<128x128xf32, #tpu.memory_space<hbm>>
      %dma_start3A_69 = arith.constant 0 : i32
      %dma_start3A_70 = arith.constant 0 : i32
      %dma_start3A_71 = tpu.memref_slice %arg8[%dma_start3A_69, %dma_start3A_70] : memref<128x128xf32, #tpu.memory_space<vmem>> -> memref<128x128xf32, #tpu.memory_space<vmem>>
      tpu.enqueue_dma source(%dma_start3A_71 : memref<128x128xf32, #tpu.memory_space<vmem>>) target(%dma_start3A_68 : memref<128x128xf32, #tpu.memory_space<hbm>>) target_semaphore(%run_scoped3A : memref<!tpu.dma_semaphore, #tpu.memory_space<semaphore_mem>>)
      %dma_wait3A = arith.constant 0 : i32
      %dma_wait3A_72 = arith.constant 0 : i32
      %dma_wait3A_73 = tpu.memref_slice %arg8[%dma_wait3A, %dma_wait3A_72] : memref<128x128xf32, #tpu.memory_space<vmem>> -> memref<128x128xf32, #tpu.memory_space<vmem>>
      %dma_wait3A_74 = arith.constant 0 : i32
      %dma_wait3A_75 = tpu.memref_slice %arg5[%arg0, %add3A_47, %dma_wait3A_74] : memref<2x10000x128xf32, #tpu.memory_space<hbm>> -> memref<1x128x128xf32, #tpu.memory_space<hbm>>
      %dma_wait3A_76 = tpu.memref_squeeze %dma_wait3A_75 : memref<1x128x128xf32, #tpu.memory_space<hbm>> -> memref<128x128xf32, #tpu.memory_space<hbm>>
      %dma_wait3A_77 = arith.constant 0 : i32
      %dma_wait3A_78 = tpu.memref_slice %arg5[%arg0, %add3A_47, %dma_wait3A_77] : memref<2x10000x128xf32, #tpu.memory_space<hbm>> -> memref<1x128x128xf32, #tpu.memory_space<hbm>>
      %dma_wait3A_79 = tpu.memref_squeeze %dma_wait3A_78 : memref<1x128x128xf32, #tpu.memory_space<hbm>> -> memref<128x128xf32, #tpu.memory_space<hbm>>
      %dma_wait3A_80 = arith.constant 0 : i32
      %dma_wait3A_81 = arith.constant 0 : i32
      %dma_wait3A_82 = tpu.memref_slice %arg8[%dma_wait3A_80, %dma_wait3A_81] : memref<128x128xf32, #tpu.memory_space<vmem>> -> memref<128x128xf32, #tpu.memory_space<vmem>>
      tpu.wait_dma2 semaphore(%run_scoped3A : memref<!tpu.dma_semaphore, #tpu.memory_space<semaphore_mem>>) src(%dma_wait3A_82 : memref<128x128xf32, #tpu.memory_space<vmem>>) dst(%dma_wait3A_79 : memref<128x128xf32, #tpu.memory_space<hbm>>)
      tpu.yield
    }) : () -> ()
    %mul3A_48 = arith.constant 624 : i32
    %mul3A_49 = arith.muli %arg1, %mul3A_48 : i32
    %add3A_50 = arith.constant 384 : i32
    %add3A_51 = arith.addi %mul3A_49, %add3A_50 : i32
    "tpu.region"() ({
      %run_scoped3A = tpu.sem_alloc : memref<!tpu.dma_semaphore, #tpu.memory_space<semaphore_mem>>
      %dma_start3A = arith.constant 0 : i32
      %dma_start3A_61 = arith.constant 0 : i32
      %dma_start3A_62 = tpu.memref_slice %arg8[%dma_start3A, %dma_start3A_61] : memref<128x128xf32, #tpu.memory_space<vmem>> -> memref<128x128xf32, #tpu.memory_space<vmem>>
      %dma_start3A_63 = arith.constant 0 : i32
      %dma_start3A_64 = tpu.memref_slice %arg10[%add3A_51, %dma_start3A_63] : memref<10128x128xf32, #tpu.memory_space<vmem_shared>> -> memref<128x128xf32, #tpu.memory_space<vmem_shared>>
      %dma_start3A_65 = arith.constant 0 : i32
      %dma_start3A_66 = arith.constant 0 : i32
      %dma_start3A_67 = tpu.memref_slice %arg8[%dma_start3A_65, %dma_start3A_66] : memref<128x128xf32, #tpu.memory_space<vmem>> -> memref<128x128xf32, #tpu.memory_space<vmem>>
      %dma_start3A_68 = arith.constant 0 : i32
      %dma_start3A_69 = tpu.memref_slice %arg10[%add3A_51, %dma_start3A_68] : memref<10128x128xf32, #tpu.memory_space<vmem_shared>> -> memref<128x128xf32, #tpu.memory_space<vmem_shared>>
      tpu.enqueue_dma source(%dma_start3A_69 : memref<128x128xf32, #tpu.memory_space<vmem_shared>>) target(%dma_start3A_67 : memref<128x128xf32, #tpu.memory_space<vmem>>) target_semaphore(%run_scoped3A : memref<!tpu.dma_semaphore, #tpu.memory_space<semaphore_mem>>)
      %dma_wait3A = arith.constant 0 : i32
      %dma_wait3A_70 = arith.constant 0 : i32
      %dma_wait3A_71 = tpu.memref_slice %arg8[%dma_wait3A, %dma_wait3A_70] : memref<128x128xf32, #tpu.memory_space<vmem>> -> memref<128x128xf32, #tpu.memory_space<vmem>>
      %dma_wait3A_72 = arith.constant 0 : i32
      %dma_wait3A_73 = tpu.memref_slice %arg10[%add3A_51, %dma_wait3A_72] : memref<10128x128xf32, #tpu.memory_space<vmem_shared>> -> memref<128x128xf32, #tpu.memory_space<vmem_shared>>
      %dma_wait3A_74 = arith.constant 0 : i32
      %dma_wait3A_75 = arith.constant 0 : i32
      %dma_wait3A_76 = tpu.memref_slice %arg8[%dma_wait3A_74, %dma_wait3A_75] : memref<128x128xf32, #tpu.memory_space<vmem>> -> memref<128x128xf32, #tpu.memory_space<vmem>>
      %dma_wait3A_77 = arith.constant 0 : i32
      %dma_wait3A_78 = tpu.memref_slice %arg10[%add3A_51, %dma_wait3A_77] : memref<10128x128xf32, #tpu.memory_space<vmem_shared>> -> memref<128x128xf32, #tpu.memory_space<vmem_shared>>
      tpu.wait_dma2 semaphore(%run_scoped3A : memref<!tpu.dma_semaphore, #tpu.memory_space<semaphore_mem>>) src(%dma_wait3A_78 : memref<128x128xf32, #tpu.memory_space<vmem_shared>>) dst(%dma_wait3A_76 : memref<128x128xf32, #tpu.memory_space<vmem>>)
      tpu.yield
    }) : () -> ()
    "tpu.region"() ({
      %run_scoped3A = tpu.sem_alloc : memref<!tpu.dma_semaphore, #tpu.memory_space<semaphore_mem>>
      %dma_start3A = arith.constant 0 : i32
      %dma_start3A_61 = arith.constant 0 : i32
      %dma_start3A_62 = tpu.memref_slice %arg8[%dma_start3A, %dma_start3A_61] : memref<128x128xf32, #tpu.memory_space<vmem>> -> memref<128x128xf32, #tpu.memory_space<vmem>>
      %dma_start3A_63 = arith.constant 0 : i32
      %dma_start3A_64 = tpu.memref_slice %arg5[%arg0, %add3A_51, %dma_start3A_63] : memref<2x10000x128xf32, #tpu.memory_space<hbm>> -> memref<1x128x128xf32, #tpu.memory_space<hbm>>
      %dma_start3A_65 = tpu.memref_squeeze %dma_start3A_64 : memref<1x128x128xf32, #tpu.memory_space<hbm>> -> memref<128x128xf32, #tpu.memory_space<hbm>>
      %dma_start3A_66 = arith.constant 0 : i32
      %dma_start3A_67 = tpu.memref_slice %arg5[%arg0, %add3A_51, %dma_start3A_66] : memref<2x10000x128xf32, #tpu.memory_space<hbm>> -> memref<1x128x128xf32, #tpu.memory_space<hbm>>
      %dma_start3A_68 = tpu.memref_squeeze %dma_start3A_67 : memref<1x128x128xf32, #tpu.memory_space<hbm>> -> memref<128x128xf32, #tpu.memory_space<hbm>>
      %dma_start3A_69 = arith.constant 0 : i32
      %dma_start3A_70 = arith.constant 0 : i32
      %dma_start3A_71 = tpu.memref_slice %arg8[%dma_start3A_69, %dma_start3A_70] : memref<128x128xf32, #tpu.memory_space<vmem>> -> memref<128x128xf32, #tpu.memory_space<vmem>>
      tpu.enqueue_dma source(%dma_start3A_71 : memref<128x128xf32, #tpu.memory_space<vmem>>) target(%dma_start3A_68 : memref<128x128xf32, #tpu.memory_space<hbm>>) target_semaphore(%run_scoped3A : memref<!tpu.dma_semaphore, #tpu.memory_space<semaphore_mem>>)
      %dma_wait3A = arith.constant 0 : i32
      %dma_wait3A_72 = arith.constant 0 : i32
      %dma_wait3A_73 = tpu.memref_slice %arg8[%dma_wait3A, %dma_wait3A_72] : memref<128x128xf32, #tpu.memory_space<vmem>> -> memref<128x128xf32, #tpu.memory_space<vmem>>
      %dma_wait3A_74 = arith.constant 0 : i32
      %dma_wait3A_75 = tpu.memref_slice %arg5[%arg0, %add3A_51, %dma_wait3A_74] : memref<2x10000x128xf32, #tpu.memory_space<hbm>> -> memref<1x128x128xf32, #tpu.memory_space<hbm>>
      %dma_wait3A_76 = tpu.memref_squeeze %dma_wait3A_75 : memref<1x128x128xf32, #tpu.memory_space<hbm>> -> memref<128x128xf32, #tpu.memory_space<hbm>>
      %dma_wait3A_77 = arith.constant 0 : i32
      %dma_wait3A_78 = tpu.memref_slice %arg5[%arg0, %add3A_51, %dma_wait3A_77] : memref<2x10000x128xf32, #tpu.memory_space<hbm>> -> memref<1x128x128xf32, #tpu.memory_space<hbm>>
      %dma_wait3A_79 = tpu.memref_squeeze %dma_wait3A_78 : memref<1x128x128xf32, #tpu.memory_space<hbm>> -> memref<128x128xf32, #tpu.memory_space<hbm>>
      %dma_wait3A_80 = arith.constant 0 : i32
      %dma_wait3A_81 = arith.constant 0 : i32
      %dma_wait3A_82 = tpu.memref_slice %arg8[%dma_wait3A_80, %dma_wait3A_81] : memref<128x128xf32, #tpu.memory_space<vmem>> -> memref<128x128xf32, #tpu.memory_space<vmem>>
      tpu.wait_dma2 semaphore(%run_scoped3A : memref<!tpu.dma_semaphore, #tpu.memory_space<semaphore_mem>>) src(%dma_wait3A_82 : memref<128x128xf32, #tpu.memory_space<vmem>>) dst(%dma_wait3A_79 : memref<128x128xf32, #tpu.memory_space<hbm>>)
      tpu.yield
    }) : () -> ()
    %mul3A_52 = arith.constant 624 : i32
    %mul3A_53 = arith.muli %arg1, %mul3A_52 : i32
    %add3A_54 = arith.constant 512 : i32
    %add3A_55 = arith.addi %mul3A_53, %add3A_54 : i32
    "tpu.region"() ({
      %run_scoped3A = tpu.sem_alloc : memref<!tpu.dma_semaphore, #tpu.memory_space<semaphore_mem>>
      %dma_start3A = arith.constant 0 : i32
      %dma_start3A_61 = arith.constant 0 : i32
      %dma_start3A_62 = tpu.memref_slice %arg8[%dma_start3A, %dma_start3A_61] : memref<128x128xf32, #tpu.memory_space<vmem>> -> memref<112x128xf32, #tpu.memory_space<vmem>>
      %dma_start3A_63 = arith.constant 0 : i32
      %dma_start3A_64 = tpu.memref_slice %arg10[%add3A_55, %dma_start3A_63] : memref<10128x128xf32, #tpu.memory_space<vmem_shared>> -> memref<112x128xf32, #tpu.memory_space<vmem_shared>>
      %dma_start3A_65 = arith.constant 0 : i32
      %dma_start3A_66 = arith.constant 0 : i32
      %dma_start3A_67 = tpu.memref_slice %arg8[%dma_start3A_65, %dma_start3A_66] : memref<128x128xf32, #tpu.memory_space<vmem>> -> memref<112x128xf32, #tpu.memory_space<vmem>>
      %dma_start3A_68 = arith.constant 0 : i32
      %dma_start3A_69 = tpu.memref_slice %arg10[%add3A_55, %dma_start3A_68] : memref<10128x128xf32, #tpu.memory_space<vmem_shared>> -> memref<112x128xf32, #tpu.memory_space<vmem_shared>>
      tpu.enqueue_dma source(%dma_start3A_69 : memref<112x128xf32, #tpu.memory_space<vmem_shared>>) target(%dma_start3A_67 : memref<112x128xf32, #tpu.memory_space<vmem>>) target_semaphore(%run_scoped3A : memref<!tpu.dma_semaphore, #tpu.memory_space<semaphore_mem>>)
      %dma_wait3A = arith.constant 0 : i32
      %dma_wait3A_70 = arith.constant 0 : i32
      %dma_wait3A_71 = tpu.memref_slice %arg8[%dma_wait3A, %dma_wait3A_70] : memref<128x128xf32, #tpu.memory_space<vmem>> -> memref<112x128xf32, #tpu.memory_space<vmem>>
      %dma_wait3A_72 = arith.constant 0 : i32
      %dma_wait3A_73 = tpu.memref_slice %arg10[%add3A_55, %dma_wait3A_72] : memref<10128x128xf32, #tpu.memory_space<vmem_shared>> -> memref<112x128xf32, #tpu.memory_space<vmem_shared>>
      %dma_wait3A_74 = arith.constant 0 : i32
      %dma_wait3A_75 = arith.constant 0 : i32
      %dma_wait3A_76 = tpu.memref_slice %arg8[%dma_wait3A_74, %dma_wait3A_75] : memref<128x128xf32, #tpu.memory_space<vmem>> -> memref<112x128xf32, #tpu.memory_space<vmem>>
      %dma_wait3A_77 = arith.constant 0 : i32
      %dma_wait3A_78 = tpu.memref_slice %arg10[%add3A_55, %dma_wait3A_77] : memref<10128x128xf32, #tpu.memory_space<vmem_shared>> -> memref<112x128xf32, #tpu.memory_space<vmem_shared>>
      tpu.wait_dma2 semaphore(%run_scoped3A : memref<!tpu.dma_semaphore, #tpu.memory_space<semaphore_mem>>) src(%dma_wait3A_78 : memref<112x128xf32, #tpu.memory_space<vmem_shared>>) dst(%dma_wait3A_76 : memref<112x128xf32, #tpu.memory_space<vmem>>)
      tpu.yield
    }) : () -> ()
    "tpu.region"() ({
      %run_scoped3A = tpu.sem_alloc : memref<!tpu.dma_semaphore, #tpu.memory_space<semaphore_mem>>
      %dma_start3A = arith.constant 0 : i32
      %dma_start3A_61 = arith.constant 0 : i32
      %dma_start3A_62 = tpu.memref_slice %arg8[%dma_start3A, %dma_start3A_61] : memref<128x128xf32, #tpu.memory_space<vmem>> -> memref<112x128xf32, #tpu.memory_space<vmem>>
      %dma_start3A_63 = arith.constant 0 : i32
      %dma_start3A_64 = tpu.memref_slice %arg5[%arg0, %add3A_55, %dma_start3A_63] : memref<2x10000x128xf32, #tpu.memory_space<hbm>> -> memref<1x112x128xf32, #tpu.memory_space<hbm>>
      %dma_start3A_65 = tpu.memref_squeeze %dma_start3A_64 : memref<1x112x128xf32, #tpu.memory_space<hbm>> -> memref<112x128xf32, #tpu.memory_space<hbm>>
      %dma_start3A_66 = arith.constant 0 : i32
      %dma_start3A_67 = tpu.memref_slice %arg5[%arg0, %add3A_55, %dma_start3A_66] : memref<2x10000x128xf32, #tpu.memory_space<hbm>> -> memref<1x112x128xf32, #tpu.memory_space<hbm>>
      %dma_start3A_68 = tpu.memref_squeeze %dma_start3A_67 : memref<1x112x128xf32, #tpu.memory_space<hbm>> -> memref<112x128xf32, #tpu.memory_space<hbm>>
      %dma_start3A_69 = arith.constant 0 : i32
      %dma_start3A_70 = arith.constant 0 : i32
      %dma_start3A_71 = tpu.memref_slice %arg8[%dma_start3A_69, %dma_start3A_70] : memref<128x128xf32, #tpu.memory_space<vmem>> -> memref<112x128xf32, #tpu.memory_space<vmem>>
      tpu.enqueue_dma source(%dma_start3A_71 : memref<112x128xf32, #tpu.memory_space<vmem>>) target(%dma_start3A_68 : memref<112x128xf32, #tpu.memory_space<hbm>>) target_semaphore(%run_scoped3A : memref<!tpu.dma_semaphore, #tpu.memory_space<semaphore_mem>>)
      %dma_wait3A = arith.constant 0 : i32
      %dma_wait3A_72 = arith.constant 0 : i32
      %dma_wait3A_73 = tpu.memref_slice %arg8[%dma_wait3A, %dma_wait3A_72] : memref<128x128xf32, #tpu.memory_space<vmem>> -> memref<112x128xf32, #tpu.memory_space<vmem>>
      %dma_wait3A_74 = arith.constant 0 : i32
      %dma_wait3A_75 = tpu.memref_slice %arg5[%arg0, %add3A_55, %dma_wait3A_74] : memref<2x10000x128xf32, #tpu.memory_space<hbm>> -> memref<1x112x128xf32, #tpu.memory_space<hbm>>
      %dma_wait3A_76 = tpu.memref_squeeze %dma_wait3A_75 : memref<1x112x128xf32, #tpu.memory_space<hbm>> -> memref<112x128xf32, #tpu.memory_space<hbm>>
      %dma_wait3A_77 = arith.constant 0 : i32
      %dma_wait3A_78 = tpu.memref_slice %arg5[%arg0, %add3A_55, %dma_wait3A_77] : memref<2x10000x128xf32, #tpu.memory_space<hbm>> -> memref<1x112x128xf32, #tpu.memory_space<hbm>>
      %dma_wait3A_79 = tpu.memref_squeeze %dma_wait3A_78 : memref<1x112x128xf32, #tpu.memory_space<hbm>> -> memref<112x128xf32, #tpu.memory_space<hbm>>
      %dma_wait3A_80 = arith.constant 0 : i32
      %dma_wait3A_81 = arith.constant 0 : i32
      %dma_wait3A_82 = tpu.memref_slice %arg8[%dma_wait3A_80, %dma_wait3A_81] : memref<128x128xf32, #tpu.memory_space<vmem>> -> memref<112x128xf32, #tpu.memory_space<vmem>>
      tpu.wait_dma2 semaphore(%run_scoped3A : memref<!tpu.dma_semaphore, #tpu.memory_space<semaphore_mem>>) src(%dma_wait3A_82 : memref<112x128xf32, #tpu.memory_space<vmem>>) dst(%dma_wait3A_79 : memref<112x128xf32, #tpu.memory_space<hbm>>)
      tpu.yield
    }) : () -> ()
    %eq3A_56 = arith.constant 0 : i32
    %eq3A_57 = arith.cmpi eq, %arg1, %eq3A_56 : i32
    %convert_element_type3A_58 = arith.extui %eq3A_57 : i1 to i32
    %cond3A_59 = arith.constant 0 : i32
    %cond3A_60 = arith.cmpi ne, %convert_element_type3A_58, %cond3A_59 : i32
    scf.if %cond3A_60 {
      "tpu.region"() ({
        %run_scoped3A = tpu.sem_alloc : memref<!tpu.dma_semaphore, #tpu.memory_space<semaphore_mem>>
        %dma_start3A = arith.constant 0 : i32
        %dma_start3A_61 = arith.constant 0 : i32
        %dma_start3A_62 = tpu.memref_slice %arg8[%dma_start3A, %dma_start3A_61] : memref<128x128xf32, #tpu.memory_space<vmem>> -> memref<16x128xf32, #tpu.memory_space<vmem>>
        %dma_start3A_63 = arith.constant 9984 : i32
        %dma_start3A_64 = arith.constant 0 : i32
        %dma_start3A_65 = tpu.memref_slice %arg10[%dma_start3A_63, %dma_start3A_64] : memref<10128x128xf32, #tpu.memory_space<vmem_shared>> -> memref<16x128xf32, #tpu.memory_space<vmem_shared>>
        %dma_start3A_66 = arith.constant 0 : i32
        %dma_start3A_67 = arith.constant 0 : i32
        %dma_start3A_68 = tpu.memref_slice %arg8[%dma_start3A_66, %dma_start3A_67] : memref<128x128xf32, #tpu.memory_space<vmem>> -> memref<16x128xf32, #tpu.memory_space<vmem>>
        %dma_start3A_69 = arith.constant 9984 : i32
        %dma_start3A_70 = arith.constant 0 : i32
        %dma_start3A_71 = tpu.memref_slice %arg10[%dma_start3A_69, %dma_start3A_70] : memref<10128x128xf32, #tpu.memory_space<vmem_shared>> -> memref<16x128xf32, #tpu.memory_space<vmem_shared>>
        tpu.enqueue_dma source(%dma_start3A_71 : memref<16x128xf32, #tpu.memory_space<vmem_shared>>) target(%dma_start3A_68 : memref<16x128xf32, #tpu.memory_space<vmem>>) target_semaphore(%run_scoped3A : memref<!tpu.dma_semaphore, #tpu.memory_space<semaphore_mem>>)
        %dma_wait3A = arith.constant 0 : i32
        %dma_wait3A_72 = arith.constant 0 : i32
        %dma_wait3A_73 = tpu.memref_slice %arg8[%dma_wait3A, %dma_wait3A_72] : memref<128x128xf32, #tpu.memory_space<vmem>> -> memref<16x128xf32, #tpu.memory_space<vmem>>
        %dma_wait3A_74 = arith.constant 9984 : i32
        %dma_wait3A_75 = arith.constant 0 : i32
        %dma_wait3A_76 = tpu.memref_slice %arg10[%dma_wait3A_74, %dma_wait3A_75] : memref<10128x128xf32, #tpu.memory_space<vmem_shared>> -> memref<16x128xf32, #tpu.memory_space<vmem_shared>>
        %dma_wait3A_77 = arith.constant 0 : i32
        %dma_wait3A_78 = arith.constant 0 : i32
        %dma_wait3A_79 = tpu.memref_slice %arg8[%dma_wait3A_77, %dma_wait3A_78] : memref<128x128xf32, #tpu.memory_space<vmem>> -> memref<16x128xf32, #tpu.memory_space<vmem>>
        %dma_wait3A_80 = arith.constant 9984 : i32
        %dma_wait3A_81 = arith.constant 0 : i32
        %dma_wait3A_82 = tpu.memref_slice %arg10[%dma_wait3A_80, %dma_wait3A_81] : memref<10128x128xf32, #tpu.memory_space<vmem_shared>> -> memref<16x128xf32, #tpu.memory_space<vmem_shared>>
        tpu.wait_dma2 semaphore(%run_scoped3A : memref<!tpu.dma_semaphore, #tpu.memory_space<semaphore_mem>>) src(%dma_wait3A_82 : memref<16x128xf32, #tpu.memory_space<vmem_shared>>) dst(%dma_wait3A_79 : memref<16x128xf32, #tpu.memory_space<vmem>>)
        tpu.yield
      }) : () -> ()
      "tpu.region"() ({
        %run_scoped3A = tpu.sem_alloc : memref<!tpu.dma_semaphore, #tpu.memory_space<semaphore_mem>>
        %dma_start3A = arith.constant 0 : i32
        %dma_start3A_61 = arith.constant 0 : i32
        %dma_start3A_62 = tpu.memref_slice %arg8[%dma_start3A, %dma_start3A_61] : memref<128x128xf32, #tpu.memory_space<vmem>> -> memref<16x128xf32, #tpu.memory_space<vmem>>
        %dma_start3A_63 = arith.constant 9984 : i32
        %dma_start3A_64 = arith.constant 0 : i32
        %dma_start3A_65 = tpu.memref_slice %arg5[%arg0, %dma_start3A_63, %dma_start3A_64] : memref<2x10000x128xf32, #tpu.memory_space<hbm>> -> memref<1x16x128xf32, #tpu.memory_space<hbm>>
        %dma_start3A_66 = tpu.memref_squeeze %dma_start3A_65 : memref<1x16x128xf32, #tpu.memory_space<hbm>> -> memref<16x128xf32, #tpu.memory_space<hbm>>
        %dma_start3A_67 = arith.constant 9984 : i32
        %dma_start3A_68 = arith.constant 0 : i32
        %dma_start3A_69 = tpu.memref_slice %arg5[%arg0, %dma_start3A_67, %dma_start3A_68] : memref<2x10000x128xf32, #tpu.memory_space<hbm>> -> memref<1x16x128xf32, #tpu.memory_space<hbm>>
        %dma_start3A_70 = tpu.memref_squeeze %dma_start3A_69 : memref<1x16x128xf32, #tpu.memory_space<hbm>> -> memref<16x128xf32, #tpu.memory_space<hbm>>
        %dma_start3A_71 = arith.constant 0 : i32
        %dma_start3A_72 = arith.constant 0 : i32
        %dma_start3A_73 = tpu.memref_slice %arg8[%dma_start3A_71, %dma_start3A_72] : memref<128x128xf32, #tpu.memory_space<vmem>> -> memref<16x128xf32, #tpu.memory_space<vmem>>
        tpu.enqueue_dma source(%dma_start3A_73 : memref<16x128xf32, #tpu.memory_space<vmem>>) target(%dma_start3A_70 : memref<16x128xf32, #tpu.memory_space<hbm>>) target_semaphore(%run_scoped3A : memref<!tpu.dma_semaphore, #tpu.memory_space<semaphore_mem>>)
        %dma_wait3A = arith.constant 0 : i32
        %dma_wait3A_74 = arith.constant 0 : i32
        %dma_wait3A_75 = tpu.memref_slice %arg8[%dma_wait3A, %dma_wait3A_74] : memref<128x128xf32, #tpu.memory_space<vmem>> -> memref<16x128xf32, #tpu.memory_space<vmem>>
        %dma_wait3A_76 = arith.constant 9984 : i32
        %dma_wait3A_77 = arith.constant 0 : i32
        %dma_wait3A_78 = tpu.memref_slice %arg5[%arg0, %dma_wait3A_76, %dma_wait3A_77] : memref<2x10000x128xf32, #tpu.memory_space<hbm>> -> memref<1x16x128xf32, #tpu.memory_space<hbm>>
        %dma_wait3A_79 = tpu.memref_squeeze %dma_wait3A_78 : memref<1x16x128xf32, #tpu.memory_space<hbm>> -> memref<16x128xf32, #tpu.memory_space<hbm>>
        %dma_wait3A_80 = arith.constant 9984 : i32
        %dma_wait3A_81 = arith.constant 0 : i32
        %dma_wait3A_82 = tpu.memref_slice %arg5[%arg0, %dma_wait3A_80, %dma_wait3A_81] : memref<2x10000x128xf32, #tpu.memory_space<hbm>> -> memref<1x16x128xf32, #tpu.memory_space<hbm>>
        %dma_wait3A_83 = tpu.memref_squeeze %dma_wait3A_82 : memref<1x16x128xf32, #tpu.memory_space<hbm>> -> memref<16x128xf32, #tpu.memory_space<hbm>>
        %dma_wait3A_84 = arith.constant 0 : i32
        %dma_wait3A_85 = arith.constant 0 : i32
        %dma_wait3A_86 = tpu.memref_slice %arg8[%dma_wait3A_84, %dma_wait3A_85] : memref<128x128xf32, #tpu.memory_space<vmem>> -> memref<16x128xf32, #tpu.memory_space<vmem>>
        tpu.wait_dma2 semaphore(%run_scoped3A : memref<!tpu.dma_semaphore, #tpu.memory_space<semaphore_mem>>) src(%dma_wait3A_86 : memref<16x128xf32, #tpu.memory_space<vmem>>) dst(%dma_wait3A_83 : memref<16x128xf32, #tpu.memory_space<hbm>>)
        tpu.yield
      }) : () -> ()
    } else {
    }
    return
  }
}

#map = affine_map<(d0, d1) -> (0, 0)>
#map1 = affine_map<(d0, d1) -> (0, 0, 0)>
module attributes {stable_mosaic.version = 14 : i64} {
  func.func @agg(%arg0: i32, %arg1: i32, %arg2: memref<10000x128xf32, #tpu.memory_space<hbm>>, %arg3: memref<32x40x128xi32, #tpu.memory_space<hbm>>, %arg4: memref<32x40x128xi32, #tpu.memory_space<hbm>>, %arg5: memref<2x10000x128xf32, #tpu.memory_space<hbm>>, %arg6: memref<40x128xi32, #tpu.memory_space<vmem>>, %arg7: memref<40x128xi32, #tpu.memory_space<vmem>>, %arg8: memref<128x128xf32, #tpu.memory_space<vmem>>, %arg9: memref<128x128xf32, #tpu.memory_space<vmem>>, %arg10: memref<10128x128xf32, #tpu.memory_space<vmem_shared>>, %arg11: memref<!tpu.dma_semaphore, #tpu.memory_space<semaphore_mem>>, %arg12: memref<!tpu.dma_semaphore, #tpu.memory_space<semaphore_mem>>) attributes {dimension_semantics = [#tpu.dimension_semantics<core_parallel>, #tpu.dimension_semantics<subcore_parallel>], iteration_bounds = array<i64: 2, 16>, scalar_prefetch = 0 : i64, scratch_operands = 7 : i64, tpu.core_type = #tpu.core_type<sc_vector_subcore>, window_params = [{transform_indices = #map}, {transform_indices = #map1}, {transform_indices = #map1}, {transform_indices = #map1}]} {
    %mul3A = arith.constant 16 : i32
    %mul3A_0 = arith.muli %arg0, %mul3A : i32
    %add3A = arith.addi %mul3A_0, %arg1 : i32
    %broadcast_in_dim3A = arith.constant 0.000000e+00 : f32
    %broadcast_in_dim3A_1 = vector.broadcast %broadcast_in_dim3A : f32 to vector<16xf32>
    %scan3A = arith.constant 0 : i32
    %scan3A_2 = arith.constant 0 : i32
    %scan3A_3 = arith.constant 1024 : i32
    %scan3A_4 = arith.addi %scan3A_2, %scan3A_3 : i32
    %scan3A_5 = arith.constant 1 : i32
    scf.for %scan3A_61 = %scan3A_2 to %scan3A_4 step %scan3A_5  : i32 {
      %jit3A = arith.constant 8 : i32
      %div3A = arith.divsi %scan3A_61, %jit3A : i32
      %sign3A = arith.constant 0 : i32
      %sign3A_62 = arith.cmpi sgt, %scan3A_61, %sign3A : i32
      %sign3A_63 = arith.extui %sign3A_62 : i1 to i32
      %sign3A_64 = arith.constant 0 : i32
      %sign3A_65 = arith.cmpi slt, %scan3A_61, %sign3A_64 : i32
      %sign3A_66 = arith.extui %sign3A_65 : i1 to i32
      %sign3A_67 = arith.subi %sign3A_63, %sign3A_66 : i32
      %sign3A_68 = arith.constant 0 : i32
      %sign3A_69 = arith.cmpi sgt, %jit3A, %sign3A_68 : i32
      %sign3A_70 = arith.extui %sign3A_69 : i1 to i32
      %sign3A_71 = arith.constant 0 : i32
      %sign3A_72 = arith.cmpi slt, %jit3A, %sign3A_71 : i32
      %sign3A_73 = arith.extui %sign3A_72 : i1 to i32
      %sign3A_74 = arith.subi %sign3A_70, %sign3A_73 : i32
      %ne3A = arith.cmpi ne, %sign3A_67, %sign3A_74 : i32
      %rem3A = arith.remsi %scan3A_61, %jit3A : i32
      %ne3A_75 = arith.constant 0 : i32
      %ne3A_76 = arith.cmpi ne, %rem3A, %ne3A_75 : i32
      %and3A = arith.andi %ne3A, %ne3A_76 : i1
      %sub3A = arith.constant 1 : i32
      %sub3A_77 = arith.subi %div3A, %sub3A : i32
      %select_n3A = arith.select %and3A, %sub3A_77, %div3A : i32
      %jit3A_78 = arith.constant 8 : i32
      %eq3A_79 = arith.constant 0 : i32
      %eq3A_80 = arith.cmpi eq, %jit3A_78, %eq3A_79 : i32
      %jit3A_81 = arith.constant 1 : i32
      %select_n3A_82 = arith.select %eq3A_80, %jit3A_81, %jit3A_78 : i32
      %rem3A_83 = arith.remsi %scan3A_61, %select_n3A_82 : i32
      %ne3A_84 = arith.constant 0 : i32
      %ne3A_85 = arith.cmpi ne, %rem3A_83, %ne3A_84 : i32
      %lt3A = arith.constant 0 : i32
      %lt3A_86 = arith.cmpi slt, %rem3A_83, %lt3A : i32
      %lt3A_87 = arith.constant 0 : i32
      %lt3A_88 = arith.cmpi slt, %select_n3A_82, %lt3A_87 : i32
      %ne3A_89 = arith.xori %lt3A_86, %lt3A_88 : i1
      %and3A_90 = arith.andi %ne3A_89, %ne3A_85 : i1
      %add3A_91 = arith.addi %rem3A_83, %select_n3A_82 : i32
      %select_n3A_92 = arith.select %and3A_90, %add3A_91, %rem3A_83 : i32
      %mul3A_93 = arith.constant 16 : i32
      %mul3A_94 = arith.muli %select_n3A_92, %mul3A_93 : i32
      %swap3A = arith.index_cast %select_n3A : i32 to index
      %swap3A_95 = arith.index_cast %mul3A_94 : i32 to index
      %swap3A_96 = tpu.vector_load %arg8[%swap3A, %swap3A_95] {strides = array<i32>} : memref<128x128xf32, #tpu.memory_space<vmem>>, vector<16xf32>,
      tpu.vector_store %arg8[%swap3A, %swap3A_95], %broadcast_in_dim3A_1 {strides = array<i32>} : memref<128x128xf32, #tpu.memory_space<vmem>>, vector<16xf32>,
    }
    %scan3A_6 = arith.constant 1024 : i32
    %mul3A_7 = arith.constant 624 : i32
    %mul3A_8 = arith.muli %arg1, %mul3A_7 : i32
    %add3A_9 = arith.constant 0 : i32
    %add3A_10 = arith.addi %mul3A_8, %add3A_9 : i32
    "tpu.region"() ({
      %run_scoped3A = tpu.sem_alloc : memref<!tpu.dma_semaphore, #tpu.memory_space<semaphore_mem>>
      %dma_start3A = arith.constant 0 : i32
      %dma_start3A_61 = arith.constant 0 : i32
      %dma_start3A_62 = tpu.memref_slice %arg8[%dma_start3A, %dma_start3A_61] : memref<128x128xf32, #tpu.memory_space<vmem>> -> memref<128x128xf32, #tpu.memory_space<vmem>>
      %dma_start3A_63 = arith.constant 0 : i32
      %dma_start3A_64 = tpu.memref_slice %arg10[%add3A_10, %dma_start3A_63] : memref<10128x128xf32, #tpu.memory_space<vmem_shared>> -> memref<128x128xf32, #tpu.memory_space<vmem_shared>>
      %dma_start3A_65 = arith.constant 0 : i32
      %dma_start3A_66 = tpu.memref_slice %arg10[%add3A_10, %dma_start3A_65] : memref<10128x128xf32, #tpu.memory_space<vmem_shared>> -> memref<128x128xf32, #tpu.memory_space<vmem_shared>>
      %dma_start3A_67 = arith.constant 0 : i32
      %dma_start3A_68 = arith.constant 0 : i32
      %dma_start3A_69 = tpu.memref_slice %arg8[%dma_start3A_67, %dma_start3A_68] : memref<128x128xf32, #tpu.memory_space<vmem>> -> memref<128x128xf32, #tpu.memory_space<vmem>>
      tpu.enqueue_dma source(%dma_start3A_69 : memref<128x128xf32, #tpu.memory_space<vmem>>) target(%dma_start3A_66 : memref<128x128xf32, #tpu.memory_space<vmem_shared>>) target_semaphore(%run_scoped3A : memref<!tpu.dma_semaphore, #tpu.memory_space<semaphore_mem>>)
      %dma_wait3A = arith.constant 0 : i32
      %dma_wait3A_70 = arith.constant 0 : i32
      %dma_wait3A_71 = tpu.memref_slice %arg8[%dma_wait3A, %dma_wait3A_70] : memref<128x128xf32, #tpu.memory_space<vmem>> -> memref<128x128xf32, #tpu.memory_space<vmem>>
      %dma_wait3A_72 = arith.constant 0 : i32
      %dma_wait3A_73 = tpu.memref_slice %arg10[%add3A_10, %dma_wait3A_72] : memref<10128x128xf32, #tpu.memory_space<vmem_shared>> -> memref<128x128xf32, #tpu.memory_space<vmem_shared>>
      %dma_wait3A_74 = arith.constant 0 : i32
      %dma_wait3A_75 = tpu.memref_slice %arg10[%add3A_10, %dma_wait3A_74] : memref<10128x128xf32, #tpu.memory_space<vmem_shared>> -> memref<128x128xf32, #tpu.memory_space<vmem_shared>>
      %dma_wait3A_76 = arith.constant 0 : i32
      %dma_wait3A_77 = arith.constant 0 : i32
      %dma_wait3A_78 = tpu.memref_slice %arg8[%dma_wait3A_76, %dma_wait3A_77] : memref<128x128xf32, #tpu.memory_space<vmem>> -> memref<128x128xf32, #tpu.memory_space<vmem>>
      tpu.wait_dma2 semaphore(%run_scoped3A : memref<!tpu.dma_semaphore, #tpu.memory_space<semaphore_mem>>) src(%dma_wait3A_78 : memref<128x128xf32, #tpu.memory_space<vmem>>) dst(%dma_wait3A_75 : memref<128x128xf32, #tpu.memory_space<vmem_shared>>)
      tpu.yield
    }) : () -> ()
    %mul3A_11 = arith.constant 624 : i32
    %mul3A_12 = arith.muli %arg1, %mul3A_11 : i32
    %add3A_13 = arith.constant 128 : i32
    %add3A_14 = arith.addi %mul3A_12, %add3A_13 : i32
    "tpu.region"() ({
      %run_scoped3A = tpu.sem_alloc : memref<!tpu.dma_semaphore, #tpu.memory_space<semaphore_mem>>
      %dma_start3A = arith.constant 0 : i32
      %dma_start3A_61 = arith.constant 0 : i32
      %dma_start3A_62 = tpu.memref_slice %arg8[%dma_start3A, %dma_start3A_61] : memref<128x128xf32, #tpu.memory_space<vmem>> -> memref<128x128xf32, #tpu.memory_space<vmem>>
      %dma_start3A_63 = arith.constant 0 : i32
      %dma_start3A_64 = tpu.memref_slice %arg10[%add3A_14, %dma_start3A_63] : memref<10128x128xf32, #tpu.memory_space<vmem_shared>> -> memref<128x128xf32, #tpu.memory_space<vmem_shared>>
      %dma_start3A_65 = arith.constant 0 : i32
      %dma_start3A_66 = tpu.memref_slice %arg10[%add3A_14, %dma_start3A_65] : memref<10128x128xf32, #tpu.memory_space<vmem_shared>> -> memref<128x128xf32, #tpu.memory_space<vmem_shared>>
      %dma_start3A_67 = arith.constant 0 : i32
      %dma_start3A_68 = arith.constant 0 : i32
      %dma_start3A_69 = tpu.memref_slice %arg8[%dma_start3A_67, %dma_start3A_68] : memref<128x128xf32, #tpu.memory_space<vmem>> -> memref<128x128xf32, #tpu.memory_space<vmem>>
      tpu.enqueue_dma source(%dma_start3A_69 : memref<128x128xf32, #tpu.memory_space<vmem>>) target(%dma_start3A_66 : memref<128x128xf32, #tpu.memory_space<vmem_shared>>) target_semaphore(%run_scoped3A : memref<!tpu.dma_semaphore, #tpu.memory_space<semaphore_mem>>)
      %dma_wait3A = arith.constant 0 : i32
      %dma_wait3A_70 = arith.constant 0 : i32
      %dma_wait3A_71 = tpu.memref_slice %arg8[%dma_wait3A, %dma_wait3A_70] : memref<128x128xf32, #tpu.memory_space<vmem>> -> memref<128x128xf32, #tpu.memory_space<vmem>>
      %dma_wait3A_72 = arith.constant 0 : i32
      %dma_wait3A_73 = tpu.memref_slice %arg10[%add3A_14, %dma_wait3A_72] : memref<10128x128xf32, #tpu.memory_space<vmem_shared>> -> memref<128x128xf32, #tpu.memory_space<vmem_shared>>
      %dma_wait3A_74 = arith.constant 0 : i32
      %dma_wait3A_75 = tpu.memref_slice %arg10[%add3A_14, %dma_wait3A_74] : memref<10128x128xf32, #tpu.memory_space<vmem_shared>> -> memref<128x128xf32, #tpu.memory_space<vmem_shared>>
      %dma_wait3A_76 = arith.constant 0 : i32
      %dma_wait3A_77 = arith.constant 0 : i32
      %dma_wait3A_78 = tpu.memref_slice %arg8[%dma_wait3A_76, %dma_wait3A_77] : memref<128x128xf32, #tpu.memory_space<vmem>> -> memref<128x128xf32, #tpu.memory_space<vmem>>
      tpu.wait_dma2 semaphore(%run_scoped3A : memref<!tpu.dma_semaphore, #tpu.memory_space<semaphore_mem>>) src(%dma_wait3A_78 : memref<128x128xf32, #tpu.memory_space<vmem>>) dst(%dma_wait3A_75 : memref<128x128xf32, #tpu.memory_space<vmem_shared>>)
      tpu.yield
    }) : () -> ()
    %mul3A_15 = arith.constant 624 : i32
    %mul3A_16 = arith.muli %arg1, %mul3A_15 : i32
    %add3A_17 = arith.constant 256 : i32
    %add3A_18 = arith.addi %mul3A_16, %add3A_17 : i32
    "tpu.region"() ({
      %run_scoped3A = tpu.sem_alloc : memref<!tpu.dma_semaphore, #tpu.memory_space<semaphore_mem>>
      %dma_start3A = arith.constant 0 : i32
      %dma_start3A_61 = arith.constant 0 : i32
      %dma_start3A_62 = tpu.memref_slice %arg8[%dma_start3A, %dma_start3A_61] : memref<128x128xf32, #tpu.memory_space<vmem>> -> memref<128x128xf32, #tpu.memory_space<vmem>>
      %dma_start3A_63 = arith.constant 0 : i32
      %dma_start3A_64 = tpu.memref_slice %arg10[%add3A_18, %dma_start3A_63] : memref<10128x128xf32, #tpu.memory_space<vmem_shared>> -> memref<128x128xf32, #tpu.memory_space<vmem_shared>>
      %dma_start3A_65 = arith.constant 0 : i32
      %dma_start3A_66 = tpu.memref_slice %arg10[%add3A_18, %dma_start3A_65] : memref<10128x128xf32, #tpu.memory_space<vmem_shared>> -> memref<128x128xf32, #tpu.memory_space<vmem_shared>>
      %dma_start3A_67 = arith.constant 0 : i32
      %dma_start3A_68 = arith.constant 0 : i32
      %dma_start3A_69 = tpu.memref_slice %arg8[%dma_start3A_67, %dma_start3A_68] : memref<128x128xf32, #tpu.memory_space<vmem>> -> memref<128x128xf32, #tpu.memory_space<vmem>>
      tpu.enqueue_dma source(%dma_start3A_69 : memref<128x128xf32, #tpu.memory_space<vmem>>) target(%dma_start3A_66 : memref<128x128xf32, #tpu.memory_space<vmem_shared>>) target_semaphore(%run_scoped3A : memref<!tpu.dma_semaphore, #tpu.memory_space<semaphore_mem>>)
      %dma_wait3A = arith.constant 0 : i32
      %dma_wait3A_70 = arith.constant 0 : i32
      %dma_wait3A_71 = tpu.memref_slice %arg8[%dma_wait3A, %dma_wait3A_70] : memref<128x128xf32, #tpu.memory_space<vmem>> -> memref<128x128xf32, #tpu.memory_space<vmem>>
      %dma_wait3A_72 = arith.constant 0 : i32
      %dma_wait3A_73 = tpu.memref_slice %arg10[%add3A_18, %dma_wait3A_72] : memref<10128x128xf32, #tpu.memory_space<vmem_shared>> -> memref<128x128xf32, #tpu.memory_space<vmem_shared>>
      %dma_wait3A_74 = arith.constant 0 : i32
      %dma_wait3A_75 = tpu.memref_slice %arg10[%add3A_18, %dma_wait3A_74] : memref<10128x128xf32, #tpu.memory_space<vmem_shared>> -> memref<128x128xf32, #tpu.memory_space<vmem_shared>>
      %dma_wait3A_76 = arith.constant 0 : i32
      %dma_wait3A_77 = arith.constant 0 : i32
      %dma_wait3A_78 = tpu.memref_slice %arg8[%dma_wait3A_76, %dma_wait3A_77] : memref<128x128xf32, #tpu.memory_space<vmem>> -> memref<128x128xf32, #tpu.memory_space<vmem>>
      tpu.wait_dma2 semaphore(%run_scoped3A : memref<!tpu.dma_semaphore, #tpu.memory_space<semaphore_mem>>) src(%dma_wait3A_78 : memref<128x128xf32, #tpu.memory_space<vmem>>) dst(%dma_wait3A_75 : memref<128x128xf32, #tpu.memory_space<vmem_shared>>)
      tpu.yield
    }) : () -> ()
    %mul3A_19 = arith.constant 624 : i32
    %mul3A_20 = arith.muli %arg1, %mul3A_19 : i32
    %add3A_21 = arith.constant 384 : i32
    %add3A_22 = arith.addi %mul3A_20, %add3A_21 : i32
    "tpu.region"() ({
      %run_scoped3A = tpu.sem_alloc : memref<!tpu.dma_semaphore, #tpu.memory_space<semaphore_mem>>
      %dma_start3A = arith.constant 0 : i32
      %dma_start3A_61 = arith.constant 0 : i32
      %dma_start3A_62 = tpu.memref_slice %arg8[%dma_start3A, %dma_start3A_61] : memref<128x128xf32, #tpu.memory_space<vmem>> -> memref<128x128xf32, #tpu.memory_space<vmem>>
      %dma_start3A_63 = arith.constant 0 : i32
      %dma_start3A_64 = tpu.memref_slice %arg10[%add3A_22, %dma_start3A_63] : memref<10128x128xf32, #tpu.memory_space<vmem_shared>> -> memref<128x128xf32, #tpu.memory_space<vmem_shared>>
      %dma_start3A_65 = arith.constant 0 : i32
      %dma_start3A_66 = tpu.memref_slice %arg10[%add3A_22, %dma_start3A_65] : memref<10128x128xf32, #tpu.memory_space<vmem_shared>> -> memref<128x128xf32, #tpu.memory_space<vmem_shared>>
      %dma_start3A_67 = arith.constant 0 : i32
      %dma_start3A_68 = arith.constant 0 : i32
      %dma_start3A_69 = tpu.memref_slice %arg8[%dma_start3A_67, %dma_start3A_68] : memref<128x128xf32, #tpu.memory_space<vmem>> -> memref<128x128xf32, #tpu.memory_space<vmem>>
      tpu.enqueue_dma source(%dma_start3A_69 : memref<128x128xf32, #tpu.memory_space<vmem>>) target(%dma_start3A_66 : memref<128x128xf32, #tpu.memory_space<vmem_shared>>) target_semaphore(%run_scoped3A : memref<!tpu.dma_semaphore, #tpu.memory_space<semaphore_mem>>)
      %dma_wait3A = arith.constant 0 : i32
      %dma_wait3A_70 = arith.constant 0 : i32
      %dma_wait3A_71 = tpu.memref_slice %arg8[%dma_wait3A, %dma_wait3A_70] : memref<128x128xf32, #tpu.memory_space<vmem>> -> memref<128x128xf32, #tpu.memory_space<vmem>>
      %dma_wait3A_72 = arith.constant 0 : i32
      %dma_wait3A_73 = tpu.memref_slice %arg10[%add3A_22, %dma_wait3A_72] : memref<10128x128xf32, #tpu.memory_space<vmem_shared>> -> memref<128x128xf32, #tpu.memory_space<vmem_shared>>
      %dma_wait3A_74 = arith.constant 0 : i32
      %dma_wait3A_75 = tpu.memref_slice %arg10[%add3A_22, %dma_wait3A_74] : memref<10128x128xf32, #tpu.memory_space<vmem_shared>> -> memref<128x128xf32, #tpu.memory_space<vmem_shared>>
      %dma_wait3A_76 = arith.constant 0 : i32
      %dma_wait3A_77 = arith.constant 0 : i32
      %dma_wait3A_78 = tpu.memref_slice %arg8[%dma_wait3A_76, %dma_wait3A_77] : memref<128x128xf32, #tpu.memory_space<vmem>> -> memref<128x128xf32, #tpu.memory_space<vmem>>
      tpu.wait_dma2 semaphore(%run_scoped3A : memref<!tpu.dma_semaphore, #tpu.memory_space<semaphore_mem>>) src(%dma_wait3A_78 : memref<128x128xf32, #tpu.memory_space<vmem>>) dst(%dma_wait3A_75 : memref<128x128xf32, #tpu.memory_space<vmem_shared>>)
      tpu.yield
    }) : () -> ()
    %mul3A_23 = arith.constant 624 : i32
    %mul3A_24 = arith.muli %arg1, %mul3A_23 : i32
    %add3A_25 = arith.constant 512 : i32
    %add3A_26 = arith.addi %mul3A_24, %add3A_25 : i32
    "tpu.region"() ({
      %run_scoped3A = tpu.sem_alloc : memref<!tpu.dma_semaphore, #tpu.memory_space<semaphore_mem>>
      %dma_start3A = arith.constant 0 : i32
      %dma_start3A_61 = arith.constant 0 : i32
      %dma_start3A_62 = tpu.memref_slice %arg8[%dma_start3A, %dma_start3A_61] : memref<128x128xf32, #tpu.memory_space<vmem>> -> memref<112x128xf32, #tpu.memory_space<vmem>>
      %dma_start3A_63 = arith.constant 0 : i32
      %dma_start3A_64 = tpu.memref_slice %arg10[%add3A_26, %dma_start3A_63] : memref<10128x128xf32, #tpu.memory_space<vmem_shared>> -> memref<112x128xf32, #tpu.memory_space<vmem_shared>>
      %dma_start3A_65 = arith.constant 0 : i32
      %dma_start3A_66 = tpu.memref_slice %arg10[%add3A_26, %dma_start3A_65] : memref<10128x128xf32, #tpu.memory_space<vmem_shared>> -> memref<112x128xf32, #tpu.memory_space<vmem_shared>>
      %dma_start3A_67 = arith.constant 0 : i32
      %dma_start3A_68 = arith.constant 0 : i32
      %dma_start3A_69 = tpu.memref_slice %arg8[%dma_start3A_67, %dma_start3A_68] : memref<128x128xf32, #tpu.memory_space<vmem>> -> memref<112x128xf32, #tpu.memory_space<vmem>>
      tpu.enqueue_dma source(%dma_start3A_69 : memref<112x128xf32, #tpu.memory_space<vmem>>) target(%dma_start3A_66 : memref<112x128xf32, #tpu.memory_space<vmem_shared>>) target_semaphore(%run_scoped3A : memref<!tpu.dma_semaphore, #tpu.memory_space<semaphore_mem>>)
      %dma_wait3A = arith.constant 0 : i32
      %dma_wait3A_70 = arith.constant 0 : i32
      %dma_wait3A_71 = tpu.memref_slice %arg8[%dma_wait3A, %dma_wait3A_70] : memref<128x128xf32, #tpu.memory_space<vmem>> -> memref<112x128xf32, #tpu.memory_space<vmem>>
      %dma_wait3A_72 = arith.constant 0 : i32
      %dma_wait3A_73 = tpu.memref_slice %arg10[%add3A_26, %dma_wait3A_72] : memref<10128x128xf32, #tpu.memory_space<vmem_shared>> -> memref<112x128xf32, #tpu.memory_space<vmem_shared>>
      %dma_wait3A_74 = arith.constant 0 : i32
      %dma_wait3A_75 = tpu.memref_slice %arg10[%add3A_26, %dma_wait3A_74] : memref<10128x128xf32, #tpu.memory_space<vmem_shared>> -> memref<112x128xf32, #tpu.memory_space<vmem_shared>>
      %dma_wait3A_76 = arith.constant 0 : i32
      %dma_wait3A_77 = arith.constant 0 : i32
      %dma_wait3A_78 = tpu.memref_slice %arg8[%dma_wait3A_76, %dma_wait3A_77] : memref<128x128xf32, #tpu.memory_space<vmem>> -> memref<112x128xf32, #tpu.memory_space<vmem>>
      tpu.wait_dma2 semaphore(%run_scoped3A : memref<!tpu.dma_semaphore, #tpu.memory_space<semaphore_mem>>) src(%dma_wait3A_78 : memref<112x128xf32, #tpu.memory_space<vmem>>) dst(%dma_wait3A_75 : memref<112x128xf32, #tpu.memory_space<vmem_shared>>)
      tpu.yield
    }) : () -> ()
    %eq3A = arith.constant 0 : i32
    %eq3A_27 = arith.cmpi eq, %arg1, %eq3A : i32
    %convert_element_type3A = arith.extui %eq3A_27 : i1 to i32
    %cond3A = arith.constant 0 : i32
    %cond3A_28 = arith.cmpi ne, %convert_element_type3A, %cond3A : i32
    scf.if %cond3A_28 {
      "tpu.region"() ({
        %run_scoped3A = tpu.sem_alloc : memref<!tpu.dma_semaphore, #tpu.memory_space<semaphore_mem>>
        %dma_start3A = arith.constant 0 : i32
        %dma_start3A_61 = arith.constant 0 : i32
        %dma_start3A_62 = tpu.memref_slice %arg8[%dma_start3A, %dma_start3A_61] : memref<128x128xf32, #tpu.memory_space<vmem>> -> memref<16x128xf32, #tpu.memory_space<vmem>>
        %dma_start3A_63 = arith.constant 9984 : i32
        %dma_start3A_64 = arith.constant 0 : i32
        %dma_start3A_65 = tpu.memref_slice %arg10[%dma_start3A_63, %dma_start3A_64] : memref<10128x128xf32, #tpu.memory_space<vmem_shared>> -> memref<16x128xf32, #tpu.memory_space<vmem_shared>>
        %dma_start3A_66 = arith.constant 9984 : i32
        %dma_start3A_67 = arith.constant 0 : i32
        %dma_start3A_68 = tpu.memref_slice %arg10[%dma_start3A_66, %dma_start3A_67] : memref<10128x128xf32, #tpu.memory_space<vmem_shared>> -> memref<16x128xf32, #tpu.memory_space<vmem_shared>>
        %dma_start3A_69 = arith.constant 0 : i32
        %dma_start3A_70 = arith.constant 0 : i32
        %dma_start3A_71 = tpu.memref_slice %arg8[%dma_start3A_69, %dma_start3A_70] : memref<128x128xf32, #tpu.memory_space<vmem>> -> memref<16x128xf32, #tpu.memory_space<vmem>>
        tpu.enqueue_dma source(%dma_start3A_71 : memref<16x128xf32, #tpu.memory_space<vmem>>) target(%dma_start3A_68 : memref<16x128xf32, #tpu.memory_space<vmem_shared>>) target_semaphore(%run_scoped3A : memref<!tpu.dma_semaphore, #tpu.memory_space<semaphore_mem>>)
        %dma_wait3A = arith.constant 0 : i32
        %dma_wait3A_72 = arith.constant 0 : i32
        %dma_wait3A_73 = tpu.memref_slice %arg8[%dma_wait3A, %dma_wait3A_72] : memref<128x128xf32, #tpu.memory_space<vmem>> -> memref<16x128xf32, #tpu.memory_space<vmem>>
        %dma_wait3A_74 = arith.constant 9984 : i32
        %dma_wait3A_75 = arith.constant 0 : i32
        %dma_wait3A_76 = tpu.memref_slice %arg10[%dma_wait3A_74, %dma_wait3A_75] : memref<10128x128xf32, #tpu.memory_space<vmem_shared>> -> memref<16x128xf32, #tpu.memory_space<vmem_shared>>
        %dma_wait3A_77 = arith.constant 9984 : i32
        %dma_wait3A_78 = arith.constant 0 : i32
        %dma_wait3A_79 = tpu.memref_slice %arg10[%dma_wait3A_77, %dma_wait3A_78] : memref<10128x128xf32, #tpu.memory_space<vmem_shared>> -> memref<16x128xf32, #tpu.memory_space<vmem_shared>>
        %dma_wait3A_80 = arith.constant 0 : i32
        %dma_wait3A_81 = arith.constant 0 : i32
        %dma_wait3A_82 = tpu.memref_slice %arg8[%dma_wait3A_80, %dma_wait3A_81] : memref<128x128xf32, #tpu.memory_space<vmem>> -> memref<16x128xf32, #tpu.memory_space<vmem>>
        tpu.wait_dma2 semaphore(%run_scoped3A : memref<!tpu.dma_semaphore, #tpu.memory_space<semaphore_mem>>) src(%dma_wait3A_82 : memref<16x128xf32, #tpu.memory_space<vmem>>) dst(%dma_wait3A_79 : memref<16x128xf32, #tpu.memory_space<vmem_shared>>)
        tpu.yield
      }) : () -> ()
    } else {
    }
    "tpu.region"() ({
      %run_scoped3A = tpu.sem_alloc : memref<!tpu.dma_semaphore, #tpu.memory_space<semaphore_mem>>
      %dma_start3A = arith.constant 0 : i32
      %dma_start3A_61 = arith.constant 0 : i32
      %dma_start3A_62 = tpu.memref_slice %arg3[%add3A, %dma_start3A, %dma_start3A_61] : memref<32x40x128xi32, #tpu.memory_space<hbm>> -> memref<1x40x128xi32, #tpu.memory_space<hbm>>
      %dma_start3A_63 = tpu.memref_squeeze %dma_start3A_62 : memref<1x40x128xi32, #tpu.memory_space<hbm>> -> memref<40x128xi32, #tpu.memory_space<hbm>>
      %dma_start3A_64 = arith.constant 0 : i32
      %dma_start3A_65 = arith.constant 0 : i32
      %dma_start3A_66 = tpu.memref_slice %arg3[%add3A, %dma_start3A_64, %dma_start3A_65] : memref<32x40x128xi32, #tpu.memory_space<hbm>> -> memref<1x40x128xi32, #tpu.memory_space<hbm>>
      %dma_start3A_67 = tpu.memref_squeeze %dma_start3A_66 : memref<1x40x128xi32, #tpu.memory_space<hbm>> -> memref<40x128xi32, #tpu.memory_space<hbm>>
      tpu.enqueue_dma source(%dma_start3A_67 : memref<40x128xi32, #tpu.memory_space<hbm>>) target(%arg6 : memref<40x128xi32, #tpu.memory_space<vmem>>) target_semaphore(%run_scoped3A : memref<!tpu.dma_semaphore, #tpu.memory_space<semaphore_mem>>)
      %dma_wait3A = arith.constant 0 : i32
      %dma_wait3A_68 = arith.constant 0 : i32
      %dma_wait3A_69 = tpu.memref_slice %arg3[%add3A, %dma_wait3A, %dma_wait3A_68] : memref<32x40x128xi32, #tpu.memory_space<hbm>> -> memref<1x40x128xi32, #tpu.memory_space<hbm>>
      %dma_wait3A_70 = tpu.memref_squeeze %dma_wait3A_69 : memref<1x40x128xi32, #tpu.memory_space<hbm>> -> memref<40x128xi32, #tpu.memory_space<hbm>>
      %dma_wait3A_71 = arith.constant 0 : i32
      %dma_wait3A_72 = arith.constant 0 : i32
      %dma_wait3A_73 = tpu.memref_slice %arg3[%add3A, %dma_wait3A_71, %dma_wait3A_72] : memref<32x40x128xi32, #tpu.memory_space<hbm>> -> memref<1x40x128xi32, #tpu.memory_space<hbm>>
      %dma_wait3A_74 = tpu.memref_squeeze %dma_wait3A_73 : memref<1x40x128xi32, #tpu.memory_space<hbm>> -> memref<40x128xi32, #tpu.memory_space<hbm>>
      tpu.wait_dma2 semaphore(%run_scoped3A : memref<!tpu.dma_semaphore, #tpu.memory_space<semaphore_mem>>) src(%dma_wait3A_74 : memref<40x128xi32, #tpu.memory_space<hbm>>) dst(%arg6 : memref<40x128xi32, #tpu.memory_space<vmem>>)
      tpu.yield
    }) : () -> ()
    "tpu.region"() ({
      %run_scoped3A = tpu.sem_alloc : memref<!tpu.dma_semaphore, #tpu.memory_space<semaphore_mem>>
      %dma_start3A = arith.constant 0 : i32
      %dma_start3A_61 = arith.constant 0 : i32
      %dma_start3A_62 = tpu.memref_slice %arg4[%add3A, %dma_start3A, %dma_start3A_61] : memref<32x40x128xi32, #tpu.memory_space<hbm>> -> memref<1x40x128xi32, #tpu.memory_space<hbm>>
      %dma_start3A_63 = tpu.memref_squeeze %dma_start3A_62 : memref<1x40x128xi32, #tpu.memory_space<hbm>> -> memref<40x128xi32, #tpu.memory_space<hbm>>
      %dma_start3A_64 = arith.constant 0 : i32
      %dma_start3A_65 = arith.constant 0 : i32
      %dma_start3A_66 = tpu.memref_slice %arg4[%add3A, %dma_start3A_64, %dma_start3A_65] : memref<32x40x128xi32, #tpu.memory_space<hbm>> -> memref<1x40x128xi32, #tpu.memory_space<hbm>>
      %dma_start3A_67 = tpu.memref_squeeze %dma_start3A_66 : memref<1x40x128xi32, #tpu.memory_space<hbm>> -> memref<40x128xi32, #tpu.memory_space<hbm>>
      tpu.enqueue_dma source(%dma_start3A_67 : memref<40x128xi32, #tpu.memory_space<hbm>>) target(%arg7 : memref<40x128xi32, #tpu.memory_space<vmem>>) target_semaphore(%run_scoped3A : memref<!tpu.dma_semaphore, #tpu.memory_space<semaphore_mem>>)
      %dma_wait3A = arith.constant 0 : i32
      %dma_wait3A_68 = arith.constant 0 : i32
      %dma_wait3A_69 = tpu.memref_slice %arg4[%add3A, %dma_wait3A, %dma_wait3A_68] : memref<32x40x128xi32, #tpu.memory_space<hbm>> -> memref<1x40x128xi32, #tpu.memory_space<hbm>>
      %dma_wait3A_70 = tpu.memref_squeeze %dma_wait3A_69 : memref<1x40x128xi32, #tpu.memory_space<hbm>> -> memref<40x128xi32, #tpu.memory_space<hbm>>
      %dma_wait3A_71 = arith.constant 0 : i32
      %dma_wait3A_72 = arith.constant 0 : i32
      %dma_wait3A_73 = tpu.memref_slice %arg4[%add3A, %dma_wait3A_71, %dma_wait3A_72] : memref<32x40x128xi32, #tpu.memory_space<hbm>> -> memref<1x40x128xi32, #tpu.memory_space<hbm>>
      %dma_wait3A_74 = tpu.memref_squeeze %dma_wait3A_73 : memref<1x40x128xi32, #tpu.memory_space<hbm>> -> memref<40x128xi32, #tpu.memory_space<hbm>>
      tpu.wait_dma2 semaphore(%run_scoped3A : memref<!tpu.dma_semaphore, #tpu.memory_space<semaphore_mem>>) src(%dma_wait3A_74 : memref<40x128xi32, #tpu.memory_space<hbm>>) dst(%arg7 : memref<40x128xi32, #tpu.memory_space<vmem>>)
      tpu.yield
    }) : () -> ()
    %barrier3A = arith.constant 0 : index
    tpu.barrier barrier_id(%barrier3A)
    %scan3A_29 = arith.constant 0 : i32
    %scan3A_30 = arith.constant 0 : i32
    %scan3A_31 = arith.constant 20 : i32
    %scan3A_32 = arith.addi %scan3A_30, %scan3A_31 : i32
    %scan3A_33 = arith.constant 1 : i32
    scf.for %scan3A_61 = %scan3A_30 to %scan3A_32 step %scan3A_33  : i32 {
      %mul3A_62 = arith.constant 2 : i32
      %mul3A_63 = arith.muli %mul3A_62, %scan3A_61 : i32
      %dma_start3A = arith.constant 0 : i32
      %dma_start3A_64 = tpu.memref_slice %arg6[%mul3A_63, %dma_start3A] : memref<40x128xi32, #tpu.memory_space<vmem>> -> memref<1x128xi32, #tpu.memory_space<vmem>>
      %dma_start3A_65 = tpu.memref_squeeze %dma_start3A_64 : memref<1x128xi32, #tpu.memory_space<vmem>> -> memref<128xi32, #tpu.memory_space<vmem>>
      %dma_start3A_66 = arith.constant 0 : i32
      %dma_start3A_67 = arith.constant 0 : i32
      %dma_start3A_68 = tpu.memref_slice %arg2[%dma_start3A_66, %dma_start3A_67] : memref<10000x128xf32, #tpu.memory_space<hbm>> -> memref<10000x128xf32, #tpu.memory_space<hbm>>
      tpu.enqueue_indirect_dma source(%dma_start3A_68 : memref<10000x128xf32, #tpu.memory_space<hbm>>) target(%arg8 : memref<128x128xf32, #tpu.memory_space<vmem>>) offsets(%dma_start3A_65 : memref<128xi32, #tpu.memory_space<vmem>>) semaphore(%arg11 : memref<!tpu.dma_semaphore, #tpu.memory_space<semaphore_mem>>)
      %add3A_69 = arith.constant 1 : i32
      %add3A_70 = arith.addi %mul3A_63, %add3A_69 : i32
      %dma_start3A_71 = arith.constant 0 : i32
      %dma_start3A_72 = tpu.memref_slice %arg6[%add3A_70, %dma_start3A_71] : memref<40x128xi32, #tpu.memory_space<vmem>> -> memref<1x128xi32, #tpu.memory_space<vmem>>
      %dma_start3A_73 = tpu.memref_squeeze %dma_start3A_72 : memref<1x128xi32, #tpu.memory_space<vmem>> -> memref<128xi32, #tpu.memory_space<vmem>>
      %dma_start3A_74 = arith.constant 0 : i32
      %dma_start3A_75 = arith.constant 0 : i32
      %dma_start3A_76 = tpu.memref_slice %arg2[%dma_start3A_74, %dma_start3A_75] : memref<10000x128xf32, #tpu.memory_space<hbm>> -> memref<10000x128xf32, #tpu.memory_space<hbm>>
      tpu.enqueue_indirect_dma source(%dma_start3A_76 : memref<10000x128xf32, #tpu.memory_space<hbm>>) target(%arg9 : memref<128x128xf32, #tpu.memory_space<vmem>>) offsets(%dma_start3A_73 : memref<128xi32, #tpu.memory_space<vmem>>) semaphore(%arg12 : memref<!tpu.dma_semaphore, #tpu.memory_space<semaphore_mem>>)
      %dma_wait3A = arith.constant 0 : i32
      %dma_wait3A_77 = tpu.memref_slice %arg6[%mul3A_63, %dma_wait3A] : memref<40x128xi32, #tpu.memory_space<vmem>> -> memref<1x128xi32, #tpu.memory_space<vmem>>
      %dma_wait3A_78 = tpu.memref_squeeze %dma_wait3A_77 : memref<1x128xi32, #tpu.memory_space<vmem>> -> memref<128xi32, #tpu.memory_space<vmem>>
      %dma_wait3A_79 = arith.constant 0 : i32
      %dma_wait3A_80 = arith.constant 0 : i32
      %dma_wait3A_81 = tpu.memref_slice %arg2[%dma_wait3A_79, %dma_wait3A_80] : memref<10000x128xf32, #tpu.memory_space<hbm>> -> memref<10000x128xf32, #tpu.memory_space<hbm>>
      tpu.wait_indirect_dma semaphore(%arg11 : memref<!tpu.dma_semaphore, #tpu.memory_space<semaphore_mem>>) src(%dma_wait3A_81 : memref<10000x128xf32, #tpu.memory_space<hbm>>) dst(%arg8 : memref<128x128xf32, #tpu.memory_space<vmem>>)
      %dma_wait3A_82 = arith.constant 0 : i32
      %dma_wait3A_83 = tpu.memref_slice %arg6[%add3A_70, %dma_wait3A_82] : memref<40x128xi32, #tpu.memory_space<vmem>> -> memref<1x128xi32, #tpu.memory_space<vmem>>
      %dma_wait3A_84 = tpu.memref_squeeze %dma_wait3A_83 : memref<1x128xi32, #tpu.memory_space<vmem>> -> memref<128xi32, #tpu.memory_space<vmem>>
      %dma_wait3A_85 = arith.constant 0 : i32
      %dma_wait3A_86 = arith.constant 0 : i32
      %dma_wait3A_87 = tpu.memref_slice %arg2[%dma_wait3A_85, %dma_wait3A_86] : memref<10000x128xf32, #tpu.memory_space<hbm>> -> memref<10000x128xf32, #tpu.memory_space<hbm>>
      tpu.wait_indirect_dma semaphore(%arg12 : memref<!tpu.dma_semaphore, #tpu.memory_space<semaphore_mem>>) src(%dma_wait3A_87 : memref<10000x128xf32, #tpu.memory_space<hbm>>) dst(%arg9 : memref<128x128xf32, #tpu.memory_space<vmem>>)
      "tpu.region"() ({
        %run_scoped3A = tpu.sem_alloc : memref<!tpu.dma_semaphore, #tpu.memory_space<semaphore_mem>>
        %dma_start3A_90 = arith.constant 0 : i32
        %dma_start3A_91 = tpu.memref_slice %arg7[%mul3A_63, %dma_start3A_90] : memref<40x128xi32, #tpu.memory_space<vmem>> -> memref<1x128xi32, #tpu.memory_space<vmem>>
        %dma_start3A_92 = tpu.memref_squeeze %dma_start3A_91 : memref<1x128xi32, #tpu.memory_space<vmem>> -> memref<128xi32, #tpu.memory_space<vmem>>
        %dma_start3A_93 = arith.constant 0 : i32
        %dma_start3A_94 = arith.constant 0 : i32
        %dma_start3A_95 = tpu.memref_slice %arg10[%dma_start3A_93, %dma_start3A_94] : memref<10128x128xf32, #tpu.memory_space<vmem_shared>> -> memref<10128x128xf32, #tpu.memory_space<vmem_shared>>
        tpu.enqueue_indirect_dma source(%arg8 : memref<128x128xf32, #tpu.memory_space<vmem>>) target(%dma_start3A_95 : memref<10128x128xf32, #tpu.memory_space<vmem_shared>>) offsets(%dma_start3A_92 : memref<128xi32, #tpu.memory_space<vmem>>) semaphore(%run_scoped3A : memref<!tpu.dma_semaphore, #tpu.memory_space<semaphore_mem>>) {add = true}
        %dma_wait3A_96 = arith.constant 0 : i32
        %dma_wait3A_97 = tpu.memref_slice %arg7[%mul3A_63, %dma_wait3A_96] : memref<40x128xi32, #tpu.memory_space<vmem>> -> memref<1x128xi32, #tpu.memory_space<vmem>>
        %dma_wait3A_98 = tpu.memref_squeeze %dma_wait3A_97 : memref<1x128xi32, #tpu.memory_space<vmem>> -> memref<128xi32, #tpu.memory_space<vmem>>
        %dma_wait3A_99 = arith.constant 0 : i32
        %dma_wait3A_100 = arith.constant 0 : i32
        %dma_wait3A_101 = tpu.memref_slice %arg10[%dma_wait3A_99, %dma_wait3A_100] : memref<10128x128xf32, #tpu.memory_space<vmem_shared>> -> memref<10128x128xf32, #tpu.memory_space<vmem_shared>>
        tpu.wait_indirect_dma semaphore(%run_scoped3A : memref<!tpu.dma_semaphore, #tpu.memory_space<semaphore_mem>>) src(%arg8 : memref<128x128xf32, #tpu.memory_space<vmem>>) dst(%dma_wait3A_101 : memref<10128x128xf32, #tpu.memory_space<vmem_shared>>)
        tpu.yield
      }) : () -> ()
      %add3A_88 = arith.constant 1 : i32
      %add3A_89 = arith.addi %mul3A_63, %add3A_88 : i32
      "tpu.region"() ({
        %run_scoped3A = tpu.sem_alloc : memref<!tpu.dma_semaphore, #tpu.memory_space<semaphore_mem>>
        %dma_start3A_90 = arith.constant 0 : i32
        %dma_start3A_91 = tpu.memref_slice %arg7[%add3A_89, %dma_start3A_90] : memref<40x128xi32, #tpu.memory_space<vmem>> -> memref<1x128xi32, #tpu.memory_space<vmem>>
        %dma_start3A_92 = tpu.memref_squeeze %dma_start3A_91 : memref<1x128xi32, #tpu.memory_space<vmem>> -> memref<128xi32, #tpu.memory_space<vmem>>
        %dma_start3A_93 = arith.constant 0 : i32
        %dma_start3A_94 = arith.constant 0 : i32
        %dma_start3A_95 = tpu.memref_slice %arg10[%dma_start3A_93, %dma_start3A_94] : memref<10128x128xf32, #tpu.memory_space<vmem_shared>> -> memref<10128x128xf32, #tpu.memory_space<vmem_shared>>
        tpu.enqueue_indirect_dma source(%arg9 : memref<128x128xf32, #tpu.memory_space<vmem>>) target(%dma_start3A_95 : memref<10128x128xf32, #tpu.memory_space<vmem_shared>>) offsets(%dma_start3A_92 : memref<128xi32, #tpu.memory_space<vmem>>) semaphore(%run_scoped3A : memref<!tpu.dma_semaphore, #tpu.memory_space<semaphore_mem>>) {add = true}
        %dma_wait3A_96 = arith.constant 0 : i32
        %dma_wait3A_97 = tpu.memref_slice %arg7[%add3A_89, %dma_wait3A_96] : memref<40x128xi32, #tpu.memory_space<vmem>> -> memref<1x128xi32, #tpu.memory_space<vmem>>
        %dma_wait3A_98 = tpu.memref_squeeze %dma_wait3A_97 : memref<1x128xi32, #tpu.memory_space<vmem>> -> memref<128xi32, #tpu.memory_space<vmem>>
        %dma_wait3A_99 = arith.constant 0 : i32
        %dma_wait3A_100 = arith.constant 0 : i32
        %dma_wait3A_101 = tpu.memref_slice %arg10[%dma_wait3A_99, %dma_wait3A_100] : memref<10128x128xf32, #tpu.memory_space<vmem_shared>> -> memref<10128x128xf32, #tpu.memory_space<vmem_shared>>
        tpu.wait_indirect_dma semaphore(%run_scoped3A : memref<!tpu.dma_semaphore, #tpu.memory_space<semaphore_mem>>) src(%arg9 : memref<128x128xf32, #tpu.memory_space<vmem>>) dst(%dma_wait3A_101 : memref<10128x128xf32, #tpu.memory_space<vmem_shared>>)
        tpu.yield
      }) : () -> ()
    }
    %scan3A_34 = arith.constant 20 : i32
    %barrier3A_35 = arith.constant 0 : index
    tpu.barrier barrier_id(%barrier3A_35)
    %mul3A_36 = arith.constant 624 : i32
    %mul3A_37 = arith.muli %arg1, %mul3A_36 : i32
    %add3A_38 = arith.constant 0 : i32
    %add3A_39 = arith.addi %mul3A_37, %add3A_38 : i32
    "tpu.region"() ({
      %run_scoped3A = tpu.sem_alloc : memref<!tpu.dma_semaphore, #tpu.memory_space<semaphore_mem>>
      %dma_start3A = arith.constant 0 : i32
      %dma_start3A_61 = arith.constant 0 : i32
      %dma_start3A_62 = tpu.memref_slice %arg8[%dma_start3A, %dma_start3A_61] : memref<128x128xf32, #tpu.memory_space<vmem>> -> memref<128x128xf32, #tpu.memory_space<vmem>>
      %dma_start3A_63 = arith.constant 0 : i32
      %dma_start3A_64 = tpu.memref_slice %arg10[%add3A_39, %dma_start3A_63] : memref<10128x128xf32, #tpu.memory_space<vmem_shared>> -> memref<128x128xf32, #tpu.memory_space<vmem_shared>>
      %dma_start3A_65 = arith.constant 0 : i32
      %dma_start3A_66 = arith.constant 0 : i32
      %dma_start3A_67 = tpu.memref_slice %arg8[%dma_start3A_65, %dma_start3A_66] : memref<128x128xf32, #tpu.memory_space<vmem>> -> memref<128x128xf32, #tpu.memory_space<vmem>>
      %dma_start3A_68 = arith.constant 0 : i32
      %dma_start3A_69 = tpu.memref_slice %arg10[%add3A_39, %dma_start3A_68] : memref<10128x128xf32, #tpu.memory_space<vmem_shared>> -> memref<128x128xf32, #tpu.memory_space<vmem_shared>>
      tpu.enqueue_dma source(%dma_start3A_69 : memref<128x128xf32, #tpu.memory_space<vmem_shared>>) target(%dma_start3A_67 : memref<128x128xf32, #tpu.memory_space<vmem>>) target_semaphore(%run_scoped3A : memref<!tpu.dma_semaphore, #tpu.memory_space<semaphore_mem>>)
      %dma_wait3A = arith.constant 0 : i32
      %dma_wait3A_70 = arith.constant 0 : i32
      %dma_wait3A_71 = tpu.memref_slice %arg8[%dma_wait3A, %dma_wait3A_70] : memref<128x128xf32, #tpu.memory_space<vmem>> -> memref<128x128xf32, #tpu.memory_space<vmem>>
      %dma_wait3A_72 = arith.constant 0 : i32
      %dma_wait3A_73 = tpu.memref_slice %arg10[%add3A_39, %dma_wait3A_72] : memref<10128x128xf32, #tpu.memory_space<vmem_shared>> -> memref<128x128xf32, #tpu.memory_space<vmem_shared>>
      %dma_wait3A_74 = arith.constant 0 : i32
      %dma_wait3A_75 = arith.constant 0 : i32
      %dma_wait3A_76 = tpu.memref_slice %arg8[%dma_wait3A_74, %dma_wait3A_75] : memref<128x128xf32, #tpu.memory_space<vmem>> -> memref<128x128xf32, #tpu.memory_space<vmem>>
      %dma_wait3A_77 = arith.constant 0 : i32
      %dma_wait3A_78 = tpu.memref_slice %arg10[%add3A_39, %dma_wait3A_77] : memref<10128x128xf32, #tpu.memory_space<vmem_shared>> -> memref<128x128xf32, #tpu.memory_space<vmem_shared>>
      tpu.wait_dma2 semaphore(%run_scoped3A : memref<!tpu.dma_semaphore, #tpu.memory_space<semaphore_mem>>) src(%dma_wait3A_78 : memref<128x128xf32, #tpu.memory_space<vmem_shared>>) dst(%dma_wait3A_76 : memref<128x128xf32, #tpu.memory_space<vmem>>)
      tpu.yield
    }) : () -> ()
    "tpu.region"() ({
      %run_scoped3A = tpu.sem_alloc : memref<!tpu.dma_semaphore, #tpu.memory_space<semaphore_mem>>
      %dma_start3A = arith.constant 0 : i32
      %dma_start3A_61 = arith.constant 0 : i32
      %dma_start3A_62 = tpu.memref_slice %arg8[%dma_start3A, %dma_start3A_61] : memref<128x128xf32, #tpu.memory_space<vmem>> -> memref<128x128xf32, #tpu.memory_space<vmem>>
      %dma_start3A_63 = arith.constant 0 : i32
      %dma_start3A_64 = tpu.memref_slice %arg5[%arg0, %add3A_39, %dma_start3A_63] : memref<2x10000x128xf32, #tpu.memory_space<hbm>> -> memref<1x128x128xf32, #tpu.memory_space<hbm>>
      %dma_start3A_65 = tpu.memref_squeeze %dma_start3A_64 : memref<1x128x128xf32, #tpu.memory_space<hbm>> -> memref<128x128xf32, #tpu.memory_space<hbm>>
      %dma_start3A_66 = arith.constant 0 : i32
      %dma_start3A_67 = tpu.memref_slice %arg5[%arg0, %add3A_39, %dma_start3A_66] : memref<2x10000x128xf32, #tpu.memory_space<hbm>> -> memref<1x128x128xf32, #tpu.memory_space<hbm>>
      %dma_start3A_68 = tpu.memref_squeeze %dma_start3A_67 : memref<1x128x128xf32, #tpu.memory_space<hbm>> -> memref<128x128xf32, #tpu.memory_space<hbm>>
      %dma_start3A_69 = arith.constant 0 : i32
      %dma_start3A_70 = arith.constant 0 : i32
      %dma_start3A_71 = tpu.memref_slice %arg8[%dma_start3A_69, %dma_start3A_70] : memref<128x128xf32, #tpu.memory_space<vmem>> -> memref<128x128xf32, #tpu.memory_space<vmem>>
      tpu.enqueue_dma source(%dma_start3A_71 : memref<128x128xf32, #tpu.memory_space<vmem>>) target(%dma_start3A_68 : memref<128x128xf32, #tpu.memory_space<hbm>>) target_semaphore(%run_scoped3A : memref<!tpu.dma_semaphore, #tpu.memory_space<semaphore_mem>>)
      %dma_wait3A = arith.constant 0 : i32
      %dma_wait3A_72 = arith.constant 0 : i32
      %dma_wait3A_73 = tpu.memref_slice %arg8[%dma_wait3A, %dma_wait3A_72] : memref<128x128xf32, #tpu.memory_space<vmem>> -> memref<128x128xf32, #tpu.memory_space<vmem>>
      %dma_wait3A_74 = arith.constant 0 : i32
      %dma_wait3A_75 = tpu.memref_slice %arg5[%arg0, %add3A_39, %dma_wait3A_74] : memref<2x10000x128xf32, #tpu.memory_space<hbm>> -> memref<1x128x128xf32, #tpu.memory_space<hbm>>
      %dma_wait3A_76 = tpu.memref_squeeze %dma_wait3A_75 : memref<1x128x128xf32, #tpu.memory_space<hbm>> -> memref<128x128xf32, #tpu.memory_space<hbm>>
      %dma_wait3A_77 = arith.constant 0 : i32
      %dma_wait3A_78 = tpu.memref_slice %arg5[%arg0, %add3A_39, %dma_wait3A_77] : memref<2x10000x128xf32, #tpu.memory_space<hbm>> -> memref<1x128x128xf32, #tpu.memory_space<hbm>>
      %dma_wait3A_79 = tpu.memref_squeeze %dma_wait3A_78 : memref<1x128x128xf32, #tpu.memory_space<hbm>> -> memref<128x128xf32, #tpu.memory_space<hbm>>
      %dma_wait3A_80 = arith.constant 0 : i32
      %dma_wait3A_81 = arith.constant 0 : i32
      %dma_wait3A_82 = tpu.memref_slice %arg8[%dma_wait3A_80, %dma_wait3A_81] : memref<128x128xf32, #tpu.memory_space<vmem>> -> memref<128x128xf32, #tpu.memory_space<vmem>>
      tpu.wait_dma2 semaphore(%run_scoped3A : memref<!tpu.dma_semaphore, #tpu.memory_space<semaphore_mem>>) src(%dma_wait3A_82 : memref<128x128xf32, #tpu.memory_space<vmem>>) dst(%dma_wait3A_79 : memref<128x128xf32, #tpu.memory_space<hbm>>)
      tpu.yield
    }) : () -> ()
    %mul3A_40 = arith.constant 624 : i32
    %mul3A_41 = arith.muli %arg1, %mul3A_40 : i32
    %add3A_42 = arith.constant 128 : i32
    %add3A_43 = arith.addi %mul3A_41, %add3A_42 : i32
    "tpu.region"() ({
      %run_scoped3A = tpu.sem_alloc : memref<!tpu.dma_semaphore, #tpu.memory_space<semaphore_mem>>
      %dma_start3A = arith.constant 0 : i32
      %dma_start3A_61 = arith.constant 0 : i32
      %dma_start3A_62 = tpu.memref_slice %arg8[%dma_start3A, %dma_start3A_61] : memref<128x128xf32, #tpu.memory_space<vmem>> -> memref<128x128xf32, #tpu.memory_space<vmem>>
      %dma_start3A_63 = arith.constant 0 : i32
      %dma_start3A_64 = tpu.memref_slice %arg10[%add3A_43, %dma_start3A_63] : memref<10128x128xf32, #tpu.memory_space<vmem_shared>> -> memref<128x128xf32, #tpu.memory_space<vmem_shared>>
      %dma_start3A_65 = arith.constant 0 : i32
      %dma_start3A_66 = arith.constant 0 : i32
      %dma_start3A_67 = tpu.memref_slice %arg8[%dma_start3A_65, %dma_start3A_66] : memref<128x128xf32, #tpu.memory_space<vmem>> -> memref<128x128xf32, #tpu.memory_space<vmem>>
      %dma_start3A_68 = arith.constant 0 : i32
      %dma_start3A_69 = tpu.memref_slice %arg10[%add3A_43, %dma_start3A_68] : memref<10128x128xf32, #tpu.memory_space<vmem_shared>> -> memref<128x128xf32, #tpu.memory_space<vmem_shared>>
      tpu.enqueue_dma source(%dma_start3A_69 : memref<128x128xf32, #tpu.memory_space<vmem_shared>>) target(%dma_start3A_67 : memref<128x128xf32, #tpu.memory_space<vmem>>) target_semaphore(%run_scoped3A : memref<!tpu.dma_semaphore, #tpu.memory_space<semaphore_mem>>)
      %dma_wait3A = arith.constant 0 : i32
      %dma_wait3A_70 = arith.constant 0 : i32
      %dma_wait3A_71 = tpu.memref_slice %arg8[%dma_wait3A, %dma_wait3A_70] : memref<128x128xf32, #tpu.memory_space<vmem>> -> memref<128x128xf32, #tpu.memory_space<vmem>>
      %dma_wait3A_72 = arith.constant 0 : i32
      %dma_wait3A_73 = tpu.memref_slice %arg10[%add3A_43, %dma_wait3A_72] : memref<10128x128xf32, #tpu.memory_space<vmem_shared>> -> memref<128x128xf32, #tpu.memory_space<vmem_shared>>
      %dma_wait3A_74 = arith.constant 0 : i32
      %dma_wait3A_75 = arith.constant 0 : i32
      %dma_wait3A_76 = tpu.memref_slice %arg8[%dma_wait3A_74, %dma_wait3A_75] : memref<128x128xf32, #tpu.memory_space<vmem>> -> memref<128x128xf32, #tpu.memory_space<vmem>>
      %dma_wait3A_77 = arith.constant 0 : i32
      %dma_wait3A_78 = tpu.memref_slice %arg10[%add3A_43, %dma_wait3A_77] : memref<10128x128xf32, #tpu.memory_space<vmem_shared>> -> memref<128x128xf32, #tpu.memory_space<vmem_shared>>
      tpu.wait_dma2 semaphore(%run_scoped3A : memref<!tpu.dma_semaphore, #tpu.memory_space<semaphore_mem>>) src(%dma_wait3A_78 : memref<128x128xf32, #tpu.memory_space<vmem_shared>>) dst(%dma_wait3A_76 : memref<128x128xf32, #tpu.memory_space<vmem>>)
      tpu.yield
    }) : () -> ()
    "tpu.region"() ({
      %run_scoped3A = tpu.sem_alloc : memref<!tpu.dma_semaphore, #tpu.memory_space<semaphore_mem>>
      %dma_start3A = arith.constant 0 : i32
      %dma_start3A_61 = arith.constant 0 : i32
      %dma_start3A_62 = tpu.memref_slice %arg8[%dma_start3A, %dma_start3A_61] : memref<128x128xf32, #tpu.memory_space<vmem>> -> memref<128x128xf32, #tpu.memory_space<vmem>>
      %dma_start3A_63 = arith.constant 0 : i32
      %dma_start3A_64 = tpu.memref_slice %arg5[%arg0, %add3A_43, %dma_start3A_63] : memref<2x10000x128xf32, #tpu.memory_space<hbm>> -> memref<1x128x128xf32, #tpu.memory_space<hbm>>
      %dma_start3A_65 = tpu.memref_squeeze %dma_start3A_64 : memref<1x128x128xf32, #tpu.memory_space<hbm>> -> memref<128x128xf32, #tpu.memory_space<hbm>>
      %dma_start3A_66 = arith.constant 0 : i32
      %dma_start3A_67 = tpu.memref_slice %arg5[%arg0, %add3A_43, %dma_start3A_66] : memref<2x10000x128xf32, #tpu.memory_space<hbm>> -> memref<1x128x128xf32, #tpu.memory_space<hbm>>
      %dma_start3A_68 = tpu.memref_squeeze %dma_start3A_67 : memref<1x128x128xf32, #tpu.memory_space<hbm>> -> memref<128x128xf32, #tpu.memory_space<hbm>>
      %dma_start3A_69 = arith.constant 0 : i32
      %dma_start3A_70 = arith.constant 0 : i32
      %dma_start3A_71 = tpu.memref_slice %arg8[%dma_start3A_69, %dma_start3A_70] : memref<128x128xf32, #tpu.memory_space<vmem>> -> memref<128x128xf32, #tpu.memory_space<vmem>>
      tpu.enqueue_dma source(%dma_start3A_71 : memref<128x128xf32, #tpu.memory_space<vmem>>) target(%dma_start3A_68 : memref<128x128xf32, #tpu.memory_space<hbm>>) target_semaphore(%run_scoped3A : memref<!tpu.dma_semaphore, #tpu.memory_space<semaphore_mem>>)
      %dma_wait3A = arith.constant 0 : i32
      %dma_wait3A_72 = arith.constant 0 : i32
      %dma_wait3A_73 = tpu.memref_slice %arg8[%dma_wait3A, %dma_wait3A_72] : memref<128x128xf32, #tpu.memory_space<vmem>> -> memref<128x128xf32, #tpu.memory_space<vmem>>
      %dma_wait3A_74 = arith.constant 0 : i32
      %dma_wait3A_75 = tpu.memref_slice %arg5[%arg0, %add3A_43, %dma_wait3A_74] : memref<2x10000x128xf32, #tpu.memory_space<hbm>> -> memref<1x128x128xf32, #tpu.memory_space<hbm>>
      %dma_wait3A_76 = tpu.memref_squeeze %dma_wait3A_75 : memref<1x128x128xf32, #tpu.memory_space<hbm>> -> memref<128x128xf32, #tpu.memory_space<hbm>>
      %dma_wait3A_77 = arith.constant 0 : i32
      %dma_wait3A_78 = tpu.memref_slice %arg5[%arg0, %add3A_43, %dma_wait3A_77] : memref<2x10000x128xf32, #tpu.memory_space<hbm>> -> memref<1x128x128xf32, #tpu.memory_space<hbm>>
      %dma_wait3A_79 = tpu.memref_squeeze %dma_wait3A_78 : memref<1x128x128xf32, #tpu.memory_space<hbm>> -> memref<128x128xf32, #tpu.memory_space<hbm>>
      %dma_wait3A_80 = arith.constant 0 : i32
      %dma_wait3A_81 = arith.constant 0 : i32
      %dma_wait3A_82 = tpu.memref_slice %arg8[%dma_wait3A_80, %dma_wait3A_81] : memref<128x128xf32, #tpu.memory_space<vmem>> -> memref<128x128xf32, #tpu.memory_space<vmem>>
      tpu.wait_dma2 semaphore(%run_scoped3A : memref<!tpu.dma_semaphore, #tpu.memory_space<semaphore_mem>>) src(%dma_wait3A_82 : memref<128x128xf32, #tpu.memory_space<vmem>>) dst(%dma_wait3A_79 : memref<128x128xf32, #tpu.memory_space<hbm>>)
      tpu.yield
    }) : () -> ()
    %mul3A_44 = arith.constant 624 : i32
    %mul3A_45 = arith.muli %arg1, %mul3A_44 : i32
    %add3A_46 = arith.constant 256 : i32
    %add3A_47 = arith.addi %mul3A_45, %add3A_46 : i32
    "tpu.region"() ({
      %run_scoped3A = tpu.sem_alloc : memref<!tpu.dma_semaphore, #tpu.memory_space<semaphore_mem>>
      %dma_start3A = arith.constant 0 : i32
      %dma_start3A_61 = arith.constant 0 : i32
      %dma_start3A_62 = tpu.memref_slice %arg8[%dma_start3A, %dma_start3A_61] : memref<128x128xf32, #tpu.memory_space<vmem>> -> memref<128x128xf32, #tpu.memory_space<vmem>>
      %dma_start3A_63 = arith.constant 0 : i32
      %dma_start3A_64 = tpu.memref_slice %arg10[%add3A_47, %dma_start3A_63] : memref<10128x128xf32, #tpu.memory_space<vmem_shared>> -> memref<128x128xf32, #tpu.memory_space<vmem_shared>>
      %dma_start3A_65 = arith.constant 0 : i32
      %dma_start3A_66 = arith.constant 0 : i32
      %dma_start3A_67 = tpu.memref_slice %arg8[%dma_start3A_65, %dma_start3A_66] : memref<128x128xf32, #tpu.memory_space<vmem>> -> memref<128x128xf32, #tpu.memory_space<vmem>>
      %dma_start3A_68 = arith.constant 0 : i32
      %dma_start3A_69 = tpu.memref_slice %arg10[%add3A_47, %dma_start3A_68] : memref<10128x128xf32, #tpu.memory_space<vmem_shared>> -> memref<128x128xf32, #tpu.memory_space<vmem_shared>>
      tpu.enqueue_dma source(%dma_start3A_69 : memref<128x128xf32, #tpu.memory_space<vmem_shared>>) target(%dma_start3A_67 : memref<128x128xf32, #tpu.memory_space<vmem>>) target_semaphore(%run_scoped3A : memref<!tpu.dma_semaphore, #tpu.memory_space<semaphore_mem>>)
      %dma_wait3A = arith.constant 0 : i32
      %dma_wait3A_70 = arith.constant 0 : i32
      %dma_wait3A_71 = tpu.memref_slice %arg8[%dma_wait3A, %dma_wait3A_70] : memref<128x128xf32, #tpu.memory_space<vmem>> -> memref<128x128xf32, #tpu.memory_space<vmem>>
      %dma_wait3A_72 = arith.constant 0 : i32
      %dma_wait3A_73 = tpu.memref_slice %arg10[%add3A_47, %dma_wait3A_72] : memref<10128x128xf32, #tpu.memory_space<vmem_shared>> -> memref<128x128xf32, #tpu.memory_space<vmem_shared>>
      %dma_wait3A_74 = arith.constant 0 : i32
      %dma_wait3A_75 = arith.constant 0 : i32
      %dma_wait3A_76 = tpu.memref_slice %arg8[%dma_wait3A_74, %dma_wait3A_75] : memref<128x128xf32, #tpu.memory_space<vmem>> -> memref<128x128xf32, #tpu.memory_space<vmem>>
      %dma_wait3A_77 = arith.constant 0 : i32
      %dma_wait3A_78 = tpu.memref_slice %arg10[%add3A_47, %dma_wait3A_77] : memref<10128x128xf32, #tpu.memory_space<vmem_shared>> -> memref<128x128xf32, #tpu.memory_space<vmem_shared>>
      tpu.wait_dma2 semaphore(%run_scoped3A : memref<!tpu.dma_semaphore, #tpu.memory_space<semaphore_mem>>) src(%dma_wait3A_78 : memref<128x128xf32, #tpu.memory_space<vmem_shared>>) dst(%dma_wait3A_76 : memref<128x128xf32, #tpu.memory_space<vmem>>)
      tpu.yield
    }) : () -> ()
    "tpu.region"() ({
      %run_scoped3A = tpu.sem_alloc : memref<!tpu.dma_semaphore, #tpu.memory_space<semaphore_mem>>
      %dma_start3A = arith.constant 0 : i32
      %dma_start3A_61 = arith.constant 0 : i32
      %dma_start3A_62 = tpu.memref_slice %arg8[%dma_start3A, %dma_start3A_61] : memref<128x128xf32, #tpu.memory_space<vmem>> -> memref<128x128xf32, #tpu.memory_space<vmem>>
      %dma_start3A_63 = arith.constant 0 : i32
      %dma_start3A_64 = tpu.memref_slice %arg5[%arg0, %add3A_47, %dma_start3A_63] : memref<2x10000x128xf32, #tpu.memory_space<hbm>> -> memref<1x128x128xf32, #tpu.memory_space<hbm>>
      %dma_start3A_65 = tpu.memref_squeeze %dma_start3A_64 : memref<1x128x128xf32, #tpu.memory_space<hbm>> -> memref<128x128xf32, #tpu.memory_space<hbm>>
      %dma_start3A_66 = arith.constant 0 : i32
      %dma_start3A_67 = tpu.memref_slice %arg5[%arg0, %add3A_47, %dma_start3A_66] : memref<2x10000x128xf32, #tpu.memory_space<hbm>> -> memref<1x128x128xf32, #tpu.memory_space<hbm>>
      %dma_start3A_68 = tpu.memref_squeeze %dma_start3A_67 : memref<1x128x128xf32, #tpu.memory_space<hbm>> -> memref<128x128xf32, #tpu.memory_space<hbm>>
      %dma_start3A_69 = arith.constant 0 : i32
      %dma_start3A_70 = arith.constant 0 : i32
      %dma_start3A_71 = tpu.memref_slice %arg8[%dma_start3A_69, %dma_start3A_70] : memref<128x128xf32, #tpu.memory_space<vmem>> -> memref<128x128xf32, #tpu.memory_space<vmem>>
      tpu.enqueue_dma source(%dma_start3A_71 : memref<128x128xf32, #tpu.memory_space<vmem>>) target(%dma_start3A_68 : memref<128x128xf32, #tpu.memory_space<hbm>>) target_semaphore(%run_scoped3A : memref<!tpu.dma_semaphore, #tpu.memory_space<semaphore_mem>>)
      %dma_wait3A = arith.constant 0 : i32
      %dma_wait3A_72 = arith.constant 0 : i32
      %dma_wait3A_73 = tpu.memref_slice %arg8[%dma_wait3A, %dma_wait3A_72] : memref<128x128xf32, #tpu.memory_space<vmem>> -> memref<128x128xf32, #tpu.memory_space<vmem>>
      %dma_wait3A_74 = arith.constant 0 : i32
      %dma_wait3A_75 = tpu.memref_slice %arg5[%arg0, %add3A_47, %dma_wait3A_74] : memref<2x10000x128xf32, #tpu.memory_space<hbm>> -> memref<1x128x128xf32, #tpu.memory_space<hbm>>
      %dma_wait3A_76 = tpu.memref_squeeze %dma_wait3A_75 : memref<1x128x128xf32, #tpu.memory_space<hbm>> -> memref<128x128xf32, #tpu.memory_space<hbm>>
      %dma_wait3A_77 = arith.constant 0 : i32
      %dma_wait3A_78 = tpu.memref_slice %arg5[%arg0, %add3A_47, %dma_wait3A_77] : memref<2x10000x128xf32, #tpu.memory_space<hbm>> -> memref<1x128x128xf32, #tpu.memory_space<hbm>>
      %dma_wait3A_79 = tpu.memref_squeeze %dma_wait3A_78 : memref<1x128x128xf32, #tpu.memory_space<hbm>> -> memref<128x128xf32, #tpu.memory_space<hbm>>
      %dma_wait3A_80 = arith.constant 0 : i32
      %dma_wait3A_81 = arith.constant 0 : i32
      %dma_wait3A_82 = tpu.memref_slice %arg8[%dma_wait3A_80, %dma_wait3A_81] : memref<128x128xf32, #tpu.memory_space<vmem>> -> memref<128x128xf32, #tpu.memory_space<vmem>>
      tpu.wait_dma2 semaphore(%run_scoped3A : memref<!tpu.dma_semaphore, #tpu.memory_space<semaphore_mem>>) src(%dma_wait3A_82 : memref<128x128xf32, #tpu.memory_space<vmem>>) dst(%dma_wait3A_79 : memref<128x128xf32, #tpu.memory_space<hbm>>)
      tpu.yield
    }) : () -> ()
    %mul3A_48 = arith.constant 624 : i32
    %mul3A_49 = arith.muli %arg1, %mul3A_48 : i32
    %add3A_50 = arith.constant 384 : i32
    %add3A_51 = arith.addi %mul3A_49, %add3A_50 : i32
    "tpu.region"() ({
      %run_scoped3A = tpu.sem_alloc : memref<!tpu.dma_semaphore, #tpu.memory_space<semaphore_mem>>
      %dma_start3A = arith.constant 0 : i32
      %dma_start3A_61 = arith.constant 0 : i32
      %dma_start3A_62 = tpu.memref_slice %arg8[%dma_start3A, %dma_start3A_61] : memref<128x128xf32, #tpu.memory_space<vmem>> -> memref<128x128xf32, #tpu.memory_space<vmem>>
      %dma_start3A_63 = arith.constant 0 : i32
      %dma_start3A_64 = tpu.memref_slice %arg10[%add3A_51, %dma_start3A_63] : memref<10128x128xf32, #tpu.memory_space<vmem_shared>> -> memref<128x128xf32, #tpu.memory_space<vmem_shared>>
      %dma_start3A_65 = arith.constant 0 : i32
      %dma_start3A_66 = arith.constant 0 : i32
      %dma_start3A_67 = tpu.memref_slice %arg8[%dma_start3A_65, %dma_start3A_66] : memref<128x128xf32, #tpu.memory_space<vmem>> -> memref<128x128xf32, #tpu.memory_space<vmem>>
      %dma_start3A_68 = arith.constant 0 : i32
      %dma_start3A_69 = tpu.memref_slice %arg10[%add3A_51, %dma_start3A_68] : memref<10128x128xf32, #tpu.memory_space<vmem_shared>> -> memref<128x128xf32, #tpu.memory_space<vmem_shared>>
      tpu.enqueue_dma source(%dma_start3A_69 : memref<128x128xf32, #tpu.memory_space<vmem_shared>>) target(%dma_start3A_67 : memref<128x128xf32, #tpu.memory_space<vmem>>) target_semaphore(%run_scoped3A : memref<!tpu.dma_semaphore, #tpu.memory_space<semaphore_mem>>)
      %dma_wait3A = arith.constant 0 : i32
      %dma_wait3A_70 = arith.constant 0 : i32
      %dma_wait3A_71 = tpu.memref_slice %arg8[%dma_wait3A, %dma_wait3A_70] : memref<128x128xf32, #tpu.memory_space<vmem>> -> memref<128x128xf32, #tpu.memory_space<vmem>>
      %dma_wait3A_72 = arith.constant 0 : i32
      %dma_wait3A_73 = tpu.memref_slice %arg10[%add3A_51, %dma_wait3A_72] : memref<10128x128xf32, #tpu.memory_space<vmem_shared>> -> memref<128x128xf32, #tpu.memory_space<vmem_shared>>
      %dma_wait3A_74 = arith.constant 0 : i32
      %dma_wait3A_75 = arith.constant 0 : i32
      %dma_wait3A_76 = tpu.memref_slice %arg8[%dma_wait3A_74, %dma_wait3A_75] : memref<128x128xf32, #tpu.memory_space<vmem>> -> memref<128x128xf32, #tpu.memory_space<vmem>>
      %dma_wait3A_77 = arith.constant 0 : i32
      %dma_wait3A_78 = tpu.memref_slice %arg10[%add3A_51, %dma_wait3A_77] : memref<10128x128xf32, #tpu.memory_space<vmem_shared>> -> memref<128x128xf32, #tpu.memory_space<vmem_shared>>
      tpu.wait_dma2 semaphore(%run_scoped3A : memref<!tpu.dma_semaphore, #tpu.memory_space<semaphore_mem>>) src(%dma_wait3A_78 : memref<128x128xf32, #tpu.memory_space<vmem_shared>>) dst(%dma_wait3A_76 : memref<128x128xf32, #tpu.memory_space<vmem>>)
      tpu.yield
    }) : () -> ()
    "tpu.region"() ({
      %run_scoped3A = tpu.sem_alloc : memref<!tpu.dma_semaphore, #tpu.memory_space<semaphore_mem>>
      %dma_start3A = arith.constant 0 : i32
      %dma_start3A_61 = arith.constant 0 : i32
      %dma_start3A_62 = tpu.memref_slice %arg8[%dma_start3A, %dma_start3A_61] : memref<128x128xf32, #tpu.memory_space<vmem>> -> memref<128x128xf32, #tpu.memory_space<vmem>>
      %dma_start3A_63 = arith.constant 0 : i32
      %dma_start3A_64 = tpu.memref_slice %arg5[%arg0, %add3A_51, %dma_start3A_63] : memref<2x10000x128xf32, #tpu.memory_space<hbm>> -> memref<1x128x128xf32, #tpu.memory_space<hbm>>
      %dma_start3A_65 = tpu.memref_squeeze %dma_start3A_64 : memref<1x128x128xf32, #tpu.memory_space<hbm>> -> memref<128x128xf32, #tpu.memory_space<hbm>>
      %dma_start3A_66 = arith.constant 0 : i32
      %dma_start3A_67 = tpu.memref_slice %arg5[%arg0, %add3A_51, %dma_start3A_66] : memref<2x10000x128xf32, #tpu.memory_space<hbm>> -> memref<1x128x128xf32, #tpu.memory_space<hbm>>
      %dma_start3A_68 = tpu.memref_squeeze %dma_start3A_67 : memref<1x128x128xf32, #tpu.memory_space<hbm>> -> memref<128x128xf32, #tpu.memory_space<hbm>>
      %dma_start3A_69 = arith.constant 0 : i32
      %dma_start3A_70 = arith.constant 0 : i32
      %dma_start3A_71 = tpu.memref_slice %arg8[%dma_start3A_69, %dma_start3A_70] : memref<128x128xf32, #tpu.memory_space<vmem>> -> memref<128x128xf32, #tpu.memory_space<vmem>>
      tpu.enqueue_dma source(%dma_start3A_71 : memref<128x128xf32, #tpu.memory_space<vmem>>) target(%dma_start3A_68 : memref<128x128xf32, #tpu.memory_space<hbm>>) target_semaphore(%run_scoped3A : memref<!tpu.dma_semaphore, #tpu.memory_space<semaphore_mem>>)
      %dma_wait3A = arith.constant 0 : i32
      %dma_wait3A_72 = arith.constant 0 : i32
      %dma_wait3A_73 = tpu.memref_slice %arg8[%dma_wait3A, %dma_wait3A_72] : memref<128x128xf32, #tpu.memory_space<vmem>> -> memref<128x128xf32, #tpu.memory_space<vmem>>
      %dma_wait3A_74 = arith.constant 0 : i32
      %dma_wait3A_75 = tpu.memref_slice %arg5[%arg0, %add3A_51, %dma_wait3A_74] : memref<2x10000x128xf32, #tpu.memory_space<hbm>> -> memref<1x128x128xf32, #tpu.memory_space<hbm>>
      %dma_wait3A_76 = tpu.memref_squeeze %dma_wait3A_75 : memref<1x128x128xf32, #tpu.memory_space<hbm>> -> memref<128x128xf32, #tpu.memory_space<hbm>>
      %dma_wait3A_77 = arith.constant 0 : i32
      %dma_wait3A_78 = tpu.memref_slice %arg5[%arg0, %add3A_51, %dma_wait3A_77] : memref<2x10000x128xf32, #tpu.memory_space<hbm>> -> memref<1x128x128xf32, #tpu.memory_space<hbm>>
      %dma_wait3A_79 = tpu.memref_squeeze %dma_wait3A_78 : memref<1x128x128xf32, #tpu.memory_space<hbm>> -> memref<128x128xf32, #tpu.memory_space<hbm>>
      %dma_wait3A_80 = arith.constant 0 : i32
      %dma_wait3A_81 = arith.constant 0 : i32
      %dma_wait3A_82 = tpu.memref_slice %arg8[%dma_wait3A_80, %dma_wait3A_81] : memref<128x128xf32, #tpu.memory_space<vmem>> -> memref<128x128xf32, #tpu.memory_space<vmem>>
      tpu.wait_dma2 semaphore(%run_scoped3A : memref<!tpu.dma_semaphore, #tpu.memory_space<semaphore_mem>>) src(%dma_wait3A_82 : memref<128x128xf32, #tpu.memory_space<vmem>>) dst(%dma_wait3A_79 : memref<128x128xf32, #tpu.memory_space<hbm>>)
      tpu.yield
    }) : () -> ()
    %mul3A_52 = arith.constant 624 : i32
    %mul3A_53 = arith.muli %arg1, %mul3A_52 : i32
    %add3A_54 = arith.constant 512 : i32
    %add3A_55 = arith.addi %mul3A_53, %add3A_54 : i32
    "tpu.region"() ({
      %run_scoped3A = tpu.sem_alloc : memref<!tpu.dma_semaphore, #tpu.memory_space<semaphore_mem>>
      %dma_start3A = arith.constant 0 : i32
      %dma_start3A_61 = arith.constant 0 : i32
      %dma_start3A_62 = tpu.memref_slice %arg8[%dma_start3A, %dma_start3A_61] : memref<128x128xf32, #tpu.memory_space<vmem>> -> memref<112x128xf32, #tpu.memory_space<vmem>>
      %dma_start3A_63 = arith.constant 0 : i32
      %dma_start3A_64 = tpu.memref_slice %arg10[%add3A_55, %dma_start3A_63] : memref<10128x128xf32, #tpu.memory_space<vmem_shared>> -> memref<112x128xf32, #tpu.memory_space<vmem_shared>>
      %dma_start3A_65 = arith.constant 0 : i32
      %dma_start3A_66 = arith.constant 0 : i32
      %dma_start3A_67 = tpu.memref_slice %arg8[%dma_start3A_65, %dma_start3A_66] : memref<128x128xf32, #tpu.memory_space<vmem>> -> memref<112x128xf32, #tpu.memory_space<vmem>>
      %dma_start3A_68 = arith.constant 0 : i32
      %dma_start3A_69 = tpu.memref_slice %arg10[%add3A_55, %dma_start3A_68] : memref<10128x128xf32, #tpu.memory_space<vmem_shared>> -> memref<112x128xf32, #tpu.memory_space<vmem_shared>>
      tpu.enqueue_dma source(%dma_start3A_69 : memref<112x128xf32, #tpu.memory_space<vmem_shared>>) target(%dma_start3A_67 : memref<112x128xf32, #tpu.memory_space<vmem>>) target_semaphore(%run_scoped3A : memref<!tpu.dma_semaphore, #tpu.memory_space<semaphore_mem>>)
      %dma_wait3A = arith.constant 0 : i32
      %dma_wait3A_70 = arith.constant 0 : i32
      %dma_wait3A_71 = tpu.memref_slice %arg8[%dma_wait3A, %dma_wait3A_70] : memref<128x128xf32, #tpu.memory_space<vmem>> -> memref<112x128xf32, #tpu.memory_space<vmem>>
      %dma_wait3A_72 = arith.constant 0 : i32
      %dma_wait3A_73 = tpu.memref_slice %arg10[%add3A_55, %dma_wait3A_72] : memref<10128x128xf32, #tpu.memory_space<vmem_shared>> -> memref<112x128xf32, #tpu.memory_space<vmem_shared>>
      %dma_wait3A_74 = arith.constant 0 : i32
      %dma_wait3A_75 = arith.constant 0 : i32
      %dma_wait3A_76 = tpu.memref_slice %arg8[%dma_wait3A_74, %dma_wait3A_75] : memref<128x128xf32, #tpu.memory_space<vmem>> -> memref<112x128xf32, #tpu.memory_space<vmem>>
      %dma_wait3A_77 = arith.constant 0 : i32
      %dma_wait3A_78 = tpu.memref_slice %arg10[%add3A_55, %dma_wait3A_77] : memref<10128x128xf32, #tpu.memory_space<vmem_shared>> -> memref<112x128xf32, #tpu.memory_space<vmem_shared>>
      tpu.wait_dma2 semaphore(%run_scoped3A : memref<!tpu.dma_semaphore, #tpu.memory_space<semaphore_mem>>) src(%dma_wait3A_78 : memref<112x128xf32, #tpu.memory_space<vmem_shared>>) dst(%dma_wait3A_76 : memref<112x128xf32, #tpu.memory_space<vmem>>)
      tpu.yield
    }) : () -> ()
    "tpu.region"() ({
      %run_scoped3A = tpu.sem_alloc : memref<!tpu.dma_semaphore, #tpu.memory_space<semaphore_mem>>
      %dma_start3A = arith.constant 0 : i32
      %dma_start3A_61 = arith.constant 0 : i32
      %dma_start3A_62 = tpu.memref_slice %arg8[%dma_start3A, %dma_start3A_61] : memref<128x128xf32, #tpu.memory_space<vmem>> -> memref<112x128xf32, #tpu.memory_space<vmem>>
      %dma_start3A_63 = arith.constant 0 : i32
      %dma_start3A_64 = tpu.memref_slice %arg5[%arg0, %add3A_55, %dma_start3A_63] : memref<2x10000x128xf32, #tpu.memory_space<hbm>> -> memref<1x112x128xf32, #tpu.memory_space<hbm>>
      %dma_start3A_65 = tpu.memref_squeeze %dma_start3A_64 : memref<1x112x128xf32, #tpu.memory_space<hbm>> -> memref<112x128xf32, #tpu.memory_space<hbm>>
      %dma_start3A_66 = arith.constant 0 : i32
      %dma_start3A_67 = tpu.memref_slice %arg5[%arg0, %add3A_55, %dma_start3A_66] : memref<2x10000x128xf32, #tpu.memory_space<hbm>> -> memref<1x112x128xf32, #tpu.memory_space<hbm>>
      %dma_start3A_68 = tpu.memref_squeeze %dma_start3A_67 : memref<1x112x128xf32, #tpu.memory_space<hbm>> -> memref<112x128xf32, #tpu.memory_space<hbm>>
      %dma_start3A_69 = arith.constant 0 : i32
      %dma_start3A_70 = arith.constant 0 : i32
      %dma_start3A_71 = tpu.memref_slice %arg8[%dma_start3A_69, %dma_start3A_70] : memref<128x128xf32, #tpu.memory_space<vmem>> -> memref<112x128xf32, #tpu.memory_space<vmem>>
      tpu.enqueue_dma source(%dma_start3A_71 : memref<112x128xf32, #tpu.memory_space<vmem>>) target(%dma_start3A_68 : memref<112x128xf32, #tpu.memory_space<hbm>>) target_semaphore(%run_scoped3A : memref<!tpu.dma_semaphore, #tpu.memory_space<semaphore_mem>>)
      %dma_wait3A = arith.constant 0 : i32
      %dma_wait3A_72 = arith.constant 0 : i32
      %dma_wait3A_73 = tpu.memref_slice %arg8[%dma_wait3A, %dma_wait3A_72] : memref<128x128xf32, #tpu.memory_space<vmem>> -> memref<112x128xf32, #tpu.memory_space<vmem>>
      %dma_wait3A_74 = arith.constant 0 : i32
      %dma_wait3A_75 = tpu.memref_slice %arg5[%arg0, %add3A_55, %dma_wait3A_74] : memref<2x10000x128xf32, #tpu.memory_space<hbm>> -> memref<1x112x128xf32, #tpu.memory_space<hbm>>
      %dma_wait3A_76 = tpu.memref_squeeze %dma_wait3A_75 : memref<1x112x128xf32, #tpu.memory_space<hbm>> -> memref<112x128xf32, #tpu.memory_space<hbm>>
      %dma_wait3A_77 = arith.constant 0 : i32
      %dma_wait3A_78 = tpu.memref_slice %arg5[%arg0, %add3A_55, %dma_wait3A_77] : memref<2x10000x128xf32, #tpu.memory_space<hbm>> -> memref<1x112x128xf32, #tpu.memory_space<hbm>>
      %dma_wait3A_79 = tpu.memref_squeeze %dma_wait3A_78 : memref<1x112x128xf32, #tpu.memory_space<hbm>> -> memref<112x128xf32, #tpu.memory_space<hbm>>
      %dma_wait3A_80 = arith.constant 0 : i32
      %dma_wait3A_81 = arith.constant 0 : i32
      %dma_wait3A_82 = tpu.memref_slice %arg8[%dma_wait3A_80, %dma_wait3A_81] : memref<128x128xf32, #tpu.memory_space<vmem>> -> memref<112x128xf32, #tpu.memory_space<vmem>>
      tpu.wait_dma2 semaphore(%run_scoped3A : memref<!tpu.dma_semaphore, #tpu.memory_space<semaphore_mem>>) src(%dma_wait3A_82 : memref<112x128xf32, #tpu.memory_space<vmem>>) dst(%dma_wait3A_79 : memref<112x128xf32, #tpu.memory_space<hbm>>)
      tpu.yield
    }) : () -> ()
    %eq3A_56 = arith.constant 0 : i32
    %eq3A_57 = arith.cmpi eq, %arg1, %eq3A_56 : i32
    %convert_element_type3A_58 = arith.extui %eq3A_57 : i1 to i32
    %cond3A_59 = arith.constant 0 : i32
    %cond3A_60 = arith.cmpi ne, %convert_element_type3A_58, %cond3A_59 : i32
    scf.if %cond3A_60 {
      "tpu.region"() ({
        %run_scoped3A = tpu.sem_alloc : memref<!tpu.dma_semaphore, #tpu.memory_space<semaphore_mem>>
        %dma_start3A = arith.constant 0 : i32
        %dma_start3A_61 = arith.constant 0 : i32
        %dma_start3A_62 = tpu.memref_slice %arg8[%dma_start3A, %dma_start3A_61] : memref<128x128xf32, #tpu.memory_space<vmem>> -> memref<16x128xf32, #tpu.memory_space<vmem>>
        %dma_start3A_63 = arith.constant 9984 : i32
        %dma_start3A_64 = arith.constant 0 : i32
        %dma_start3A_65 = tpu.memref_slice %arg10[%dma_start3A_63, %dma_start3A_64] : memref<10128x128xf32, #tpu.memory_space<vmem_shared>> -> memref<16x128xf32, #tpu.memory_space<vmem_shared>>
        %dma_start3A_66 = arith.constant 0 : i32
        %dma_start3A_67 = arith.constant 0 : i32
        %dma_start3A_68 = tpu.memref_slice %arg8[%dma_start3A_66, %dma_start3A_67] : memref<128x128xf32, #tpu.memory_space<vmem>> -> memref<16x128xf32, #tpu.memory_space<vmem>>
        %dma_start3A_69 = arith.constant 9984 : i32
        %dma_start3A_70 = arith.constant 0 : i32
        %dma_start3A_71 = tpu.memref_slice %arg10[%dma_start3A_69, %dma_start3A_70] : memref<10128x128xf32, #tpu.memory_space<vmem_shared>> -> memref<16x128xf32, #tpu.memory_space<vmem_shared>>
        tpu.enqueue_dma source(%dma_start3A_71 : memref<16x128xf32, #tpu.memory_space<vmem_shared>>) target(%dma_start3A_68 : memref<16x128xf32, #tpu.memory_space<vmem>>) target_semaphore(%run_scoped3A : memref<!tpu.dma_semaphore, #tpu.memory_space<semaphore_mem>>)
        %dma_wait3A = arith.constant 0 : i32
        %dma_wait3A_72 = arith.constant 0 : i32
        %dma_wait3A_73 = tpu.memref_slice %arg8[%dma_wait3A, %dma_wait3A_72] : memref<128x128xf32, #tpu.memory_space<vmem>> -> memref<16x128xf32, #tpu.memory_space<vmem>>
        %dma_wait3A_74 = arith.constant 9984 : i32
        %dma_wait3A_75 = arith.constant 0 : i32
        %dma_wait3A_76 = tpu.memref_slice %arg10[%dma_wait3A_74, %dma_wait3A_75] : memref<10128x128xf32, #tpu.memory_space<vmem_shared>> -> memref<16x128xf32, #tpu.memory_space<vmem_shared>>
        %dma_wait3A_77 = arith.constant 0 : i32
        %dma_wait3A_78 = arith.constant 0 : i32
        %dma_wait3A_79 = tpu.memref_slice %arg8[%dma_wait3A_77, %dma_wait3A_78] : memref<128x128xf32, #tpu.memory_space<vmem>> -> memref<16x128xf32, #tpu.memory_space<vmem>>
        %dma_wait3A_80 = arith.constant 9984 : i32
        %dma_wait3A_81 = arith.constant 0 : i32
        %dma_wait3A_82 = tpu.memref_slice %arg10[%dma_wait3A_80, %dma_wait3A_81] : memref<10128x128xf32, #tpu.memory_space<vmem_shared>> -> memref<16x128xf32, #tpu.memory_space<vmem_shared>>
        tpu.wait_dma2 semaphore(%run_scoped3A : memref<!tpu.dma_semaphore, #tpu.memory_space<semaphore_mem>>) src(%dma_wait3A_82 : memref<16x128xf32, #tpu.memory_space<vmem_shared>>) dst(%dma_wait3A_79 : memref<16x128xf32, #tpu.memory_space<vmem>>)
        tpu.yield
      }) : () -> ()
      "tpu.region"() ({
        %run_scoped3A = tpu.sem_alloc : memref<!tpu.dma_semaphore, #tpu.memory_space<semaphore_mem>>
        %dma_start3A = arith.constant 0 : i32
        %dma_start3A_61 = arith.constant 0 : i32
        %dma_start3A_62 = tpu.memref_slice %arg8[%dma_start3A, %dma_start3A_61] : memref<128x128xf32, #tpu.memory_space<vmem>> -> memref<16x128xf32, #tpu.memory_space<vmem>>
        %dma_start3A_63 = arith.constant 9984 : i32
        %dma_start3A_64 = arith.constant 0 : i32
        %dma_start3A_65 = tpu.memref_slice %arg5[%arg0, %dma_start3A_63, %dma_start3A_64] : memref<2x10000x128xf32, #tpu.memory_space<hbm>> -> memref<1x16x128xf32, #tpu.memory_space<hbm>>
        %dma_start3A_66 = tpu.memref_squeeze %dma_start3A_65 : memref<1x16x128xf32, #tpu.memory_space<hbm>> -> memref<16x128xf32, #tpu.memory_space<hbm>>
        %dma_start3A_67 = arith.constant 9984 : i32
        %dma_start3A_68 = arith.constant 0 : i32
        %dma_start3A_69 = tpu.memref_slice %arg5[%arg0, %dma_start3A_67, %dma_start3A_68] : memref<2x10000x128xf32, #tpu.memory_space<hbm>> -> memref<1x16x128xf32, #tpu.memory_space<hbm>>
        %dma_start3A_70 = tpu.memref_squeeze %dma_start3A_69 : memref<1x16x128xf32, #tpu.memory_space<hbm>> -> memref<16x128xf32, #tpu.memory_space<hbm>>
        %dma_start3A_71 = arith.constant 0 : i32
        %dma_start3A_72 = arith.constant 0 : i32
        %dma_start3A_73 = tpu.memref_slice %arg8[%dma_start3A_71, %dma_start3A_72] : memref<128x128xf32, #tpu.memory_space<vmem>> -> memref<16x128xf32, #tpu.memory_space<vmem>>
        tpu.enqueue_dma source(%dma_start3A_73 : memref<16x128xf32, #tpu.memory_space<vmem>>) target(%dma_start3A_70 : memref<16x128xf32, #tpu.memory_space<hbm>>) target_semaphore(%run_scoped3A : memref<!tpu.dma_semaphore, #tpu.memory_space<semaphore_mem>>)
        %dma_wait3A = arith.constant 0 : i32
        %dma_wait3A_74 = arith.constant 0 : i32
        %dma_wait3A_75 = tpu.memref_slice %arg8[%dma_wait3A, %dma_wait3A_74] : memref<128x128xf32, #tpu.memory_space<vmem>> -> memref<16x128xf32, #tpu.memory_space<vmem>>
        %dma_wait3A_76 = arith.constant 9984 : i32
        %dma_wait3A_77 = arith.constant 0 : i32
        %dma_wait3A_78 = tpu.memref_slice %arg5[%arg0, %dma_wait3A_76, %dma_wait3A_77] : memref<2x10000x128xf32, #tpu.memory_space<hbm>> -> memref<1x16x128xf32, #tpu.memory_space<hbm>>
        %dma_wait3A_79 = tpu.memref_squeeze %dma_wait3A_78 : memref<1x16x128xf32, #tpu.memory_space<hbm>> -> memref<16x128xf32, #tpu.memory_space<hbm>>
        %dma_wait3A_80 = arith.constant 9984 : i32
        %dma_wait3A_81 = arith.constant 0 : i32
        %dma_wait3A_82 = tpu.memref_slice %arg5[%arg0, %dma_wait3A_80, %dma_wait3A_81] : memref<2x10000x128xf32, #tpu.memory_space<hbm>> -> memref<1x16x128xf32, #tpu.memory_space<hbm>>
        %dma_wait3A_83 = tpu.memref_squeeze %dma_wait3A_82 : memref<1x16x128xf32, #tpu.memory_space<hbm>> -> memref<16x128xf32, #tpu.memory_space<hbm>>
        %dma_wait3A_84 = arith.constant 0 : i32
        %dma_wait3A_85 = arith.constant 0 : i32
        %dma_wait3A_86 = tpu.memref_slice %arg8[%dma_wait3A_84, %dma_wait3A_85] : memref<128x128xf32, #tpu.memory_space<vmem>> -> memref<16x128xf32, #tpu.memory_space<vmem>>
        tpu.wait_dma2 semaphore(%run_scoped3A : memref<!tpu.dma_semaphore, #tpu.memory_space<semaphore_mem>>) src(%dma_wait3A_86 : memref<16x128xf32, #tpu.memory_space<vmem>>) dst(%dma_wait3A_83 : memref<16x128xf32, #tpu.memory_space<hbm>>)
        tpu.yield
      }) : () -> ()
    } else {
    }
    return
  }
}

module attributes {stable_mosaic.version = 14 : i64} {
  func.func @_mm1_body(%arg0: memref<10000x256xf32, #tpu.memory_space<vmem>>, %arg1: memref<256x128xf32, #tpu.memory_space<vmem>>, %arg2: memref<10000x1xf32, #tpu.memory_space<vmem>>, %arg3: memref<10000x128xf32, #tpu.memory_space<vmem>>) attributes {dimension_semantics = [], scalar_prefetch = 0 : i64, scratch_operands = 0 : i64, tpu.core_type = #tpu.core_type<tc>} {
    %get3A = arith.constant 0 : index
    %get3A_0 = arith.constant 0 : index
    %get3A_1 = vector.load %arg0[%get3A, %get3A_0] : memref<10000x256xf32, #tpu.memory_space<vmem>>, vector<10000x256xf32>
    %get3A_2 = arith.constant 0 : index
    %get3A_3 = arith.constant 0 : index
    %get3A_4 = vector.load %arg1[%get3A_2, %get3A_3] : memref<256x128xf32, #tpu.memory_space<vmem>>, vector<256x128xf32>
    %dot_general3A = arith.constant dense<0.000000e+00> : vector<10000x128xf32>
    %dot_general3A_5 = tpu.matmul %get3A_1, %get3A_4, %dot_general3A {dimension_numbers = #tpu.dot_dimension_numbers<[1], [0], [0], [1], [0, 0, 1, 1], [], []>, transpose_lhs_hint = false} : vector<10000x256xf32>, vector<256x128xf32>, vector<10000x128xf32> -> vector<10000x128xf32>
    %get3A_6 = arith.constant 0 : index
    %get3A_7 = arith.constant 0 : index
    %get3A_8 = vector.load %arg2[%get3A_6, %get3A_7] : memref<10000x1xf32, #tpu.memory_space<vmem>>, vector<10000x1xf32>
    %mul3A = vector.broadcast %get3A_8 : vector<10000x1xf32> to vector<10000x128xf32>
    %mul3A_9 = arith.mulf %dot_general3A_5, %mul3A : vector<10000x128xf32>
    %swap3A = arith.constant 0 : index
    %swap3A_10 = arith.constant 0 : index
    %swap3A_11 = vector.load %arg3[%swap3A, %swap3A_10] : memref<10000x128xf32, #tpu.memory_space<vmem>>, vector<10000x128xf32>
    tpu.vector_store %arg3[%swap3A, %swap3A_10], %mul3A_9 {strides = array<i32>} : memref<10000x128xf32, #tpu.memory_space<vmem>>, vector<10000x128xf32>,
    return
  }
}

module attributes {stable_mosaic.version = 14 : i64} {
  func.func @_combine1_body(%arg0: memref<2x10000x128xf32, #tpu.memory_space<vmem>>, %arg1: memref<10000x128xf32, #tpu.memory_space<vmem>>, %arg2: memref<10000x1xf32, #tpu.memory_space<vmem>>, %arg3: memref<1x128xf32, #tpu.memory_space<vmem>>, %arg4: memref<10000x128xf32, #tpu.memory_space<vmem>>) attributes {dimension_semantics = [], scalar_prefetch = 0 : i64, scratch_operands = 0 : i64, tpu.core_type = #tpu.core_type<tc>} {
    %get3A = arith.constant 0 : index
    %get3A_0 = arith.constant 0 : index
    %get3A_1 = arith.constant 0 : index
    %get3A_2 = vector.load %arg0[%get3A, %get3A_0, %get3A_1] : memref<2x10000x128xf32, #tpu.memory_space<vmem>>, vector<1x10000x128xf32>
    %get3A_3 = vector.shape_cast %get3A_2 : vector<1x10000x128xf32> to vector<10000x128xf32>
    %get3A_4 = arith.constant 1 : index
    %get3A_5 = arith.constant 0 : index
    %get3A_6 = arith.constant 0 : index
    %get3A_7 = vector.load %arg0[%get3A_4, %get3A_5, %get3A_6] : memref<2x10000x128xf32, #tpu.memory_space<vmem>>, vector<1x10000x128xf32>
    %get3A_8 = vector.shape_cast %get3A_7 : vector<1x10000x128xf32> to vector<10000x128xf32>
    %add3A = arith.addf %get3A_3, %get3A_8 : vector<10000x128xf32>
    %get3A_9 = arith.constant 0 : index
    %get3A_10 = arith.constant 0 : index
    %get3A_11 = vector.load %arg1[%get3A_9, %get3A_10] : memref<10000x128xf32, #tpu.memory_space<vmem>>, vector<10000x128xf32>
    %add3A_12 = arith.addf %add3A, %get3A_11 : vector<10000x128xf32>
    %get3A_13 = arith.constant 0 : index
    %get3A_14 = arith.constant 0 : index
    %get3A_15 = vector.load %arg2[%get3A_13, %get3A_14] : memref<10000x1xf32, #tpu.memory_space<vmem>>, vector<10000x1xf32>
    %mul3A = vector.broadcast %get3A_15 : vector<10000x1xf32> to vector<10000x128xf32>
    %mul3A_16 = arith.mulf %add3A_12, %mul3A : vector<10000x128xf32>
    %get3A_17 = arith.constant 0 : index
    %get3A_18 = arith.constant 0 : index
    %get3A_19 = vector.load %arg3[%get3A_17, %get3A_18] : memref<1x128xf32, #tpu.memory_space<vmem>>, vector<1x128xf32>
    %add3A_20 = vector.broadcast %get3A_19 : vector<1x128xf32> to vector<10000x128xf32>
    %add3A_21 = arith.addf %mul3A_16, %add3A_20 : vector<10000x128xf32>
    %max3A = arith.constant 0.000000e+00 : f32
    %max3A_22 = vector.broadcast %max3A : f32 to vector<10000x128xf32>
    %max3A_23 = arith.maximumf %add3A_21, %max3A_22 : vector<10000x128xf32>
    %get3A_24 = arith.constant 0 : index
    %get3A_25 = arith.constant 0 : index
    %get3A_26 = vector.load %arg2[%get3A_24, %get3A_25] : memref<10000x1xf32, #tpu.memory_space<vmem>>, vector<10000x1xf32>
    %mul3A_27 = vector.broadcast %get3A_26 : vector<10000x1xf32> to vector<10000x128xf32>
    %mul3A_28 = arith.mulf %max3A_23, %mul3A_27 : vector<10000x128xf32>
    %swap3A = arith.constant 0 : index
    %swap3A_29 = arith.constant 0 : index
    %swap3A_30 = vector.load %arg4[%swap3A, %swap3A_29] : memref<10000x128xf32, #tpu.memory_space<vmem>>, vector<10000x128xf32>
    tpu.vector_store %arg4[%swap3A, %swap3A_29], %mul3A_28 {strides = array<i32>} : memref<10000x128xf32, #tpu.memory_space<vmem>>, vector<10000x128xf32>,
    return
  }
}

module attributes {stable_mosaic.version = 14 : i64} {
  func.func @_combine2_body(%arg0: memref<2x10000x128xf32, #tpu.memory_space<vmem>>, %arg1: memref<10000x128xf32, #tpu.memory_space<vmem>>, %arg2: memref<10000x1xf32, #tpu.memory_space<vmem>>, %arg3: memref<1x16xf32, #tpu.memory_space<vmem>>, %arg4: memref<128x16xf32, #tpu.memory_space<vmem>>, %arg5: memref<10000x16xf32, #tpu.memory_space<vmem>>) attributes {dimension_semantics = [], scalar_prefetch = 0 : i64, scratch_operands = 0 : i64, tpu.core_type = #tpu.core_type<tc>} {
    %get3A = arith.constant 0 : index
    %get3A_0 = arith.constant 0 : index
    %get3A_1 = arith.constant 0 : index
    %get3A_2 = vector.load %arg0[%get3A, %get3A_0, %get3A_1] : memref<2x10000x128xf32, #tpu.memory_space<vmem>>, vector<1x10000x128xf32>
    %get3A_3 = vector.shape_cast %get3A_2 : vector<1x10000x128xf32> to vector<10000x128xf32>
    %get3A_4 = arith.constant 1 : index
    %get3A_5 = arith.constant 0 : index
    %get3A_6 = arith.constant 0 : index
    %get3A_7 = vector.load %arg0[%get3A_4, %get3A_5, %get3A_6] : memref<2x10000x128xf32, #tpu.memory_space<vmem>>, vector<1x10000x128xf32>
    %get3A_8 = vector.shape_cast %get3A_7 : vector<1x10000x128xf32> to vector<10000x128xf32>
    %add3A = arith.addf %get3A_3, %get3A_8 : vector<10000x128xf32>
    %get3A_9 = arith.constant 0 : index
    %get3A_10 = arith.constant 0 : index
    %get3A_11 = vector.load %arg1[%get3A_9, %get3A_10] : memref<10000x128xf32, #tpu.memory_space<vmem>>, vector<10000x128xf32>
    %add3A_12 = arith.addf %add3A, %get3A_11 : vector<10000x128xf32>
    %get3A_13 = arith.constant 0 : index
    %get3A_14 = arith.constant 0 : index
    %get3A_15 = vector.load %arg4[%get3A_13, %get3A_14] : memref<128x16xf32, #tpu.memory_space<vmem>>, vector<128x16xf32>
    %dot_general3A = arith.constant dense<0.000000e+00> : vector<10000x16xf32>
    %dot_general3A_16 = tpu.matmul %add3A_12, %get3A_15, %dot_general3A {dimension_numbers = #tpu.dot_dimension_numbers<[1], [0], [0], [1], [0, 0, 1, 1], [], []>, transpose_lhs_hint = false} : vector<10000x128xf32>, vector<128x16xf32>, vector<10000x16xf32> -> vector<10000x16xf32>
    %get3A_17 = arith.constant 0 : index
    %get3A_18 = arith.constant 0 : index
    %get3A_19 = vector.load %arg2[%get3A_17, %get3A_18] : memref<10000x1xf32, #tpu.memory_space<vmem>>, vector<10000x1xf32>
    %mul3A = vector.broadcast %get3A_19 : vector<10000x1xf32> to vector<10000x16xf32>
    %mul3A_20 = arith.mulf %dot_general3A_16, %mul3A : vector<10000x16xf32>
    %get3A_21 = arith.constant 0 : index
    %get3A_22 = arith.constant 0 : index
    %get3A_23 = vector.load %arg3[%get3A_21, %get3A_22] : memref<1x16xf32, #tpu.memory_space<vmem>>, vector<1x16xf32>
    %add3A_24 = vector.broadcast %get3A_23 : vector<1x16xf32> to vector<10000x16xf32>
    %add3A_25 = arith.addf %mul3A_20, %add3A_24 : vector<10000x16xf32>
    %swap3A = arith.constant 0 : index
    %swap3A_26 = arith.constant 0 : index
    %swap3A_27 = vector.load %arg5[%swap3A, %swap3A_26] : memref<10000x16xf32, #tpu.memory_space<vmem>>, vector<10000x16xf32>
    tpu.vector_store %arg5[%swap3A, %swap3A_26], %add3A_25 {strides = array<i32>} : memref<10000x16xf32, #tpu.memory_space<vmem>>, vector<10000x16xf32>,
    return
  }
}

</mosaic_0001>

<sc_bundles>
// kernel: kernel.11.cloned.1.call-start
scs
__scs_entry_jumppad:
0x0: {  	(pc) =	sbr.rel $0x88, $3  }
0x1: {  	(tag) =	ssettag $0x0;
	lr =	simm.s32 $0x1  }
0x2: {  	[smem:$0x3F9B] =	sst lr;
	_ =	strace $0xD0000000  }
0x3: {  	_ = 	snop  }
0x4: {  	_ = 	snop  }
0x5: {  	_ = 	snop  }
0x6: {  	_ = 	snop  }
0x7: {  	_ = 	snop  }
__scs_overlays_trampoline_lowered:
0x8: {  	[smem:$0x3FAA] =	sst s0  }
0x9: {  	[smem:$0x3FAB] =	sst s1  }
0xa: {  	[smem:$0x3FAC] =	sst s2  }
0xb: {  	[smem:$0x3FAD] =	sst s3  }
0xc: {  	[smem:$0x3FAE] =	sst s4  }
0xd: {  	[smem:$0x3FAF] =	sst s5  }
0xe: {  	[smem:$0x3FB0] =	sst s6  }
0xf: {  	[smem:$0x3FB1] =	sst s7  }
0x10: {  	[smem:$0x3FB2] =	sst s8  }
0x11: {  	[smem:$0x3FB3] =	sst s9;
	s0 =	simm.s32 @!p0 $0x0  }
0x12: {  	s1 =	sld [smem:$0x3F99];
	s0 =	simm.s32 @p0 $0x1  }
0x13: {  	[smem:$0x3FB4] =	sst s0;
	s0 =	simm.s32 @!p1 $0x0  }
0x14: {  	s2 =	sld [smem:$0x3F98];
	s0 =	simm.s32 @p1 $0x1  }
0x15: {  	[smem:$0x3FB5] =	sst s0;
	s0 =	simm.s32 @!p2 $0x0  }
0x16: {  	s3 =	sld [smem:$0x3FDB];
	s0 =	simm.s32 @p2 $0x1  }
0x17: {  	s4 =	simm.s32 $0x1BF5;
	[smem:$0x3FB7] =	sst s0  }
0x18: {  	s0 =	sld [smem:$0x3F9A];
	_ =	swait.ge [sflag:s4], $0x0  }
0x19: {  	s7 =	sld [smem:$0x3F9B]  }
0x1a: {  	s8 =	sadd.s32 $0xFFFFE003, lr  }
0x1b: {  	s9 =	sadd.s32 $0xFFFFFEF7, lr;
	s5 =	simm.s32 $0xFFFFFFFF;
	p2 =	slt.u32 s8, $0xFFFFF086  }
0x1c: {  	p1 =	slt.u32 s9, $0xF7A;
	s5 =	simm.s32 @!p2 $0x0  }
0x1d: {  	s5 =	simm.s32 @p1 $0x1;
	p0 =	seq.s32 s7, s2  }
0x1e: {  	s7 =	smul.u32 @!p0 $0xF7A, s2;
	p2 =	seq.s32 @!p0 s5, $0x0  }
0x1f: {  	s9 =	smul.u32 $0xF7A, s1;
	s8 =	simm.s32 @!p0 $0x1BF5;
	p2 =	por !p2, p0  }
0x20: {  	[sflag:s8] =	ssyncset.s32 @!p0 $0xFFFFF086;
	s6 =	sadd.s32 @!p0 s3, s7;
	s7 =	simm.s32 @!p0 $0x108  }
0x21: {  	s3 =	sadd.s32 s3, s9;
	s6 =	sadd.s32 @!p0 $0x88, s6;
	s7 =	simm.s32 @p2 $0x1082  }
0x22: {  	[simem:s7], [sflag:s8] =	dma.local @!p0 [hbm:s6], $0xF7A  }
0x23: {  	s9 =	sor.u32 $0xD0000000, s2;
	s6 =	simm.s32 $0x108;
	_ =	swait.ge @!p0 [sflag:s8], $0x0  }
0x24: {  	s3 =	sadd.s32 $0x88, s3;
	s6 =	simm.s32 @!p1 $0x1082;
	[sflag:s4] =	ssyncset.s32 $0xFFFFF086  }
0x25: {  	[simem:s6], [sflag:s4] =	dma.local [hbm:s3], $0xF7A  }
0x26: {  	[smem:$0x3F9B] =	sst s1;
	(tag) =	ssettag s2;
	_ =	strace s9  }
0x27: {  	s1 =	sld [smem:$0x3FAB]  }
0x28: {  	s2 =	sld [smem:$0x3FAC]  }
0x29: {  	s4 =	sld [smem:$0x3FAE]  }
0x2a: {  	p0 =	seq.s32 s5, $0x0;
	s5 =	sld [smem:$0x3FAF]  }
0x2b: {  	s6 =	sld [smem:$0x3FB0]  }
0x2c: {  	s7 =	sld [smem:$0x3FB1]  }
0x2d: {  	s3 =	simm.s32 $0x108;
	s8 =	sld [smem:$0x3FB2]  }
0x2e: {  	s3 =	simm.s32 @!p0 $0x1082;
	s9 =	sld [smem:$0x3FB3]  }
0x2f: {  	lr =	sadd.s32 s0, s3;
	s0 =	sld [smem:$0x3FAA]  }
0x30: {  	s3 =	sld [smem:$0x3FAD]  }
0x31: {  	[smem:$0x3FB6] =	sst s10  }
0x32: {  	s10 =	sld [smem:$0x3FB4];
	_ =	sdelay $0x3  }
0x33: {  	p0 =	seq.s32 s10, $0x1;
	s10 =	sld [smem:$0x3FB6];
	_ =	sdelay $0x3  }
0x34: {  	[smem:$0x3FB6] =	sst s10  }
0x35: {  	s10 =	sld [smem:$0x3FB5];
	_ =	sdelay $0x3  }
0x36: {  	p1 =	seq.s32 s10, $0x1;
	s10 =	sld [smem:$0x3FB6];
	_ =	sdelay $0x3  }
0x37: {  	[smem:$0x3FB6] =	sst s10  }
0x38: {  	s10 =	sld [smem:$0x3FB7]  }
0x39: {  	_ = 	snop;
	(pc) =	sbr.ind lr, $3  }
0x3a: {  	_ = 	snop  }
0x3b: {  	_ = 	snop  }
0x3c: {  	p2 =	seq.s32 s10, $0x1;
	s10 =	sld [smem:$0x3FB6]  }
0x3d: {  	_ =	shalt  }
0x3e: {  	_ =	shalt  }
0x3f: {  	_ =	shalt  }
0x40: {  	_ =	shalt  }
0x41: {  	_ =	shalt  }
0x42: {  	_ =	shalt  }
0x43: {  	_ =	shalt  }
0x44: {  	_ =	shalt  }
0x45: {  	_ =	shalt  }
0x46: {  	_ =	shalt  }
0x47: {  	_ =	shalt  }
0x48: {  	_ =	shalt  }
0x49: {  	_ =	shalt  }
0x4a: {  	_ =	shalt  }
0x4b: {  	_ =	shalt  }
0x4c: {  	_ =	shalt  }
0x4d: {  	_ =	shalt  }
0x4e: {  	_ =	shalt  }
0x4f: {  	_ =	shalt  }
0x50: {  	_ =	shalt  }
0x51: {  	_ =	shalt  }
0x52: {  	_ =	shalt  }
0x53: {  	_ =	shalt  }
0x54: {  	_ =	shalt  }
0x55: {  	_ =	shalt  }
0x56: {  	_ =	shalt  }
0x57: {  	_ =	shalt  }
0x58: {  	_ =	shalt  }
0x59: {  	_ =	shalt  }
0x5a: {  	_ =	shalt  }
0x5b: {  	_ =	shalt  }
0x5c: {  	_ =	shalt  }
0x5d: {  	_ =	shalt  }
0x5e: {  	_ =	shalt  }
0x5f: {  	_ =	shalt  }
0x60: {  	_ =	shalt  }
0x61: {  	_ =	shalt  }
0x62: {  	_ =	shalt  }
0x63: {  	_ =	shalt  }
0x64: {  	_ =	shalt  }
0x65: {  	_ =	shalt  }
0x66: {  	_ =	shalt  }
0x67: {  	_ =	shalt  }
0x68: {  	_ =	shalt  }
0x69: {  	_ =	shalt  }
0x6a: {  	_ =	shalt  }
0x6b: {  	_ =	shalt  }
0x6c: {  	_ =	shalt  }
0x6d: {  	_ =	shalt  }
0x6e: {  	_ =	shalt  }
0x6f: {  	_ =	shalt  }
0x70: {  	_ =	shalt  }
0x71: {  	_ =	shalt  }
0x72: {  	_ =	shalt  }
0x73: {  	_ =	shalt  }
0x74: {  	_ =	shalt  }
0x75: {  	_ =	shalt  }
0x76: {  	_ =	shalt  }
0x77: {  	_ =	shalt  }
0x78: {  	_ =	shalt  }
0x79: {  	_ =	shalt  }
0x7a: {  	_ =	shalt  }
0x7b: {  	_ =	shalt  }
0x7c: {  	_ =	shalt  }
0x7d: {  	_ =	shalt  }
0x7e: {  	_ =	shalt  }
0x7f: {  	_ =	shalt  }
0x80: {  	_ =	shalt  }
0x81: {  	_ =	shalt  }
0x82: {  	_ =	shalt  }
0x83: {  	_ =	shalt  }
0x84: {  	_ =	shalt  }
0x85: {  	_ =	shalt  }
0x86: {  	_ =	shalt  }
0x87: {  	_ =	shalt  }
.Lfunc_end0:
.L_simem_size_0:
called_computation.1_lowered:
.L_overlay_start_0:
0x88: {  	s2 =	sld [smem:$0x3FD9]  }
0x89: {  	s3 =	sld [smem:$0x3FFE];
	_ =	sdelay $0x1  }
0x8a: {  	s1 =	srdreg.scid  }
0x8b: {  	s0 =	sand.u32 $0x1, s1  }
0x8c: {  	s16 =	sshll.u32 s0, $0xA;
	s2 =	sadd.s32 s3, s2  }
0x8d: {  	s2 =	sadd.s32 s2, s16  }
0x8e: {  	[smem:$0x3FC2] =	sst s2  }
0x8f: {  	_ = 	snop  }
0x90: {  	(tm) =	ssettm $0x1  }
0x91: {  	s17 =	sld [smem:$0x3FFB];
	_ =	sdelay $0x3  }
0x92: {  	_ =	strace s17  }
0x93: {  	s2 =	sld [smem:$0x3FFC];
	_ =	sdelay $0x3  }
0x94: {  	_ =	strace s2  }
0x95: {  	s2 =	sld [smem:$0x3FFD];
	_ =	sdelay $0x3  }
0x96: {  	_ =	strace s2  }
0x97: {  	_ =	strace $0x8FFFFFFF  }
0x98: {  	s18 =	sld [smem:$0x3FDB];
	_ =	sdelay $0x1  }
0x99: {  	s19 =	simm.s32 $_scs_section_size  }
0x9a: {  	s4 =	simm.s32 $_size__tile_overlayer_lowered;
	s5 =	simm.s32 $_tile_overlayer_lowered  }
0x9b: {  	s22 =	simm.s32 $0x1BFF;
	s21 =	sshll.u32 s5, $0x1;
	s2 =	sadd.s32 s19, s18  }
0x9c: {  	s6 =	simm.s32 $0x0;
	s20 =	sshll.u32 s4, $0x1;
	s4 =	sadd.s32 s21, s2  }
0x9d: {  	[timem:s6], [sflag:s22] =	dma.local [hbm:s4], s20  }
0x9e: {  	_ =	swait.ge [sflag:s22], s20  }
0x9f: {  	s3 =	ssub.s32 $0x0, s20;
	[sflag:s22] =	ssyncset.done $0x0  }
0xa0: {  	[sflag:s22] =	ssyncadd.s32 s3;
	_ =	sdelay $0x1  }
0xa1: {  	s23 =	simm.s32 $0x1B8B  }
0xa2: {  	_ =	swait.ge [sflag:s23], $0x1  }
0xa3: {  	[sflag:s23] =	ssyncset.done $0x0  }
0xa4: {  	s25 =	simm.s32 $0x1B8E;
	s24 =	sld [smem:$0x3FFE];
	[sflag:s23] =	ssyncadd.s32 $0xFFFFFFFF  }
0xa5: {  	s26 =	simm.s32 $execute0_lowered;
	[smem:$0x3FD2] =	sst s25  }
0xa6: {  	s4 =	sshll.u32 s26, $0x1;
	_ =	strace $0x80000049;
	[dreg:$0x1] =	wrdreg $0xFFFFFFFF  }
0xa7: {  	s28 =	simm.s32 $_size_execute0_lowered;
	s2 =	sadd.s32 s2, s4;
	[dreg:$0x0] =	wrdreg $0x0  }
0xa8: {  	s4 =	sshll.u32 s28, $0x1;
	[dreg:$0x2] =	wrdreg s2  }
0xa9: {  	[dreg:$0x3] =	wrdreg s4  }
0xaa: {  	[dreg:$0x4] =	wrdreg $0xC0  }
0xab: {  	_ =	task [dreg:s6], $0x5FFFF  }
0xac: {  	[dreg:$0x1] =	wrdreg $0xFFFFFFFF  }
0xad: {  	[dreg:$0x0] =	wrdreg $0x60  }
0xae: {  	[dreg:$0x2] =	wrdreg s24  }
0xaf: {  	[dreg:$0x3] =	wrdreg $0xA8000  }
0xb0: {  	[dreg:$0x4] =	wrdreg $0x9  }
0xb1: {  	_ =	task.clear_ibuf [dreg:s6], $0x5FFFF;
	_ =	strace $0x90000049  }
0xb2: {  	s29 =	simm.s32 $0x9;
	_ =	strace $0x8000004B  }
0xb3: {  	_ =	swait.ge [sflag:s29], $0x1  }
0xb4: {  	[sflag:s29] =	ssyncadd.s32 $0xFFFFFFFF  }
0xb5: {  	_ =	strace $0x9000004B  }
0xb6: {  	_ =	sfence  }
0xb7: {  	s30 =	sld [smem:$0x0];
	_ =	sdelay $0x2  }
0xb8: {  	s31 =	sshll.u32 s1, $0xD;
	s1 =	sshrl.u32 s1, $0x2  }
0xb9: {  	s3 =	sand.u32 $0x4000, s31;
	s1 =	sadd.s32 s1, s30  }
0xba: {  	s0 =	sor.u32 s3, s0;
	s1 =	sshll.u32 s1, $0x11  }
0xbb: {  	s0 =	sor.u32 s1, s0  }
0xbc: {  	s0 =	sadd.s32 $0x8F2B, s0  }
0xbd: {  	[sflag:s0] =	ssyncadd.remote.s32 $0x1  }
0xbe: {  	_ =	sfence.sel $0xFFFF  }
0xbf: {  	[dreg:$0x0] =	wrdreg $0xFFFFFFFF;
	(pc) =	sbr.abs _section_cstart, $3  }
0xc0: {  	[dreg:$0x1] =	wrdreg $0xFFFFFFFF  }
0xc1: {  	_ =	task.clear_ibuf [dreg:s6], $0x2FFFF;
	_ =	strace $0x9FFFFFFF  }
0xc2: {  	(tm) =	ssettm $0x7FFFFFFF  }
0xc3: {  	_ =	shalt  }
tec
execute0_lowered:
.L_overlay_start_1:
0x0: {  	(tag) =	ssettag $0x1  }
0x1: {  	s0 =	srdreg.scid;
	s4 =	rddreg [dreg:$0x0]  }
0x2: {  	s1 =	rddreg [dreg:$0x1];
	s19 =	stileid.u32;
	s2 =	simm.s32 $0x0  }
0x3: {  	s21 =	simm.s32 $0x1400;
	s22 =	simm.s32 $0x80;
	s23 =	simm.s32 $0x6800  }
0x4: {  	s24 =	simm.s32 $0x1;
	s25 =	simm.s32 $0x2;
	s26 =	simm.s32 $0x0  }
0x5: {  	s7 =	sand.u32 $0x1, s0;
	s0 =	rddreg [dreg:$0x2];
	s8 =	smul.u32 $0x4E000, s19  }
0x6: {  	[smem:$0x7FF] =	sst s2;
	s12 =	smul.u32 $0x13800, s19;
	s16 =	sadd.s32 $0x3C200, s4  }
0x7: {  	p0 =	sne.s32 s19, $0x0;
	s3 =	sshll.u32 s7, $0x4;
	_ =	strace $0x8000004A  }
0x8: {  	s6 =	ssub.s32 $0x2, s7;
	s20 =	smul.u32 $0x138800, s7;
	s3 =	sor.u32 s19, s3  }
0x9: {  	s9 =	sshrl.u32 s6, $0x1;
	s31 =	sshrl.u32 s8, $0x2;
	s13 =	sadd.s32 $0x4000, s12  }
0xa: {  	s14 =	sadd.s32 $0x8000, s12;
	s15 =	sadd.s32 $0xC000, s12;
	s17 =	sadd.s32 $0x10000, s12  }
0xb: {  	s19 =	simm.s32 $0x2800;
	s5 =	smul.u32 $0x280, s3;
	s3 =	sadd.s32 $0x15000, s4  }
0xc: {  	s18 =	ssub.s32 s6, s9;
	s6 =	sadd.s32 s14, s1;
	s7 =	sadd.s32 s15, s1  }
0xd: {  	s8 =	sadd.s32 s17, s1;
	s9 =	sadd.s32 $0x138000, s1;
	s12 =	sadd.s32 s12, s20  }
0xe: {  	s14 =	sadd.s32 s20, s14;
	s15 =	sadd.s32 s20, s15;
	s17 =	sadd.s32 s20, s17  }
0xf: {  	s12 =	sshrl.u32 s12, $0x3;
	s14 =	sshrl.u32 s14, $0x3;
	s15 =	sshrl.u32 s15, $0x3  }
0x10: {  	s17 =	sshrl.u32 s17, $0x3;
	s18 =	smax.u32 s18, $0x1;
	s11 =	sadd.s32 s5, s4  }
0x11: {  	s4 =	sadd.s32 s31, s1;
	s5 =	sadd.s32 s13, s1;
	s13 =	sadd.s32 s20, s13  }
0x12: {  	s12 =	sadd.s32 s16, s12;
	s14 =	sadd.s32 s16, s14;
	s20 =	sshrl.u32 s20, $0x3  }
0x13: {  	s15 =	sadd.s32 s16, s15;
	s10 =	sadd.s32 $0x10000, s11;
	s13 =	sshrl.u32 s13, $0x3  }
0x14: {  	s11 =	sadd.s32 $0xB000, s11;
	s20 =	sadd.s32 s16, s20;
	s13 =	sadd.s32 s16, s13  }
0x15: {  	v0 =	vimm.f32 $0.0e+00;
	s16 =	sadd.s32 s16, s17;
	s17 =	sadd.s32 $0x27000, s20;
	s20 =	simm.s32 $0x3  }
.LBB2_1:
0x16: {  	s28 =	sand.u32 $0xFE00, s2  }
0x17: {  	s29 =	sand.u32 $0x70, s2;
	s30 =	sshrl.u32 s28, $0x2  }
0x18: {  	s28 =	simm.s32 $0x40;
	s30 =	sor.u32 s29, s30;
	s29 =	simm.s32 $0x0  }
.LBB2_2:
0x19: {  	p1 =	sne.s32 s28, $0xFFC0  }
0x1a: {  	[tilespmem:s30+$0x2800] =	vst v0;
	s29 =	sadd.s32 $0x10, s29;
	s30 =	smov.u32 s28;
	s28 =	sadd.s32 $0x40, s28  }
.Ltmp0:
0x1b: {  	(pc) =	sbr.rel @p1 .LBB2_2-.Ltmp0, $4  }
0x1c: {  	_ = 	snop  }
0x1d: {  	s30 =	sand.u32 $0xFE00, s30  }
0x1e: {  	s31 =	sand.u32 $0x70, s29;
	s30 =	sshrl.u32 s30, $0x2  }
0x1f: {  	s30 =	sor.u32 s31, s30  }
0x20: {  	[tilespmem:s30+$0x2800] =	vst v0  }
0x21: {  	[spmem:s4] =	stream.linear.scatter [tilespmem:s19], [sflag:$0x3], $0x4000, $0x38;
	[tilespmem:$0x1E480] =	vst v63  }
0x22: {  	_ =	swait.ge [sflag:s20], $0x4000  }
0x23: {  	[sflag:s20] =	ssyncset.done $0x0  }
0x24: {  	[sflag:s20] =	ssyncadd.s32 $0xFFFFC000  }
0x25: {  	[spmem:s5] =	stream.linear.scatter [tilespmem:s19], [sflag:$0x3], $0x4000, $0x38;
	[tilespmem:$0x1E480] =	vst v63  }
0x26: {  	_ =	swait.ge [sflag:s20], $0x4000  }
0x27: {  	[sflag:s20] =	ssyncset.done $0x0  }
0x28: {  	[sflag:s20] =	ssyncadd.s32 $0xFFFFC000  }
0x29: {  	[spmem:s6] =	stream.linear.scatter [tilespmem:s19], [sflag:$0x3], $0x4000, $0x38;
	[tilespmem:$0x1E480] =	vst v63  }
0x2a: {  	_ =	swait.ge [sflag:s20], $0x4000  }
0x2b: {  	[sflag:s20] =	ssyncset.done $0x0  }
0x2c: {  	[sflag:s20] =	ssyncadd.s32 $0xFFFFC000  }
0x2d: {  	[spmem:s7] =	stream.linear.scatter [tilespmem:s19], [sflag:$0x3], $0x4000, $0x38;
	[tilespmem:$0x1E480] =	vst v63  }
0x2e: {  	_ =	swait.ge [sflag:s20], $0x4000  }
0x2f: {  	[sflag:s20] =	ssyncset.done $0x0  }
0x30: {  	[sflag:s20] =	ssyncadd.s32 $0xFFFFC000  }
0x31: {  	[spmem:s8] =	stream.linear.scatter [tilespmem:s19], [sflag:$0x3], $0x3800, $0x38;
	[tilespmem:$0x1E480] =	vst v63  }
0x32: {  	_ =	swait.ge [sflag:s20], $0x3800  }
0x33: {  	[sflag:s20] =	ssyncset.done $0x0  }
0x34: {  	s28 =	simm.s32 @!p0 $0x2800;
	[sflag:s20] =	ssyncadd.s32 $0xFFFFC800  }
0x35: {  	[spmem:s9] =	stream.linear.scatter @!p0 [tilespmem:s28], [sflag:$0x3], $0x800, $0x38;
	[tilespmem:$0x1E480] =	vst v63  }
0x36: {  	s28 =	simm.s32 @!p0 $0x3  }
0x37: {  	_ =	swait.ge @!p0 [sflag:s28], $0x800  }
0x38: {  	[sflag:s28] =	ssyncset.done @!p0 $0x0  }
0x39: {  	[sflag:s28] =	ssyncadd.s32 @!p0 $0xFFFFF800;
	s28 =	simm.s32 $0x0  }
0x3a: {  	[tilespmem:s28], [sflag:$0x3] =	stream.linear.gather [hbm4b:s10+s28], $0x1400, $0x38;
	[tilespmem:$0x1E480] =	vst v63  }
0x3b: {  	_ =	swait.ge [sflag:s20], $0x1400  }
0x3c: {  	[sflag:s20] =	ssyncset.done $0x0  }
0x3d: {  	[sflag:s20] =	ssyncadd.s32 $0xFFFFEC00  }
0x3e: {  	[tilespmem:s21], [sflag:$0x3] =	stream.linear.gather [hbm4b:s11+s28], $0x1400, $0x38;
	[tilespmem:$0x1E480] =	vst v63  }
0x3f: {  	_ =	swait.ge [sflag:s20], $0x1400  }
0x40: {  	[sflag:s20] =	ssyncset.done $0x0  }
0x41: {  	[sflag:s20] =	ssyncadd.s32 $0xFFFFEC00  }
0x42: {  	s28 =	simm.s32 $0x0;
	[bflag:$0x0] =	sbarrier.arrive $0xFFFF  }
0x43: {  	[tilespmem:s19], [sflag:$0x1] =	stream.indirect.gather [hbm4b:s3+s22], $0x80, s28, s22, $0xb8;
	[tilespmem:$0x1E480] =	vst v63  }
0x44: {  	s28 =	simm.s32 $0x80  }
0x45: {  	[tilespmem:s23], [sflag:$0x2] =	stream.indirect.gather [hbm4b:s3+s22], $0x80, s28, s22, $0xb8;
	[tilespmem:$0x1E480] =	vst v63  }
0x46: {  	_ =	swait.ge [sflag:s24], $0x4000  }
0x47: {  	[sflag:s24] =	ssyncset.done $0x0  }
0x48: {  	[sflag:s24] =	ssyncadd.s32 $0xFFFFC000  }
0x49: {  	_ =	swait.ge [sflag:s25], $0x4000  }
0x4a: {  	[sflag:s25] =	ssyncset.done $0x0  }
0x4b: {  	s28 =	simm.s32 $0x1400;
	[sflag:s25] =	ssyncadd.s32 $0xFFFFC000  }
0x4c: {  	[spmem:s1] =	stream.indirect.scatter.add.f32 [tilespmem:s19], [sflag:$0x3], $0x80, s28, s22, $0xb8;
	[tilespmem:$0x1E480] =	vst v63  }
0x4d: {  	_ =	swait.ge [sflag:s20], $0x4000  }
0x4e: {  	[sflag:s20] =	ssyncset.done $0x0  }
0x4f: {  	s28 =	simm.s32 $0x1480;
	[sflag:s20] =	ssyncadd.s32 $0xFFFFC000  }
0x50: {  	[spmem:s1] =	stream.indirect.scatter.add.f32 [tilespmem:s23], [sflag:$0x3], $0x80, s28, s22, $0xb8;
	[tilespmem:$0x1E480] =	vst v63  }
0x51: {  	_ =	swait.ge [sflag:s20], $0x4000  }
0x52: {  	s29 =	simm.s32 $0x800;
	s28 =	simm.s32 $0x400;
	[sflag:s20] =	ssyncset.done $0x0  }
.LBB2_4:
0x53: {  	s30 =	sshra.s32 s28, $0x2  }
0x54: {  	[sflag:s20] =	ssyncadd.s32 $0xFFFFC000;
	s28 =	smov.u32 s29;
	s31 =	sadd.s32 $0x400, s29  }
0x55: {  	[tilespmem:s19], [sflag:$0x1] =	stream.indirect.gather [hbm4b:s3+s22], $0x80, s30, s22, $0xb8;
	[tilespmem:$0x1E480] =	vst v63  }
0x56: {  	p1 =	sne.s32 s29, $0x4C00;
	s29 =	sadd.s32 $0x80, s30  }
0x57: {  	[tilespmem:s23], [sflag:$0x2] =	stream.indirect.gather [hbm4b:s3+s22], $0x80, s29, s22, $0xb8;
	[tilespmem:$0x1E480] =	vst v63  }
0x58: {  	_ =	swait.ge [sflag:s24], $0x4000  }
0x59: {  	[sflag:s24] =	ssyncset.done $0x0  }
0x5a: {  	[sflag:s24] =	ssyncadd.s32 $0xFFFFC000  }
0x5b: {  	_ =	swait.ge [sflag:s25], $0x4000  }
0x5c: {  	[sflag:s25] =	ssyncset.done $0x0  }
0x5d: {  	s29 =	sadd.s32 $0x1400, s30;
	[sflag:s25] =	ssyncadd.s32 $0xFFFFC000  }
0x5e: {  	[spmem:s1] =	stream.indirect.scatter.add.f32 [tilespmem:s19], [sflag:$0x3], $0x80, s29, s22, $0xb8;
	[tilespmem:$0x1E480] =	vst v63  }
0x5f: {  	_ =	swait.ge [sflag:s20], $0x4000  }
.Ltmp1:
0x60: {  	[sflag:s20] =	ssyncset.done $0x0;
	(pc) =	sbr.rel @p1 .LBB2_4-.Ltmp1, $4  }
0x61: {  	s29 =	sadd.s32 $0x1480, s30;
	[sflag:s20] =	ssyncadd.s32 $0xFFFFC000  }
0x62: {  	[spmem:s1] =	stream.indirect.scatter.add.f32 [tilespmem:s23], [sflag:$0x3], $0x80, s29, s22, $0xb8;
	[tilespmem:$0x1E480] =	vst v63  }
0x63: {  	_ =	swait.ge [sflag:s20], $0x4000  }
0x64: {  	s29 =	smov.u32 s31;
	[sflag:s20] =	ssyncset.done $0x0  }
0x65: {  	s28 =	sshra.s32 s28, $0x2;
	[sflag:s20] =	ssyncadd.s32 $0xFFFFC000  }
0x66: {  	[tilespmem:s19], [sflag:$0x1] =	stream.indirect.gather [hbm4b:s3+s22], $0x80, s28, s22, $0xb8;
	[tilespmem:$0x1E480] =	vst v63  }
0x67: {  	s29 =	sadd.s32 $0x80, s28  }
0x68: {  	[tilespmem:s23], [sflag:$0x2] =	stream.indirect.gather [hbm4b:s3+s22], $0x80, s29, s22, $0xb8;
	[tilespmem:$0x1E480] =	vst v63  }
0x69: {  	_ =	swait.ge [sflag:s24], $0x4000  }
0x6a: {  	[sflag:s24] =	ssyncset.done $0x0  }
0x6b: {  	[sflag:s24] =	ssyncadd.s32 $0xFFFFC000  }
0x6c: {  	_ =	swait.ge [sflag:s25], $0x4000  }
0x6d: {  	[sflag:s25] =	ssyncset.done $0x0  }
0x6e: {  	s31 =	sadd.s32 $0x1400, s28;
	[sflag:s25] =	ssyncadd.s32 $0xFFFFC000  }
0x6f: {  	[spmem:s1] =	stream.indirect.scatter.add.f32 [tilespmem:s19], [sflag:$0x3], $0x80, s31, s22, $0xb8;
	[tilespmem:$0x1E480] =	vst v63  }
0x70: {  	_ =	swait.ge [sflag:s20], $0x4000  }
0x71: {  	[sflag:s20] =	ssyncset.done $0x0  }
0x72: {  	s28 =	sadd.s32 $0x1480, s28;
	[sflag:s20] =	ssyncadd.s32 $0xFFFFC000  }
0x73: {  	[spmem:s1] =	stream.indirect.scatter.add.f32 [tilespmem:s23], [sflag:$0x3], $0x80, s28, s22, $0xb8;
	[tilespmem:$0x1E480] =	vst v63  }
0x74: {  	_ =	swait.ge [sflag:s20], $0x4000  }
0x75: {  	[sflag:s20] =	ssyncset.done $0x0  }
0x76: {  	[sflag:s20] =	ssyncadd.s32 $0xFFFFC000  }
0x77: {  	[bflag:$0x0] =	sbarrier.arrive $0xFFFF  }
0x78: {  	[tilespmem:s19], [sflag:$0x3] =	stream.linear.gather [spmem:s4], $0x4000, $0x38;
	[tilespmem:$0x1E480] =	vst v63  }
0x79: {  	_ =	swait.ge [sflag:s20], $0x4000  }
0x7a: {  	[sflag:s20] =	ssyncset.done $0x0  }
0x7b: {  	[sflag:s20] =	ssyncadd.s32 $0xFFFFC000  }
0x7c: {  	[hbm4b:s12+s2] =	stream.linear.scatter [tilespmem:s19], [sflag:$0x3], $0x4000, $0x38;
	[tilespmem:$0x1E480] =	vst v63  }
0x7d: {  	_ =	swait.ge [sflag:s20], $0x4000  }
0x7e: {  	[sflag:s20] =	ssyncset.done $0x0  }
0x7f: {  	[sflag:s20] =	ssyncadd.s32 $0xFFFFC000  }
0x80: {  	[tilespmem:s19], [sflag:$0x3] =	stream.linear.gather [spmem:s5], $0x4000, $0x38;
	[tilespmem:$0x1E480] =	vst v63  }
0x81: {  	_ =	swait.ge [sflag:s20], $0x4000  }
0x82: {  	[sflag:s20] =	ssyncset.done $0x0  }
0x83: {  	[sflag:s20] =	ssyncadd.s32 $0xFFFFC000  }
0x84: {  	[hbm4b:s13+s2] =	stream.linear.scatter [tilespmem:s19], [sflag:$0x3], $0x4000, $0x38;
	[tilespmem:$0x1E480] =	vst v63  }
0x85: {  	_ =	swait.ge [sflag:s20], $0x4000  }
0x86: {  	[sflag:s20] =	ssyncset.done $0x0  }
0x87: {  	[sflag:s20] =	ssyncadd.s32 $0xFFFFC000  }
0x88: {  	[tilespmem:s19], [sflag:$0x3] =	stream.linear.gather [spmem:s6], $0x4000, $0x38;
	[tilespmem:$0x1E480] =	vst v63  }
0x89: {  	_ =	swait.ge [sflag:s20], $0x4000  }
0x8a: {  	[sflag:s20] =	ssyncset.done $0x0  }
0x8b: {  	[sflag:s20] =	ssyncadd.s32 $0xFFFFC000  }
0x8c: {  	[hbm4b:s14+s2] =	stream.linear.scatter [tilespmem:s19], [sflag:$0x3], $0x4000, $0x38;
	[tilespmem:$0x1E480] =	vst v63  }
0x8d: {  	_ =	swait.ge [sflag:s20], $0x4000  }
0x8e: {  	[sflag:s20] =	ssyncset.done $0x0  }
0x8f: {  	[sflag:s20] =	ssyncadd.s32 $0xFFFFC000  }
0x90: {  	[tilespmem:s19], [sflag:$0x3] =	stream.linear.gather [spmem:s7], $0x4000, $0x38;
	[tilespmem:$0x1E480] =	vst v63  }
0x91: {  	_ =	swait.ge [sflag:s20], $0x4000  }
0x92: {  	[sflag:s20] =	ssyncset.done $0x0  }
0x93: {  	[sflag:s20] =	ssyncadd.s32 $0xFFFFC000  }
0x94: {  	[hbm4b:s15+s2] =	stream.linear.scatter [tilespmem:s19], [sflag:$0x3], $0x4000, $0x38;
	[tilespmem:$0x1E480] =	vst v63  }
0x95: {  	_ =	swait.ge [sflag:s20], $0x4000  }
0x96: {  	[sflag:s20] =	ssyncset.done $0x0  }
0x97: {  	[sflag:s20] =	ssyncadd.s32 $0xFFFFC000  }
0x98: {  	[tilespmem:s19], [sflag:$0x3] =	stream.linear.gather [spmem:s8], $0x3800, $0x38;
	[tilespmem:$0x1E480] =	vst v63  }
0x99: {  	_ =	swait.ge [sflag:s20], $0x3800  }
0x9a: {  	[sflag:s20] =	ssyncset.done $0x0  }
0x9b: {  	[sflag:s20] =	ssyncadd.s32 $0xFFFFC800  }
0x9c: {  	[hbm4b:s16+s2] =	stream.linear.scatter [tilespmem:s19], [sflag:$0x3], $0x3800, $0x38;
	[tilespmem:$0x1E480] =	vst v63  }
0x9d: {  	_ =	swait.ge [sflag:s20], $0x3800  }
0x9e: {  	[sflag:s20] =	ssyncset.done $0x0  }
0x9f: {  	s29 =	simm.s32 @!p0 $0x3;
	s28 =	simm.s32 @!p0 $0x2800;
	[sflag:s20] =	ssyncadd.s32 $0xFFFFC800  }
0xa0: {  	[tilespmem:s28], [sflag:$0x3] =	stream.linear.gather @!p0 [spmem:s9], $0x800, $0x38;
	[tilespmem:$0x1E480] =	vst v63  }
0xa1: {  	s26 =	sadd.s32 $0x1, s26;
	_ =	swait.ge @!p0 [sflag:s29], $0x800  }
0xa2: {  	p1 =	sne.s32 s26, s18;
	[sflag:s29] =	ssyncset.done @!p0 $0x0  }
.Ltmp2:
0xa3: {  	s30 =	simm.s32 @!p0 $0x0;
	[sflag:s29] =	ssyncadd.s32 @!p0 $0xFFFFF800;
	(pc) =	sbr.rel @p1 .LBB2_1-.Ltmp2, $4  }
0xa4: {  	[hbm4b:s17+s30] =	stream.linear.scatter @!p0 [tilespmem:s28], [sflag:$0x3], $0x800, $0x38;
	[tilespmem:$0x1E480] =	vst v63  }
0xa5: {  	_ =	swait.ge @!p0 [sflag:s29], $0x800  }
0xa6: {  	[sflag:s29] =	ssyncset.done @!p0 $0x0  }
0xa7: {  	[sflag:s29] =	ssyncadd.s32 @!p0 $0xFFFFF800  }
0xa8: {  	_ =	sfence.sel $0x180000  }
0xa9: {  	[bflag:$0x0] =	sbarrier.arrive $0xFFFF  }
0xaa: {  	_ =	strace $0x9000004A  }
0xab: {  	s0 =	sadd.s32 @!p0 $0x100000, s0;
	[bflag:$0x2] =	sbarrier.arrive $0xFFFF  }
0xac: {  	[sflag:s0] =	ssyncadd.tile.s32 @!p0 $0x1;
	_ =	shalt  }
.Lfunc_end2:
_tile_overlayer_lowered:
.L_overlay_start_2:
0xad: {  	(tag) =	ssettag $0x2  }
0xae: {  	s0 =	rddreg [dreg:$0x0];
	s2 =	stileid.u32  }
0xaf: {  	s1 =	rddreg [dreg:$0x1];
	p0 =	sne.s32 s2, $0x0  }
0xb0: {  	s3 =	rddreg [dreg:$0x2];
	[bflag:$0x3] =	sbarrier.arrive $0xFFFF;
	s2 =	simm.s32 @!p0 $0x1C03  }
0xb1: {  	[timem:s3], [sflag:s2] =	dma.local @!p0 [hbm:s0], s1  }
0xb2: {  	s0 =	simm.s32 @!p0 $0x3  }
0xb3: {  	_ =	swait.ge @!p0 [sflag:s0], s1  }
0xb4: {  	s1 =	ssub.s32 @!p0 $0x0, s1;
	[sflag:s0] =	ssyncset.done @!p0 $0x0  }
0xb5: {  	[sflag:s0] =	ssyncadd.s32 @!p0 s1  }
0xb6: {  	[bflag:$0x3] =	sbarrier.arrive $0xFFFF  }
0xb7: {  	_ =	shalt  }

// kernel: kernel.14.cloned.1.call-start
scs
__scs_entry_jumppad:
0x0: {  	(pc) =	sbr.rel $0x88, $3  }
0x1: {  	(tag) =	ssettag $0x0;
	lr =	simm.s32 $0x1  }
0x2: {  	[smem:$0x3F9B] =	sst lr;
	_ =	strace $0xD0000000  }
0x3: {  	_ = 	snop  }
0x4: {  	_ = 	snop  }
0x5: {  	_ = 	snop  }
0x6: {  	_ = 	snop  }
0x7: {  	_ = 	snop  }
__scs_overlays_trampoline_lowered:
0x8: {  	[smem:$0x3FAA] =	sst s0  }
0x9: {  	[smem:$0x3FAB] =	sst s1  }
0xa: {  	[smem:$0x3FAC] =	sst s2  }
0xb: {  	[smem:$0x3FAD] =	sst s3  }
0xc: {  	[smem:$0x3FAE] =	sst s4  }
0xd: {  	[smem:$0x3FAF] =	sst s5  }
0xe: {  	[smem:$0x3FB0] =	sst s6  }
0xf: {  	[smem:$0x3FB1] =	sst s7  }
0x10: {  	[smem:$0x3FB2] =	sst s8  }
0x11: {  	[smem:$0x3FB3] =	sst s9;
	s0 =	simm.s32 @!p0 $0x0  }
0x12: {  	s1 =	sld [smem:$0x3F99];
	s0 =	simm.s32 @p0 $0x1  }
0x13: {  	[smem:$0x3FB4] =	sst s0;
	s0 =	simm.s32 @!p1 $0x0  }
0x14: {  	s2 =	sld [smem:$0x3F98];
	s0 =	simm.s32 @p1 $0x1  }
0x15: {  	[smem:$0x3FB5] =	sst s0;
	s0 =	simm.s32 @!p2 $0x0  }
0x16: {  	s3 =	sld [smem:$0x3FDB];
	s0 =	simm.s32 @p2 $0x1  }
0x17: {  	s4 =	simm.s32 $0x1BF5;
	[smem:$0x3FB7] =	sst s0  }
0x18: {  	s0 =	sld [smem:$0x3F9A];
	_ =	swait.ge [sflag:s4], $0x0  }
0x19: {  	s7 =	sld [smem:$0x3F9B]  }
0x1a: {  	s8 =	sadd.s32 $0xFFFFE003, lr  }
0x1b: {  	s9 =	sadd.s32 $0xFFFFFEF7, lr;
	s5 =	simm.s32 $0xFFFFFFFF;
	p2 =	slt.u32 s8, $0xFFFFF086  }
0x1c: {  	p1 =	slt.u32 s9, $0xF7A;
	s5 =	simm.s32 @!p2 $0x0  }
0x1d: {  	s5 =	simm.s32 @p1 $0x1;
	p0 =	seq.s32 s7, s2  }
0x1e: {  	s7 =	smul.u32 @!p0 $0xF7A, s2;
	p2 =	seq.s32 @!p0 s5, $0x0  }
0x1f: {  	s9 =	smul.u32 $0xF7A, s1;
	s8 =	simm.s32 @!p0 $0x1BF5;
	p2 =	por !p2, p0  }
0x20: {  	[sflag:s8] =	ssyncset.s32 @!p0 $0xFFFFF086;
	s6 =	sadd.s32 @!p0 s3, s7;
	s7 =	simm.s32 @!p0 $0x108  }
0x21: {  	s3 =	sadd.s32 s3, s9;
	s6 =	sadd.s32 @!p0 $0x88, s6;
	s7 =	simm.s32 @p2 $0x1082  }
0x22: {  	[simem:s7], [sflag:s8] =	dma.local @!p0 [hbm:s6], $0xF7A  }
0x23: {  	s9 =	sor.u32 $0xD0000000, s2;
	s6 =	simm.s32 $0x108;
	_ =	swait.ge @!p0 [sflag:s8], $0x0  }
0x24: {  	s3 =	sadd.s32 $0x88, s3;
	s6 =	simm.s32 @!p1 $0x1082;
	[sflag:s4] =	ssyncset.s32 $0xFFFFF086  }
0x25: {  	[simem:s6], [sflag:s4] =	dma.local [hbm:s3], $0xF7A  }
0x26: {  	[smem:$0x3F9B] =	sst s1;
	(tag) =	ssettag s2;
	_ =	strace s9  }
0x27: {  	s1 =	sld [smem:$0x3FAB]  }
0x28: {  	s2 =	sld [smem:$0x3FAC]  }
0x29: {  	s4 =	sld [smem:$0x3FAE]  }
0x2a: {  	p0 =	seq.s32 s5, $0x0;
	s5 =	sld [smem:$0x3FAF]  }
0x2b: {  	s6 =	sld [smem:$0x3FB0]  }
0x2c: {  	s7 =	sld [smem:$0x3FB1]  }
0x2d: {  	s3 =	simm.s32 $0x108;
	s8 =	sld [smem:$0x3FB2]  }
0x2e: {  	s3 =	simm.s32 @!p0 $0x1082;
	s9 =	sld [smem:$0x3FB3]  }
0x2f: {  	lr =	sadd.s32 s0, s3;
	s0 =	sld [smem:$0x3FAA]  }
0x30: {  	s3 =	sld [smem:$0x3FAD]  }
0x31: {  	[smem:$0x3FB6] =	sst s10  }
0x32: {  	s10 =	sld [smem:$0x3FB4];
	_ =	sdelay $0x3  }
0x33: {  	p0 =	seq.s32 s10, $0x1;
	s10 =	sld [smem:$0x3FB6];
	_ =	sdelay $0x3  }
0x34: {  	[smem:$0x3FB6] =	sst s10  }
0x35: {  	s10 =	sld [smem:$0x3FB5];
	_ =	sdelay $0x3  }
0x36: {  	p1 =	seq.s32 s10, $0x1;
	s10 =	sld [smem:$0x3FB6];
	_ =	sdelay $0x3  }
0x37: {  	[smem:$0x3FB6] =	sst s10  }
0x38: {  	s10 =	sld [smem:$0x3FB7]  }
0x39: {  	_ = 	snop;
	(pc) =	sbr.ind lr, $3  }
0x3a: {  	_ = 	snop  }
0x3b: {  	_ = 	snop  }
0x3c: {  	p2 =	seq.s32 s10, $0x1;
	s10 =	sld [smem:$0x3FB6]  }
0x3d: {  	_ =	shalt  }
0x3e: {  	_ =	shalt  }
0x3f: {  	_ =	shalt  }
0x40: {  	_ =	shalt  }
0x41: {  	_ =	shalt  }
0x42: {  	_ =	shalt  }
0x43: {  	_ =	shalt  }
0x44: {  	_ =	shalt  }
0x45: {  	_ =	shalt  }
0x46: {  	_ =	shalt  }
0x47: {  	_ =	shalt  }
0x48: {  	_ =	shalt  }
0x49: {  	_ =	shalt  }
0x4a: {  	_ =	shalt  }
0x4b: {  	_ =	shalt  }
0x4c: {  	_ =	shalt  }
0x4d: {  	_ =	shalt  }
0x4e: {  	_ =	shalt  }
0x4f: {  	_ =	shalt  }
0x50: {  	_ =	shalt  }
0x51: {  	_ =	shalt  }
0x52: {  	_ =	shalt  }
0x53: {  	_ =	shalt  }
0x54: {  	_ =	shalt  }
0x55: {  	_ =	shalt  }
0x56: {  	_ =	shalt  }
0x57: {  	_ =	shalt  }
0x58: {  	_ =	shalt  }
0x59: {  	_ =	shalt  }
0x5a: {  	_ =	shalt  }
0x5b: {  	_ =	shalt  }
0x5c: {  	_ =	shalt  }
0x5d: {  	_ =	shalt  }
0x5e: {  	_ =	shalt  }
0x5f: {  	_ =	shalt  }
0x60: {  	_ =	shalt  }
0x61: {  	_ =	shalt  }
0x62: {  	_ =	shalt  }
0x63: {  	_ =	shalt  }
0x64: {  	_ =	shalt  }
0x65: {  	_ =	shalt  }
0x66: {  	_ =	shalt  }
0x67: {  	_ =	shalt  }
0x68: {  	_ =	shalt  }
0x69: {  	_ =	shalt  }
0x6a: {  	_ =	shalt  }
0x6b: {  	_ =	shalt  }
0x6c: {  	_ =	shalt  }
0x6d: {  	_ =	shalt  }
0x6e: {  	_ =	shalt  }
0x6f: {  	_ =	shalt  }
0x70: {  	_ =	shalt  }
0x71: {  	_ =	shalt  }
0x72: {  	_ =	shalt  }
0x73: {  	_ =	shalt  }
0x74: {  	_ =	shalt  }
0x75: {  	_ =	shalt  }
0x76: {  	_ =	shalt  }
0x77: {  	_ =	shalt  }
0x78: {  	_ =	shalt  }
0x79: {  	_ =	shalt  }
0x7a: {  	_ =	shalt  }
0x7b: {  	_ =	shalt  }
0x7c: {  	_ =	shalt  }
0x7d: {  	_ =	shalt  }
0x7e: {  	_ =	shalt  }
0x7f: {  	_ =	shalt  }
0x80: {  	_ =	shalt  }
0x81: {  	_ =	shalt  }
0x82: {  	_ =	shalt  }
0x83: {  	_ =	shalt  }
0x84: {  	_ =	shalt  }
0x85: {  	_ =	shalt  }
0x86: {  	_ =	shalt  }
0x87: {  	_ =	shalt  }
.Lfunc_end0:
.L_simem_size_0:
called_computation.2_lowered:
.L_overlay_start_0:
0x88: {  	s2 =	sld [smem:$0x3FD9]  }
0x89: {  	s3 =	sld [smem:$0x3FFE];
	_ =	sdelay $0x1  }
0x8a: {  	s1 =	srdreg.scid  }
0x8b: {  	s0 =	sand.u32 $0x1, s1  }
0x8c: {  	s16 =	sshll.u32 s0, $0xA;
	s2 =	sadd.s32 s3, s2  }
0x8d: {  	s2 =	sadd.s32 s2, s16  }
0x8e: {  	[smem:$0x3FC2] =	sst s2  }
0x8f: {  	_ = 	snop  }
0x90: {  	(tm) =	ssettm $0x1  }
0x91: {  	s17 =	sld [smem:$0x3FFB];
	_ =	sdelay $0x3  }
0x92: {  	_ =	strace s17  }
0x93: {  	s2 =	sld [smem:$0x3FFC];
	_ =	sdelay $0x3  }
0x94: {  	_ =	strace s2  }
0x95: {  	s2 =	sld [smem:$0x3FFD];
	_ =	sdelay $0x3  }
0x96: {  	_ =	strace s2  }
0x97: {  	_ =	strace $0x8FFFFFFF  }
0x98: {  	s18 =	sld [smem:$0x3FDB];
	_ =	sdelay $0x1  }
0x99: {  	s19 =	simm.s32 $_scs_section_size  }
0x9a: {  	s4 =	simm.s32 $_size__tile_overlayer_lowered;
	s5 =	simm.s32 $_tile_overlayer_lowered  }
0x9b: {  	s22 =	simm.s32 $0x1BFF;
	s21 =	sshll.u32 s5, $0x1;
	s2 =	sadd.s32 s19, s18  }
0x9c: {  	s6 =	simm.s32 $0x0;
	s20 =	sshll.u32 s4, $0x1;
	s4 =	sadd.s32 s21, s2  }
0x9d: {  	[timem:s6], [sflag:s22] =	dma.local [hbm:s4], s20  }
0x9e: {  	_ =	swait.ge [sflag:s22], s20  }
0x9f: {  	s3 =	ssub.s32 $0x0, s20;
	[sflag:s22] =	ssyncset.done $0x0  }
0xa0: {  	[sflag:s22] =	ssyncadd.s32 s3;
	_ =	sdelay $0x1  }
0xa1: {  	s23 =	simm.s32 $0x1B8B  }
0xa2: {  	_ =	swait.ge [sflag:s23], $0x1  }
0xa3: {  	[sflag:s23] =	ssyncset.done $0x0  }
0xa4: {  	s25 =	simm.s32 $0x1B8E;
	s24 =	sld [smem:$0x3FFE];
	[sflag:s23] =	ssyncadd.s32 $0xFFFFFFFF  }
0xa5: {  	s26 =	simm.s32 $execute0_lowered;
	[smem:$0x3FD2] =	sst s25  }
0xa6: {  	s4 =	sshll.u32 s26, $0x1;
	_ =	strace $0x8000004C;
	[dreg:$0x1] =	wrdreg $0xFFFFFFFF  }
0xa7: {  	s28 =	simm.s32 $_size_execute0_lowered;
	s2 =	sadd.s32 s2, s4;
	[dreg:$0x0] =	wrdreg $0x0  }
0xa8: {  	s4 =	sshll.u32 s28, $0x1;
	[dreg:$0x2] =	wrdreg s2  }
0xa9: {  	[dreg:$0x3] =	wrdreg s4  }
0xaa: {  	[dreg:$0x4] =	wrdreg $0xC0  }
0xab: {  	_ =	task [dreg:s6], $0x5FFFF  }
0xac: {  	[dreg:$0x1] =	wrdreg $0xFFFFFFFF  }
0xad: {  	[dreg:$0x0] =	wrdreg $0x60  }
0xae: {  	[dreg:$0x2] =	wrdreg s24  }
0xaf: {  	[dreg:$0x3] =	wrdreg $0xA8000  }
0xb0: {  	[dreg:$0x4] =	wrdreg $0x9  }
0xb1: {  	_ =	task.clear_ibuf [dreg:s6], $0x5FFFF;
	_ =	strace $0x9000004C  }
0xb2: {  	s29 =	simm.s32 $0x9;
	_ =	strace $0x8000004E  }
0xb3: {  	_ =	swait.ge [sflag:s29], $0x1  }
0xb4: {  	[sflag:s29] =	ssyncadd.s32 $0xFFFFFFFF  }
0xb5: {  	_ =	strace $0x9000004E  }
0xb6: {  	_ =	sfence  }
0xb7: {  	s30 =	sld [smem:$0x0];
	_ =	sdelay $0x2  }
0xb8: {  	s31 =	sshll.u32 s1, $0xD;
	s1 =	sshrl.u32 s1, $0x2  }
0xb9: {  	s3 =	sand.u32 $0x4000, s31;
	s1 =	sadd.s32 s1, s30  }
0xba: {  	s0 =	sor.u32 s3, s0;
	s1 =	sshll.u32 s1, $0x11  }
0xbb: {  	s0 =	sor.u32 s1, s0  }
0xbc: {  	s0 =	sadd.s32 $0x8F2B, s0  }
0xbd: {  	[sflag:s0] =	ssyncadd.remote.s32 $0x1  }
0xbe: {  	_ =	sfence.sel $0xFFFF  }
0xbf: {  	[dreg:$0x0] =	wrdreg $0xFFFFFFFF;
	(pc) =	sbr.abs _section_cstart, $3  }
0xc0: {  	[dreg:$0x1] =	wrdreg $0xFFFFFFFF  }
0xc1: {  	_ =	task.clear_ibuf [dreg:s6], $0x2FFFF;
	_ =	strace $0x9FFFFFFF  }
0xc2: {  	(tm) =	ssettm $0x7FFFFFFF  }
0xc3: {  	_ =	shalt  }
tec
execute0_lowered:
.L_overlay_start_1:
0x0: {  	(tag) =	ssettag $0x1  }
0x1: {  	s0 =	srdreg.scid;
	s4 =	rddreg [dreg:$0x0]  }
0x2: {  	s1 =	rddreg [dreg:$0x1];
	s19 =	stileid.u32;
	s2 =	simm.s32 $0x0  }
0x3: {  	s21 =	simm.s32 $0x1400;
	s22 =	simm.s32 $0x80;
	s23 =	simm.s32 $0x6800  }
0x4: {  	s24 =	simm.s32 $0x1;
	s25 =	simm.s32 $0x2;
	s26 =	simm.s32 $0x0  }
0x5: {  	s7 =	sand.u32 $0x1, s0;
	s0 =	rddreg [dreg:$0x2];
	s8 =	smul.u32 $0x4E000, s19  }
0x6: {  	[smem:$0x7FF] =	sst s2;
	s12 =	smul.u32 $0x13800, s19;
	s16 =	sadd.s32 $0x3C200, s4  }
0x7: {  	p0 =	sne.s32 s19, $0x0;
	s3 =	sshll.u32 s7, $0x4;
	_ =	strace $0x8000004D  }
0x8: {  	s6 =	ssub.s32 $0x2, s7;
	s20 =	smul.u32 $0x138800, s7;
	s3 =	sor.u32 s19, s3  }
0x9: {  	s9 =	sshrl.u32 s6, $0x1;
	s31 =	sshrl.u32 s8, $0x2;
	s13 =	sadd.s32 $0x4000, s12  }
0xa: {  	s14 =	sadd.s32 $0x8000, s12;
	s15 =	sadd.s32 $0xC000, s12;
	s17 =	sadd.s32 $0x10000, s12  }
0xb: {  	s19 =	simm.s32 $0x2800;
	s5 =	smul.u32 $0x280, s3;
	s3 =	sadd.s32 $0x15000, s4  }
0xc: {  	s18 =	ssub.s32 s6, s9;
	s6 =	sadd.s32 s14, s1;
	s7 =	sadd.s32 s15, s1  }
0xd: {  	s8 =	sadd.s32 s17, s1;
	s9 =	sadd.s32 $0x138000, s1;
	s12 =	sadd.s32 s12, s20  }
0xe: {  	s14 =	sadd.s32 s20, s14;
	s15 =	sadd.s32 s20, s15;
	s17 =	sadd.s32 s20, s17  }
0xf: {  	s12 =	sshrl.u32 s12, $0x3;
	s14 =	sshrl.u32 s14, $0x3;
	s15 =	sshrl.u32 s15, $0x3  }
0x10: {  	s17 =	sshrl.u32 s17, $0x3;
	s18 =	smax.u32 s18, $0x1;
	s11 =	sadd.s32 s5, s4  }
0x11: {  	s4 =	sadd.s32 s31, s1;
	s5 =	sadd.s32 s13, s1;
	s13 =	sadd.s32 s20, s13  }
0x12: {  	s12 =	sadd.s32 s16, s12;
	s14 =	sadd.s32 s16, s14;
	s20 =	sshrl.u32 s20, $0x3  }
0x13: {  	s15 =	sadd.s32 s16, s15;
	s10 =	sadd.s32 $0x10000, s11;
	s13 =	sshrl.u32 s13, $0x3  }
0x14: {  	s11 =	sadd.s32 $0xB000, s11;
	s20 =	sadd.s32 s16, s20;
	s13 =	sadd.s32 s16, s13  }
0x15: {  	v0 =	vimm.f32 $0.0e+00;
	s16 =	sadd.s32 s16, s17;
	s17 =	sadd.s32 $0x27000, s20;
	s20 =	simm.s32 $0x3  }
.LBB2_1:
0x16: {  	s28 =	sand.u32 $0xFE00, s2  }
0x17: {  	s29 =	sand.u32 $0x70, s2;
	s30 =	sshrl.u32 s28, $0x2  }
0x18: {  	s28 =	simm.s32 $0x40;
	s30 =	sor.u32 s29, s30;
	s29 =	simm.s32 $0x0  }
.LBB2_2:
0x19: {  	p1 =	sne.s32 s28, $0xFFC0  }
0x1a: {  	[tilespmem:s30+$0x2800] =	vst v0;
	s29 =	sadd.s32 $0x10, s29;
	s30 =	smov.u32 s28;
	s28 =	sadd.s32 $0x40, s28  }
.Ltmp0:
0x1b: {  	(pc) =	sbr.rel @p1 .LBB2_2-.Ltmp0, $4  }
0x1c: {  	_ = 	snop  }
0x1d: {  	s30 =	sand.u32 $0xFE00, s30  }
0x1e: {  	s31 =	sand.u32 $0x70, s29;
	s30 =	sshrl.u32 s30, $0x2  }
0x1f: {  	s30 =	sor.u32 s31, s30  }
0x20: {  	[tilespmem:s30+$0x2800] =	vst v0  }
0x21: {  	[spmem:s4] =	stream.linear.scatter [tilespmem:s19], [sflag:$0x3], $0x4000, $0x38;
	[tilespmem:$0x1E480] =	vst v63  }
0x22: {  	_ =	swait.ge [sflag:s20], $0x4000  }
0x23: {  	[sflag:s20] =	ssyncset.done $0x0  }
0x24: {  	[sflag:s20] =	ssyncadd.s32 $0xFFFFC000  }
0x25: {  	[spmem:s5] =	stream.linear.scatter [tilespmem:s19], [sflag:$0x3], $0x4000, $0x38;
	[tilespmem:$0x1E480] =	vst v63  }
0x26: {  	_ =	swait.ge [sflag:s20], $0x4000  }
0x27: {  	[sflag:s20] =	ssyncset.done $0x0  }
0x28: {  	[sflag:s20] =	ssyncadd.s32 $0xFFFFC000  }
0x29: {  	[spmem:s6] =	stream.linear.scatter [tilespmem:s19], [sflag:$0x3], $0x4000, $0x38;
	[tilespmem:$0x1E480] =	vst v63  }
0x2a: {  	_ =	swait.ge [sflag:s20], $0x4000  }
0x2b: {  	[sflag:s20] =	ssyncset.done $0x0  }
0x2c: {  	[sflag:s20] =	ssyncadd.s32 $0xFFFFC000  }
0x2d: {  	[spmem:s7] =	stream.linear.scatter [tilespmem:s19], [sflag:$0x3], $0x4000, $0x38;
	[tilespmem:$0x1E480] =	vst v63  }
0x2e: {  	_ =	swait.ge [sflag:s20], $0x4000  }
0x2f: {  	[sflag:s20] =	ssyncset.done $0x0  }
0x30: {  	[sflag:s20] =	ssyncadd.s32 $0xFFFFC000  }
0x31: {  	[spmem:s8] =	stream.linear.scatter [tilespmem:s19], [sflag:$0x3], $0x3800, $0x38;
	[tilespmem:$0x1E480] =	vst v63  }
0x32: {  	_ =	swait.ge [sflag:s20], $0x3800  }
0x33: {  	[sflag:s20] =	ssyncset.done $0x0  }
0x34: {  	s28 =	simm.s32 @!p0 $0x2800;
	[sflag:s20] =	ssyncadd.s32 $0xFFFFC800  }
0x35: {  	[spmem:s9] =	stream.linear.scatter @!p0 [tilespmem:s28], [sflag:$0x3], $0x800, $0x38;
	[tilespmem:$0x1E480] =	vst v63  }
0x36: {  	s28 =	simm.s32 @!p0 $0x3  }
0x37: {  	_ =	swait.ge @!p0 [sflag:s28], $0x800  }
0x38: {  	[sflag:s28] =	ssyncset.done @!p0 $0x0  }
0x39: {  	[sflag:s28] =	ssyncadd.s32 @!p0 $0xFFFFF800;
	s28 =	simm.s32 $0x0  }
0x3a: {  	[tilespmem:s28], [sflag:$0x3] =	stream.linear.gather [hbm4b:s10+s28], $0x1400, $0x38;
	[tilespmem:$0x1E480] =	vst v63  }
0x3b: {  	_ =	swait.ge [sflag:s20], $0x1400  }
0x3c: {  	[sflag:s20] =	ssyncset.done $0x0  }
0x3d: {  	[sflag:s20] =	ssyncadd.s32 $0xFFFFEC00  }
0x3e: {  	[tilespmem:s21], [sflag:$0x3] =	stream.linear.gather [hbm4b:s11+s28], $0x1400, $0x38;
	[tilespmem:$0x1E480] =	vst v63  }
0x3f: {  	_ =	swait.ge [sflag:s20], $0x1400  }
0x40: {  	[sflag:s20] =	ssyncset.done $0x0  }
0x41: {  	[sflag:s20] =	ssyncadd.s32 $0xFFFFEC00  }
0x42: {  	s28 =	simm.s32 $0x0;
	[bflag:$0x0] =	sbarrier.arrive $0xFFFF  }
0x43: {  	[tilespmem:s19], [sflag:$0x1] =	stream.indirect.gather [hbm4b:s3+s22], $0x80, s28, s22, $0xb8;
	[tilespmem:$0x1E480] =	vst v63  }
0x44: {  	s28 =	simm.s32 $0x80  }
0x45: {  	[tilespmem:s23], [sflag:$0x2] =	stream.indirect.gather [hbm4b:s3+s22], $0x80, s28, s22, $0xb8;
	[tilespmem:$0x1E480] =	vst v63  }
0x46: {  	_ =	swait.ge [sflag:s24], $0x4000  }
0x47: {  	[sflag:s24] =	ssyncset.done $0x0  }
0x48: {  	[sflag:s24] =	ssyncadd.s32 $0xFFFFC000  }
0x49: {  	_ =	swait.ge [sflag:s25], $0x4000  }
0x4a: {  	[sflag:s25] =	ssyncset.done $0x0  }
0x4b: {  	s28 =	simm.s32 $0x1400;
	[sflag:s25] =	ssyncadd.s32 $0xFFFFC000  }
0x4c: {  	[spmem:s1] =	stream.indirect.scatter.add.f32 [tilespmem:s19], [sflag:$0x3], $0x80, s28, s22, $0xb8;
	[tilespmem:$0x1E480] =	vst v63  }
0x4d: {  	_ =	swait.ge [sflag:s20], $0x4000  }
0x4e: {  	[sflag:s20] =	ssyncset.done $0x0  }
0x4f: {  	s28 =	simm.s32 $0x1480;
	[sflag:s20] =	ssyncadd.s32 $0xFFFFC000  }
0x50: {  	[spmem:s1] =	stream.indirect.scatter.add.f32 [tilespmem:s23], [sflag:$0x3], $0x80, s28, s22, $0xb8;
	[tilespmem:$0x1E480] =	vst v63  }
0x51: {  	_ =	swait.ge [sflag:s20], $0x4000  }
0x52: {  	s29 =	simm.s32 $0x800;
	s28 =	simm.s32 $0x400;
	[sflag:s20] =	ssyncset.done $0x0  }
.LBB2_4:
0x53: {  	s30 =	sshra.s32 s28, $0x2  }
0x54: {  	[sflag:s20] =	ssyncadd.s32 $0xFFFFC000;
	s28 =	smov.u32 s29;
	s31 =	sadd.s32 $0x400, s29  }
0x55: {  	[tilespmem:s19], [sflag:$0x1] =	stream.indirect.gather [hbm4b:s3+s22], $0x80, s30, s22, $0xb8;
	[tilespmem:$0x1E480] =	vst v63  }
0x56: {  	p1 =	sne.s32 s29, $0x4C00;
	s29 =	sadd.s32 $0x80, s30  }
0x57: {  	[tilespmem:s23], [sflag:$0x2] =	stream.indirect.gather [hbm4b:s3+s22], $0x80, s29, s22, $0xb8;
	[tilespmem:$0x1E480] =	vst v63  }
0x58: {  	_ =	swait.ge [sflag:s24], $0x4000  }
0x59: {  	[sflag:s24] =	ssyncset.done $0x0  }
0x5a: {  	[sflag:s24] =	ssyncadd.s32 $0xFFFFC000  }
0x5b: {  	_ =	swait.ge [sflag:s25], $0x4000  }
0x5c: {  	[sflag:s25] =	ssyncset.done $0x0  }
0x5d: {  	s29 =	sadd.s32 $0x1400, s30;
	[sflag:s25] =	ssyncadd.s32 $0xFFFFC000  }
0x5e: {  	[spmem:s1] =	stream.indirect.scatter.add.f32 [tilespmem:s19], [sflag:$0x3], $0x80, s29, s22, $0xb8;
	[tilespmem:$0x1E480] =	vst v63  }
0x5f: {  	_ =	swait.ge [sflag:s20], $0x4000  }
.Ltmp1:
0x60: {  	[sflag:s20] =	ssyncset.done $0x0;
	(pc) =	sbr.rel @p1 .LBB2_4-.Ltmp1, $4  }
0x61: {  	s29 =	sadd.s32 $0x1480, s30;
	[sflag:s20] =	ssyncadd.s32 $0xFFFFC000  }
0x62: {  	[spmem:s1] =	stream.indirect.scatter.add.f32 [tilespmem:s23], [sflag:$0x3], $0x80, s29, s22, $0xb8;
	[tilespmem:$0x1E480] =	vst v63  }
0x63: {  	_ =	swait.ge [sflag:s20], $0x4000  }
0x64: {  	s29 =	smov.u32 s31;
	[sflag:s20] =	ssyncset.done $0x0  }
0x65: {  	s28 =	sshra.s32 s28, $0x2;
	[sflag:s20] =	ssyncadd.s32 $0xFFFFC000  }
0x66: {  	[tilespmem:s19], [sflag:$0x1] =	stream.indirect.gather [hbm4b:s3+s22], $0x80, s28, s22, $0xb8;
	[tilespmem:$0x1E480] =	vst v63  }
0x67: {  	s29 =	sadd.s32 $0x80, s28  }
0x68: {  	[tilespmem:s23], [sflag:$0x2] =	stream.indirect.gather [hbm4b:s3+s22], $0x80, s29, s22, $0xb8;
	[tilespmem:$0x1E480] =	vst v63  }
0x69: {  	_ =	swait.ge [sflag:s24], $0x4000  }
0x6a: {  	[sflag:s24] =	ssyncset.done $0x0  }
0x6b: {  	[sflag:s24] =	ssyncadd.s32 $0xFFFFC000  }
0x6c: {  	_ =	swait.ge [sflag:s25], $0x4000  }
0x6d: {  	[sflag:s25] =	ssyncset.done $0x0  }
0x6e: {  	s31 =	sadd.s32 $0x1400, s28;
	[sflag:s25] =	ssyncadd.s32 $0xFFFFC000  }
0x6f: {  	[spmem:s1] =	stream.indirect.scatter.add.f32 [tilespmem:s19], [sflag:$0x3], $0x80, s31, s22, $0xb8;
	[tilespmem:$0x1E480] =	vst v63  }
0x70: {  	_ =	swait.ge [sflag:s20], $0x4000  }
0x71: {  	[sflag:s20] =	ssyncset.done $0x0  }
0x72: {  	s28 =	sadd.s32 $0x1480, s28;
	[sflag:s20] =	ssyncadd.s32 $0xFFFFC000  }
0x73: {  	[spmem:s1] =	stream.indirect.scatter.add.f32 [tilespmem:s23], [sflag:$0x3], $0x80, s28, s22, $0xb8;
	[tilespmem:$0x1E480] =	vst v63  }
0x74: {  	_ =	swait.ge [sflag:s20], $0x4000  }
0x75: {  	[sflag:s20] =	ssyncset.done $0x0  }
0x76: {  	[sflag:s20] =	ssyncadd.s32 $0xFFFFC000  }
0x77: {  	[bflag:$0x0] =	sbarrier.arrive $0xFFFF  }
0x78: {  	[tilespmem:s19], [sflag:$0x3] =	stream.linear.gather [spmem:s4], $0x4000, $0x38;
	[tilespmem:$0x1E480] =	vst v63  }
0x79: {  	_ =	swait.ge [sflag:s20], $0x4000  }
0x7a: {  	[sflag:s20] =	ssyncset.done $0x0  }
0x7b: {  	[sflag:s20] =	ssyncadd.s32 $0xFFFFC000  }
0x7c: {  	[hbm4b:s12+s2] =	stream.linear.scatter [tilespmem:s19], [sflag:$0x3], $0x4000, $0x38;
	[tilespmem:$0x1E480] =	vst v63  }
0x7d: {  	_ =	swait.ge [sflag:s20], $0x4000  }
0x7e: {  	[sflag:s20] =	ssyncset.done $0x0  }
0x7f: {  	[sflag:s20] =	ssyncadd.s32 $0xFFFFC000  }
0x80: {  	[tilespmem:s19], [sflag:$0x3] =	stream.linear.gather [spmem:s5], $0x4000, $0x38;
	[tilespmem:$0x1E480] =	vst v63  }
0x81: {  	_ =	swait.ge [sflag:s20], $0x4000  }
0x82: {  	[sflag:s20] =	ssyncset.done $0x0  }
0x83: {  	[sflag:s20] =	ssyncadd.s32 $0xFFFFC000  }
0x84: {  	[hbm4b:s13+s2] =	stream.linear.scatter [tilespmem:s19], [sflag:$0x3], $0x4000, $0x38;
	[tilespmem:$0x1E480] =	vst v63  }
0x85: {  	_ =	swait.ge [sflag:s20], $0x4000  }
0x86: {  	[sflag:s20] =	ssyncset.done $0x0  }
0x87: {  	[sflag:s20] =	ssyncadd.s32 $0xFFFFC000  }
0x88: {  	[tilespmem:s19], [sflag:$0x3] =	stream.linear.gather [spmem:s6], $0x4000, $0x38;
	[tilespmem:$0x1E480] =	vst v63  }
0x89: {  	_ =	swait.ge [sflag:s20], $0x4000  }
0x8a: {  	[sflag:s20] =	ssyncset.done $0x0  }
0x8b: {  	[sflag:s20] =	ssyncadd.s32 $0xFFFFC000  }
0x8c: {  	[hbm4b:s14+s2] =	stream.linear.scatter [tilespmem:s19], [sflag:$0x3], $0x4000, $0x38;
	[tilespmem:$0x1E480] =	vst v63  }
0x8d: {  	_ =	swait.ge [sflag:s20], $0x4000  }
0x8e: {  	[sflag:s20] =	ssyncset.done $0x0  }
0x8f: {  	[sflag:s20] =	ssyncadd.s32 $0xFFFFC000  }
0x90: {  	[tilespmem:s19], [sflag:$0x3] =	stream.linear.gather [spmem:s7], $0x4000, $0x38;
	[tilespmem:$0x1E480] =	vst v63  }
0x91: {  	_ =	swait.ge [sflag:s20], $0x4000  }
0x92: {  	[sflag:s20] =	ssyncset.done $0x0  }
0x93: {  	[sflag:s20] =	ssyncadd.s32 $0xFFFFC000  }
0x94: {  	[hbm4b:s15+s2] =	stream.linear.scatter [tilespmem:s19], [sflag:$0x3], $0x4000, $0x38;
	[tilespmem:$0x1E480] =	vst v63  }
0x95: {  	_ =	swait.ge [sflag:s20], $0x4000  }
0x96: {  	[sflag:s20] =	ssyncset.done $0x0  }
0x97: {  	[sflag:s20] =	ssyncadd.s32 $0xFFFFC000  }
0x98: {  	[tilespmem:s19], [sflag:$0x3] =	stream.linear.gather [spmem:s8], $0x3800, $0x38;
	[tilespmem:$0x1E480] =	vst v63  }
0x99: {  	_ =	swait.ge [sflag:s20], $0x3800  }
0x9a: {  	[sflag:s20] =	ssyncset.done $0x0  }
0x9b: {  	[sflag:s20] =	ssyncadd.s32 $0xFFFFC800  }
0x9c: {  	[hbm4b:s16+s2] =	stream.linear.scatter [tilespmem:s19], [sflag:$0x3], $0x3800, $0x38;
	[tilespmem:$0x1E480] =	vst v63  }
0x9d: {  	_ =	swait.ge [sflag:s20], $0x3800  }
0x9e: {  	[sflag:s20] =	ssyncset.done $0x0  }
0x9f: {  	s29 =	simm.s32 @!p0 $0x3;
	s28 =	simm.s32 @!p0 $0x2800;
	[sflag:s20] =	ssyncadd.s32 $0xFFFFC800  }
0xa0: {  	[tilespmem:s28], [sflag:$0x3] =	stream.linear.gather @!p0 [spmem:s9], $0x800, $0x38;
	[tilespmem:$0x1E480] =	vst v63  }
0xa1: {  	s26 =	sadd.s32 $0x1, s26;
	_ =	swait.ge @!p0 [sflag:s29], $0x800  }
0xa2: {  	p1 =	sne.s32 s26, s18;
	[sflag:s29] =	ssyncset.done @!p0 $0x0  }
.Ltmp2:
0xa3: {  	s30 =	simm.s32 @!p0 $0x0;
	[sflag:s29] =	ssyncadd.s32 @!p0 $0xFFFFF800;
	(pc) =	sbr.rel @p1 .LBB2_1-.Ltmp2, $4  }
0xa4: {  	[hbm4b:s17+s30] =	stream.linear.scatter @!p0 [tilespmem:s28], [sflag:$0x3], $0x800, $0x38;
	[tilespmem:$0x1E480] =	vst v63  }
0xa5: {  	_ =	swait.ge @!p0 [sflag:s29], $0x800  }
0xa6: {  	[sflag:s29] =	ssyncset.done @!p0 $0x0  }
0xa7: {  	[sflag:s29] =	ssyncadd.s32 @!p0 $0xFFFFF800  }
0xa8: {  	_ =	sfence.sel $0x180000  }
0xa9: {  	[bflag:$0x0] =	sbarrier.arrive $0xFFFF  }
0xaa: {  	_ =	strace $0x9000004D  }
0xab: {  	s0 =	sadd.s32 @!p0 $0x100000, s0;
	[bflag:$0x2] =	sbarrier.arrive $0xFFFF  }
0xac: {  	[sflag:s0] =	ssyncadd.tile.s32 @!p0 $0x1;
	_ =	shalt  }
.Lfunc_end2:
_tile_overlayer_lowered:
.L_overlay_start_2:
0xad: {  	(tag) =	ssettag $0x2  }
0xae: {  	s0 =	rddreg [dreg:$0x0];
	s2 =	stileid.u32  }
0xaf: {  	s1 =	rddreg [dreg:$0x1];
	p0 =	sne.s32 s2, $0x0  }
0xb0: {  	s3 =	rddreg [dreg:$0x2];
	[bflag:$0x3] =	sbarrier.arrive $0xFFFF;
	s2 =	simm.s32 @!p0 $0x1C03  }
0xb1: {  	[timem:s3], [sflag:s2] =	dma.local @!p0 [hbm:s0], s1  }
0xb2: {  	s0 =	simm.s32 @!p0 $0x3  }
0xb3: {  	_ =	swait.ge @!p0 [sflag:s0], s1  }
0xb4: {  	s1 =	ssub.s32 @!p0 $0x0, s1;
	[sflag:s0] =	ssyncset.done @!p0 $0x0  }
0xb5: {  	[sflag:s0] =	ssyncadd.s32 @!p0 s1  }
0xb6: {  	[bflag:$0x3] =	sbarrier.arrive $0xFFFF  }
0xb7: {  	_ =	shalt  }

// kernel: kernel.8.cloned.1.call-start
scs
__scs_entry_jumppad:
0x0: {  	(pc) =	sbr.rel $0x88, $3  }
0x1: {  	(tag) =	ssettag $0x0;
	lr =	simm.s32 $0x1  }
0x2: {  	[smem:$0x3F9B] =	sst lr;
	_ =	strace $0xD0000000  }
0x3: {  	_ = 	snop  }
0x4: {  	_ = 	snop  }
0x5: {  	_ = 	snop  }
0x6: {  	_ = 	snop  }
0x7: {  	_ = 	snop  }
__scs_overlays_trampoline_lowered:
0x8: {  	[smem:$0x3FAA] =	sst s0  }
0x9: {  	[smem:$0x3FAB] =	sst s1  }
0xa: {  	[smem:$0x3FAC] =	sst s2  }
0xb: {  	[smem:$0x3FAD] =	sst s3  }
0xc: {  	[smem:$0x3FAE] =	sst s4  }
0xd: {  	[smem:$0x3FAF] =	sst s5  }
0xe: {  	[smem:$0x3FB0] =	sst s6  }
0xf: {  	[smem:$0x3FB1] =	sst s7  }
0x10: {  	[smem:$0x3FB2] =	sst s8  }
0x11: {  	[smem:$0x3FB3] =	sst s9;
	s0 =	simm.s32 @!p0 $0x0  }
0x12: {  	s1 =	sld [smem:$0x3F99];
	s0 =	simm.s32 @p0 $0x1  }
0x13: {  	[smem:$0x3FB4] =	sst s0;
	s0 =	simm.s32 @!p1 $0x0  }
0x14: {  	s2 =	sld [smem:$0x3F98];
	s0 =	simm.s32 @p1 $0x1  }
0x15: {  	[smem:$0x3FB5] =	sst s0;
	s0 =	simm.s32 @!p2 $0x0  }
0x16: {  	s3 =	sld [smem:$0x3FDB];
	s0 =	simm.s32 @p2 $0x1  }
0x17: {  	s4 =	simm.s32 $0x1BF5;
	[smem:$0x3FB7] =	sst s0  }
0x18: {  	s0 =	sld [smem:$0x3F9A];
	_ =	swait.ge [sflag:s4], $0x0  }
0x19: {  	s7 =	sld [smem:$0x3F9B]  }
0x1a: {  	s8 =	sadd.s32 $0xFFFFE003, lr  }
0x1b: {  	s9 =	sadd.s32 $0xFFFFFEF7, lr;
	s5 =	simm.s32 $0xFFFFFFFF;
	p2 =	slt.u32 s8, $0xFFFFF086  }
0x1c: {  	p1 =	slt.u32 s9, $0xF7A;
	s5 =	simm.s32 @!p2 $0x0  }
0x1d: {  	s5 =	simm.s32 @p1 $0x1;
	p0 =	seq.s32 s7, s2  }
0x1e: {  	s7 =	smul.u32 @!p0 $0xF7A, s2;
	p2 =	seq.s32 @!p0 s5, $0x0  }
0x1f: {  	s9 =	smul.u32 $0xF7A, s1;
	s8 =	simm.s32 @!p0 $0x1BF5;
	p2 =	por !p2, p0  }
0x20: {  	[sflag:s8] =	ssyncset.s32 @!p0 $0xFFFFF086;
	s6 =	sadd.s32 @!p0 s3, s7;
	s7 =	simm.s32 @!p0 $0x108  }
0x21: {  	s3 =	sadd.s32 s3, s9;
	s6 =	sadd.s32 @!p0 $0x88, s6;
	s7 =	simm.s32 @p2 $0x1082  }
0x22: {  	[simem:s7], [sflag:s8] =	dma.local @!p0 [hbm:s6], $0xF7A  }
0x23: {  	s9 =	sor.u32 $0xD0000000, s2;
	s6 =	simm.s32 $0x108;
	_ =	swait.ge @!p0 [sflag:s8], $0x0  }
0x24: {  	s3 =	sadd.s32 $0x88, s3;
	s6 =	simm.s32 @!p1 $0x1082;
	[sflag:s4] =	ssyncset.s32 $0xFFFFF086  }
0x25: {  	[simem:s6], [sflag:s4] =	dma.local [hbm:s3], $0xF7A  }
0x26: {  	[smem:$0x3F9B] =	sst s1;
	(tag) =	ssettag s2;
	_ =	strace s9  }
0x27: {  	s1 =	sld [smem:$0x3FAB]  }
0x28: {  	s2 =	sld [smem:$0x3FAC]  }
0x29: {  	s4 =	sld [smem:$0x3FAE]  }
0x2a: {  	p0 =	seq.s32 s5, $0x0;
	s5 =	sld [smem:$0x3FAF]  }
0x2b: {  	s6 =	sld [smem:$0x3FB0]  }
0x2c: {  	s7 =	sld [smem:$0x3FB1]  }
0x2d: {  	s3 =	simm.s32 $0x108;
	s8 =	sld [smem:$0x3FB2]  }
0x2e: {  	s3 =	simm.s32 @!p0 $0x1082;
	s9 =	sld [smem:$0x3FB3]  }
0x2f: {  	lr =	sadd.s32 s0, s3;
	s0 =	sld [smem:$0x3FAA]  }
0x30: {  	s3 =	sld [smem:$0x3FAD]  }
0x31: {  	[smem:$0x3FB6] =	sst s10  }
0x32: {  	s10 =	sld [smem:$0x3FB4];
	_ =	sdelay $0x3  }
0x33: {  	p0 =	seq.s32 s10, $0x1;
	s10 =	sld [smem:$0x3FB6];
	_ =	sdelay $0x3  }
0x34: {  	[smem:$0x3FB6] =	sst s10  }
0x35: {  	s10 =	sld [smem:$0x3FB5];
	_ =	sdelay $0x3  }
0x36: {  	p1 =	seq.s32 s10, $0x1;
	s10 =	sld [smem:$0x3FB6];
	_ =	sdelay $0x3  }
0x37: {  	[smem:$0x3FB6] =	sst s10  }
0x38: {  	s10 =	sld [smem:$0x3FB7]  }
0x39: {  	_ = 	snop;
	(pc) =	sbr.ind lr, $3  }
0x3a: {  	_ = 	snop  }
0x3b: {  	_ = 	snop  }
0x3c: {  	p2 =	seq.s32 s10, $0x1;
	s10 =	sld [smem:$0x3FB6]  }
0x3d: {  	_ =	shalt  }
0x3e: {  	_ =	shalt  }
0x3f: {  	_ =	shalt  }
0x40: {  	_ =	shalt  }
0x41: {  	_ =	shalt  }
0x42: {  	_ =	shalt  }
0x43: {  	_ =	shalt  }
0x44: {  	_ =	shalt  }
0x45: {  	_ =	shalt  }
0x46: {  	_ =	shalt  }
0x47: {  	_ =	shalt  }
0x48: {  	_ =	shalt  }
0x49: {  	_ =	shalt  }
0x4a: {  	_ =	shalt  }
0x4b: {  	_ =	shalt  }
0x4c: {  	_ =	shalt  }
0x4d: {  	_ =	shalt  }
0x4e: {  	_ =	shalt  }
0x4f: {  	_ =	shalt  }
0x50: {  	_ =	shalt  }
0x51: {  	_ =	shalt  }
0x52: {  	_ =	shalt  }
0x53: {  	_ =	shalt  }
0x54: {  	_ =	shalt  }
0x55: {  	_ =	shalt  }
0x56: {  	_ =	shalt  }
0x57: {  	_ =	shalt  }
0x58: {  	_ =	shalt  }
0x59: {  	_ =	shalt  }
0x5a: {  	_ =	shalt  }
0x5b: {  	_ =	shalt  }
0x5c: {  	_ =	shalt  }
0x5d: {  	_ =	shalt  }
0x5e: {  	_ =	shalt  }
0x5f: {  	_ =	shalt  }
0x60: {  	_ =	shalt  }
0x61: {  	_ =	shalt  }
0x62: {  	_ =	shalt  }
0x63: {  	_ =	shalt  }
0x64: {  	_ =	shalt  }
0x65: {  	_ =	shalt  }
0x66: {  	_ =	shalt  }
0x67: {  	_ =	shalt  }
0x68: {  	_ =	shalt  }
0x69: {  	_ =	shalt  }
0x6a: {  	_ =	shalt  }
0x6b: {  	_ =	shalt  }
0x6c: {  	_ =	shalt  }
0x6d: {  	_ =	shalt  }
0x6e: {  	_ =	shalt  }
0x6f: {  	_ =	shalt  }
0x70: {  	_ =	shalt  }
0x71: {  	_ =	shalt  }
0x72: {  	_ =	shalt  }
0x73: {  	_ =	shalt  }
0x74: {  	_ =	shalt  }
0x75: {  	_ =	shalt  }
0x76: {  	_ =	shalt  }
0x77: {  	_ =	shalt  }
0x78: {  	_ =	shalt  }
0x79: {  	_ =	shalt  }
0x7a: {  	_ =	shalt  }
0x7b: {  	_ =	shalt  }
0x7c: {  	_ =	shalt  }
0x7d: {  	_ =	shalt  }
0x7e: {  	_ =	shalt  }
0x7f: {  	_ =	shalt  }
0x80: {  	_ =	shalt  }
0x81: {  	_ =	shalt  }
0x82: {  	_ =	shalt  }
0x83: {  	_ =	shalt  }
0x84: {  	_ =	shalt  }
0x85: {  	_ =	shalt  }
0x86: {  	_ =	shalt  }
0x87: {  	_ =	shalt  }
.Lfunc_end0:
.L_simem_size_0:
called_computation_lowered:
.L_overlay_start_0:
0x88: {  	s2 =	sld [smem:$0x3FD9]  }
0x89: {  	s3 =	sld [smem:$0x3FFE];
	_ =	sdelay $0x1  }
0x8a: {  	s1 =	srdreg.scid  }
0x8b: {  	s0 =	sand.u32 $0x1, s1  }
0x8c: {  	s16 =	sshll.u32 s0, $0xA;
	s2 =	sadd.s32 s3, s2  }
0x8d: {  	s2 =	sadd.s32 s2, s16  }
0x8e: {  	[smem:$0x3FC2] =	sst s2  }
0x8f: {  	_ = 	snop  }
0x90: {  	(tm) =	ssettm $0x1  }
0x91: {  	s17 =	sld [smem:$0x3FFB];
	_ =	sdelay $0x3  }
0x92: {  	_ =	strace s17  }
0x93: {  	s2 =	sld [smem:$0x3FFC];
	_ =	sdelay $0x3  }
0x94: {  	_ =	strace s2  }
0x95: {  	s2 =	sld [smem:$0x3FFD];
	_ =	sdelay $0x3  }
0x96: {  	_ =	strace s2  }
0x97: {  	_ =	strace $0x8FFFFFFF  }
0x98: {  	s18 =	sld [smem:$0x3FDB];
	_ =	sdelay $0x1  }
0x99: {  	s19 =	simm.s32 $_scs_section_size  }
0x9a: {  	s4 =	simm.s32 $_size__tile_overlayer_lowered;
	s5 =	simm.s32 $_tile_overlayer_lowered  }
0x9b: {  	s22 =	simm.s32 $0x1BFF;
	s21 =	sshll.u32 s5, $0x1;
	s2 =	sadd.s32 s19, s18  }
0x9c: {  	s6 =	simm.s32 $0x0;
	s20 =	sshll.u32 s4, $0x1;
	s4 =	sadd.s32 s21, s2  }
0x9d: {  	[timem:s6], [sflag:s22] =	dma.local [hbm:s4], s20  }
0x9e: {  	_ =	swait.ge [sflag:s22], s20  }
0x9f: {  	s3 =	ssub.s32 $0x0, s20;
	[sflag:s22] =	ssyncset.done $0x0  }
0xa0: {  	[sflag:s22] =	ssyncadd.s32 s3;
	_ =	sdelay $0x1  }
0xa1: {  	s23 =	simm.s32 $0x1B8B  }
0xa2: {  	_ =	swait.ge [sflag:s23], $0x1  }
0xa3: {  	[sflag:s23] =	ssyncset.done $0x0  }
0xa4: {  	s25 =	simm.s32 $0x1B8E;
	s24 =	sld [smem:$0x3FFE];
	[sflag:s23] =	ssyncadd.s32 $0xFFFFFFFF  }
0xa5: {  	s26 =	simm.s32 $execute0_lowered;
	[smem:$0x3FD2] =	sst s25  }
0xa6: {  	s4 =	sshll.u32 s26, $0x1;
	_ =	strace $0x80000046;
	[dreg:$0x1] =	wrdreg $0xFFFFFFFF  }
0xa7: {  	s28 =	simm.s32 $_size_execute0_lowered;
	s2 =	sadd.s32 s2, s4;
	[dreg:$0x0] =	wrdreg $0x0  }
0xa8: {  	s4 =	sshll.u32 s28, $0x1;
	[dreg:$0x2] =	wrdreg s2  }
0xa9: {  	[dreg:$0x3] =	wrdreg s4  }
0xaa: {  	[dreg:$0x4] =	wrdreg $0xC0  }
0xab: {  	_ =	task [dreg:s6], $0x5FFFF  }
0xac: {  	[dreg:$0x1] =	wrdreg $0xFFFFFFFF  }
0xad: {  	[dreg:$0x0] =	wrdreg $0x60  }
0xae: {  	[dreg:$0x2] =	wrdreg s24  }
0xaf: {  	[dreg:$0x3] =	wrdreg $0x1A7800  }
0xb0: {  	[dreg:$0x4] =	wrdreg $0x9  }
0xb1: {  	_ =	task.clear_ibuf [dreg:s6], $0x5FFFF;
	_ =	strace $0x90000046  }
0xb2: {  	s29 =	simm.s32 $0x9;
	_ =	strace $0x80000048  }
0xb3: {  	_ =	swait.ge [sflag:s29], $0x1  }
0xb4: {  	[sflag:s29] =	ssyncadd.s32 $0xFFFFFFFF  }
0xb5: {  	_ =	strace $0x90000048  }
0xb6: {  	_ =	sfence  }
0xb7: {  	s30 =	sld [smem:$0x0];
	_ =	sdelay $0x2  }
0xb8: {  	s31 =	sshll.u32 s1, $0xD;
	s1 =	sshrl.u32 s1, $0x2  }
0xb9: {  	s3 =	sand.u32 $0x4000, s31;
	s1 =	sadd.s32 s1, s30  }
0xba: {  	s0 =	sor.u32 s3, s0;
	s1 =	sshll.u32 s1, $0x11  }
0xbb: {  	s0 =	sor.u32 s1, s0  }
0xbc: {  	s0 =	sadd.s32 $0x8F2B, s0  }
0xbd: {  	[sflag:s0] =	ssyncadd.remote.s32 $0x1  }
0xbe: {  	_ =	sfence.sel $0xFFFF  }
0xbf: {  	[dreg:$0x0] =	wrdreg $0xFFFFFFFF;
	(pc) =	sbr.abs _section_cstart, $3  }
0xc0: {  	[dreg:$0x1] =	wrdreg $0xFFFFFFFF  }
0xc1: {  	_ =	task.clear_ibuf [dreg:s6], $0x2FFFF;
	_ =	strace $0x9FFFFFFF  }
0xc2: {  	(tm) =	ssettm $0x7FFFFFFF  }
0xc3: {  	_ =	shalt  }
tec
execute0_lowered:
.L_overlay_start_1:
0x0: {  	(tag) =	ssettag $0x1  }
0x1: {  	s4 =	rddreg [dreg:$0x0]  }
0x2: {  	s0 =	stileid.u32;
	s2 =	rddreg [dreg:$0x1]  }
0x3: {  	s5 =	srdreg.scid;
	s10 =	simm.s32 $0x80;
	s11 =	simm.s32 $0x400  }
0x4: {  	s12 =	simm.s32 $0x2780;
	s13 =	simm.s32 $0x1A380;
	s14 =	simm.s32 $0x4F80  }
0x5: {  	s15 =	simm.s32 $0x1A400;
	s16 =	simm.s32 $0x8F80;
	s17 =	simm.s32 $0x1A480  }
0x6: {  	s18 =	simm.s32 $0xCF80;
	s19 =	simm.s32 $0x1A500;
	s20 =	simm.s32 $0x10F80  }
0x7: {  	s21 =	simm.s32 $0x1A580;
	s22 =	simm.s32 $0x14F80;
	s9 =	smul.u32 $0x1400, s0  }
0x8: {  	s23 =	simm.s32 $0x0;
	s3 =	sshrl.u32 s0, $0x3;
	s29 =	smul.u32 $0x5000, s0  }
0x9: {  	s5 =	sand.u32 $0x1, s5;
	s7 =	sshll.u32 s0, $0x7;
	s6 =	smul.u32 $0x13C00, s3  }
0xa: {  	s3 =	simm.s32 $0x0;
	s8 =	smul.u32 $0x14000, s5;
	s5 =	ssub.s32 $0x2, s5  }
0xb: {  	s7 =	sand.u32 $0x380, s7;
	[smem:$0x7FF] =	sst s3;
	s30 =	sshrl.u32 s5, $0x1  }
0xc: {  	_ =	strace $0x80000047;
	s6 =	sor.u32 s7, s6;
	s28 =	sadd.s32 s9, s8  }
0xd: {  	s8 =	sshrl.u32 s29, $0x2;
	s31 =	ssub.s32 s5, s30;
	s6 =	sshrl.u32 s6, $0x3  }
0xe: {  	s9 =	simm.s32 $0x1;
	s7 =	sshrl.u32 s28, $0x3;
	s6 =	sadd.s32 s6, s4  }
0xf: {  	s7 =	sadd.s32 s7, s4;
	s4 =	sadd.s32 s8, s2;
	s8 =	simm.s32 $0x18F80  }
0x10: {  	v0 =	vimm.f32 $0.0e+00;
	v1 =	vlaneseq.u32;
	v2 =	vimm.f32 $1.000000000e+00;
	s5 =	sadd.s32 $0x1000, s6;
	s6 =	sadd.s32 $0x6000, s7;
	s7 =	smax.u32 s31, $0x1  }
.LBB2_1:
0x11: {  	s24 =	simm.s32 $0x40;
	s25 =	simm.s32 $0x0  }
.LBB2_2:
0x12: {  	p0 =	sne.s32 s24, $0x9FC0;
	[tilespmem:s25+$0x2780] =	vst v0;
	s25 =	smov.u32 s24;
	s24 =	sadd.s32 $0x40, s24  }
.Ltmp0:
0x13: {  	(pc) =	sbr.rel @p0 .LBB2_2-.Ltmp0, $2  }
0x14: {  	_ =	sdelay $0x2  }
0x15: {  	s25 =	sshra.s32 s25, $0x2  }
0x16: {  	[tilespmem:s25+$0x2780] =	vst v0  }
0x17: {  	[tilespmem:$0x18F80] =	vst v0  }
0x18: {  	[tilespmem:$0x19000] =	vst v0  }
0x19: {  	[tilespmem:$0x19080] =	vst v0  }
0x1a: {  	[tilespmem:$0x19100] =	vst v0  }
0x1b: {  	[tilespmem:$0x19180] =	vst v0  }
0x1c: {  	[tilespmem:$0x19200] =	vst v0  }
0x1d: {  	[tilespmem:$0x19280] =	vst v0  }
0x1e: {  	[tilespmem:$0x19300] =	vst v0  }
0x1f: {  	[tilespmem:$0x19380] =	vst v0  }
0x20: {  	[tilespmem:$0x19400] =	vst v0  }
0x21: {  	[tilespmem:$0x19480] =	vst v0  }
0x22: {  	[tilespmem:$0x19500] =	vst v0  }
0x23: {  	[tilespmem:$0x19580] =	vst v0  }
0x24: {  	[tilespmem:$0x19600] =	vst v0  }
0x25: {  	[tilespmem:$0x19680] =	vst v0  }
0x26: {  	[tilespmem:$0x19700] =	vst v0  }
0x27: {  	[tilespmem:$0x19780] =	vst v0  }
0x28: {  	[tilespmem:$0x19800] =	vst v0  }
0x29: {  	[tilespmem:$0x19880] =	vst v0  }
0x2a: {  	[tilespmem:$0x19900] =	vst v0  }
0x2b: {  	[tilespmem:$0x19980] =	vst v0  }
0x2c: {  	[tilespmem:$0x19A00] =	vst v0  }
0x2d: {  	[tilespmem:$0x19A80] =	vst v0  }
0x2e: {  	[tilespmem:$0x19B00] =	vst v0  }
0x2f: {  	[tilespmem:$0x19B80] =	vst v0  }
0x30: {  	[tilespmem:$0x19C00] =	vst v0  }
0x31: {  	[tilespmem:$0x19C80] =	vst v0  }
0x32: {  	[tilespmem:$0x19D00] =	vst v0  }
0x33: {  	[tilespmem:$0x19D80] =	vst v0  }
0x34: {  	[tilespmem:$0x19E00] =	vst v0  }
0x35: {  	[tilespmem:$0x19E80] =	vst v0  }
0x36: {  	[tilespmem:$0x19F00] =	vst v0  }
0x37: {  	[tilespmem:$0x19F80] =	vst v0  }
0x38: {  	[tilespmem:$0x1A000] =	vst v0  }
0x39: {  	[tilespmem:$0x1A080] =	vst v0  }
0x3a: {  	[tilespmem:$0x1A100] =	vst v0  }
0x3b: {  	[tilespmem:$0x1A180] =	vst v0  }
0x3c: {  	s24 =	simm.s32 $0x0;
	[tilespmem:$0x1A200] =	vst v0  }
0x3d: {  	[tilespmem:$0x1A280] =	vst v0;
	s25 =	sand.u32 $0x3F0, s24  }
0x3e: {  	[tilespmem:$0x1A300] =	vst v0;
	s24 =	simm.s32 $0x10;
	v3 =	vor.u32 s25, v1  }
.LBB2_4:
0x3f: {  	p0 =	sne.s32 s24, $0x270;
	[tilespmem:s25+$0x1A380] =	vst v3;
	s25 =	smov.u32 s24;
	s24 =	sadd.s32 $0x10, s24  }
.Ltmp1:
0x40: {  	(pc) =	sbr.rel @p0 .LBB2_4-.Ltmp1, $3  }
0x41: {  	_ =	sdelay $0x1  }
0x42: {  	s25 =	sand.u32 $0x3F0, s25  }
0x43: {  	v3 =	vor.u32 s25, v1  }
0x44: {  	[tilespmem:s25+$0x1A380] =	vst v3  }
0x45: {  	[spmem:s4] =	stream.linear.scatter [tilespmem:s8], [sflag:$0x1], $0x1400, $0x38;
	[tilespmem:$0x1AA00] =	vst v63  }
0x46: {  	_ =	swait.ge [sflag:s9], $0x1400  }
0x47: {  	[sflag:s9] =	ssyncset.done $0x0  }
0x48: {  	s24 =	simm.s32 $0x0;
	[sflag:s9] =	ssyncadd.s32 $0xFFFFEC00  }
0x49: {  	[tilespmem:s24], [sflag:$0x1] =	stream.strided.gather [hbm4b:s5+s10], $0x2780, s11, s10, $0x38;
	[tilespmem:$0x1AA00] =	vst v63  }
0x4a: {  	_ =	swait.ge [sflag:s9], $0x2780  }
0x4b: {  	[sflag:s9] =	ssyncset.done $0x0  }
0x4c: {  	[sflag:s9] =	ssyncadd.s32 $0xFFFFD880  }
.LBB2_6:
0x4d: {  	s25 =	sshra.s32 s24, $0x2  }
0x4e: {  	v3 =	vld [tilespmem:s25+$0x0];
	_ =	sdelay $0x2  }
0x4f: {  	p0 =	sne.s32 s24, $0x9C00  }
.Ltmp2:
0x50: {  	_ = 	snop;
	(pc) =	sbr.rel @p0 .LBB2_6-.Ltmp2, $2  }
0x51: {  	_ =	sdelay $0x2  }
0x52: {  	s24 =	sadd.s32 $0x40, s24;
	[tilespmem:v3+s12+$0x0] =	vst.idx.add.f32.msk $0xffff, v2  }
0x53: {  	s26 =	simm.s32 $0x0  }
0x54: {  	v3 =	vld [tilespmem:s26+$0x2780];
	_ =	sdelay $0x3  }
0x55: {  	s24 =	simm.s32 $0x4F80;
	s25 =	simm.s32 $0x40  }
.LBB2_8:
0x56: {  	s26 =	sshra.s32 s25, $0x2;
	p0 =	sne.s32 s25, $0x9FC0;
	s25 =	sadd.s32 $0x40, s25;
	[tilespmem:s24+$0x0] =	vst v3  }
.Ltmp3:
0x57: {  	v3 =	vld [tilespmem:s26+$0x2780];
	(pc) =	sbr.rel @p0 .LBB2_8-.Ltmp3, $2  }
0x58: {  	_ =	sdelay $0x2  }
0x59: {  	s24 =	sadd.s32 $0x80, s24  }
0x5a: {  	[tilespmem:s24+$0x0] =	vst v3  }
0x5b: {  	[bflag:$0x0] =	sbarrier.arrive $0xFFFF  }
0x5c: {  	[spmem:s2] =	stream.indirect.scatter.add.f32 [tilespmem:s14], [sflag:$0x1], $0x10, s13, s10, $0xb8;
	[tilespmem:$0x1AA00] =	vst v63  }
0x5d: {  	_ =	swait.ge [sflag:s9], $0x800  }
0x5e: {  	[sflag:s9] =	ssyncset.done $0x0  }
0x5f: {  	[sflag:s9] =	ssyncadd.s32 $0xFFFFF800  }
0x60: {  	[spmem:s2] =	stream.indirect.scatter.add.f32 [tilespmem:s16], [sflag:$0x1], $0x10, s15, s10, $0xb8;
	[tilespmem:$0x1AA00] =	vst v63  }
0x61: {  	_ =	swait.ge [sflag:s9], $0x800  }
0x62: {  	[sflag:s9] =	ssyncset.done $0x0  }
0x63: {  	[sflag:s9] =	ssyncadd.s32 $0xFFFFF800  }
0x64: {  	[spmem:s2] =	stream.indirect.scatter.add.f32 [tilespmem:s18], [sflag:$0x1], $0x10, s17, s10, $0xb8;
	[tilespmem:$0x1AA00] =	vst v63  }
0x65: {  	_ =	swait.ge [sflag:s9], $0x800  }
0x66: {  	[sflag:s9] =	ssyncset.done $0x0  }
0x67: {  	[sflag:s9] =	ssyncadd.s32 $0xFFFFF800  }
0x68: {  	[spmem:s2] =	stream.indirect.scatter.add.f32 [tilespmem:s20], [sflag:$0x1], $0x10, s19, s10, $0xb8;
	[tilespmem:$0x1AA00] =	vst v63  }
0x69: {  	_ =	swait.ge [sflag:s9], $0x800  }
0x6a: {  	[sflag:s9] =	ssyncset.done $0x0  }
0x6b: {  	[sflag:s9] =	ssyncadd.s32 $0xFFFFF800  }
0x6c: {  	[spmem:s2] =	stream.indirect.scatter.add.f32 [tilespmem:s22], [sflag:$0x1], $0x10, s21, s10, $0xb8;
	[tilespmem:$0x1AA00] =	vst v63  }
0x6d: {  	_ =	swait.ge [sflag:s9], $0x800  }
0x6e: {  	[sflag:s9] =	ssyncset.done $0x0  }
0x6f: {  	[sflag:s9] =	ssyncadd.s32 $0xFFFFF800  }
0x70: {  	[bflag:$0x0] =	sbarrier.arrive $0xFFFF  }
0x71: {  	[tilespmem:s14], [sflag:$0x1] =	stream.linear.gather [spmem:s4], $0x1400, $0x38;
	[tilespmem:$0x1AA00] =	vst v63  }
0x72: {  	_ =	swait.ge [sflag:s9], $0x1400  }
0x73: {  	[sflag:s9] =	ssyncset.done $0x0  }
0x74: {  	s25 =	simm.s32 $0x0;
	[sflag:s9] =	ssyncadd.s32 $0xFFFFEC00  }
0x75: {  	v3 =	vld [tilespmem:s25+$0x4F80];
	_ =	sdelay $0x4  }
0x76: {  	s24 =	simm.s32 $0x80;
	v3 =	vadd.f32 $1.000000000e+00, v3  }
0x77: {  	v4 =	vld [tilespmem:s24+$0x4F80]  }
0x78: {  	v5 =	vshra.s32 v3, $0x1;
	v6 =	vmul.f32 $5.000000000e-01, v3  }
0x79: {  	v3 =	vsub.s32 $0x5F3759DF, v5  }
0x7a: {  	v5 =	vmul.f32 v3, v6  }
0x7b: {  	s26 =	simm.s32 $0x100  }
0x7c: {  	v7 =	vld [tilespmem:s26+$0x4F80];
	v4 =	vadd.f32 $1.000000000e+00, v4;
	v5 =	vmul.f32 v3, v5;
	_ =	sdelay $0x1  }
0x7d: {  	v8 =	vshra.s32 v4, $0x1;
	v10 =	vmul.f32 $5.000000000e-01, v4;
	v4 =	vsub.f32 $1.500000000e+00, v5  }
0x7e: {  	v5 =	vsub.s32 $0x5F3759DF, v8  }
0x7f: {  	v8 =	vmul.f32 v5, v10;
	v4 =	vmul.f32 v3, v4  }
0x80: {  	s28 =	simm.s32 $0x180;
	v3 =	vadd.f32 $1.000000000e+00, v7  }
0x81: {  	v7 =	vld [tilespmem:s28+$0x4F80];
	v8 =	vmul.f32 v5, v8;
	v9 =	vmul.f32 v4, v6  }
0x82: {  	v11 =	vshra.s32 v3, $0x1;
	v3 =	vmul.f32 $5.000000000e-01, v3  }
0x83: {  	v8 =	vsub.f32 $1.500000000e+00, v8;
	v11 =	vsub.s32 $0x5F3759DF, v11;
	v9 =	vmul.f32 v9, v4  }
0x84: {  	v12 =	vmul.f32 v11, v3  }
0x85: {  	v5 =	vmul.f32 v5, v8;
	v8 =	vsub.f32 $1.500000000e+00, v9  }
0x86: {  	v7 =	vadd.f32 $1.000000000e+00, v7;
	v12 =	vmul.f32 v11, v12  }
0x87: {  	s29 =	simm.s32 $0x200;
	v13 =	vmul.f32 v5, v10;
	v8 =	vmul.f32 v8, v4  }
0x88: {  	v9 =	vld [tilespmem:s29+$0x4F80];
	v14 =	vshra.s32 v7, $0x1;
	v4 =	vmul.f32 $5.000000000e-01, v7;
	v7 =	vsub.f32 $1.500000000e+00, v12  }
0x89: {  	v15 =	vsub.s32 $0x5F3759DF, v14;
	v12 =	vmul.f32 v13, v5;
	v6 =	vmul.f32 v8, v6  }
0x8a: {  	v13 =	vmul.f32 v15, v4;
	v7 =	vmul.f32 v11, v7  }
0x8b: {  	v11 =	vsub.f32 $1.500000000e+00, v12;
	v6 =	vmul.f32 v6, v8  }
0x8c: {  	v12 =	vmul.f32 v15, v13;
	v13 =	vmul.f32 v7, v3  }
0x8d: {  	s30 =	simm.s32 $0x280;
	v9 =	vadd.f32 $1.000000000e+00, v9;
	v5 =	vmul.f32 v11, v5  }
0x8e: {  	v16 =	vsub.f32 $1.500000000e+00, v6;
	v17 =	vsub.f32 $1.500000000e+00, v12;
	v12 =	vmul.f32 v13, v7;
	v13 =	vld [tilespmem:s30+$0x4F80]  }
0x8f: {  	v14 =	vshra.s32 v9, $0x1;
	v6 =	vmul.f32 $5.000000000e-01, v9  }
0x90: {  	v9 =	vsub.s32 $0x5F3759DF, v14;
	v11 =	vmul.f32 v5, v10;
	v8 =	vmul.f32 v16, v8  }
0x91: {  	s31 =	simm.s32 $0xC00;
	v14 =	vmul.f32 v9, v6;
	v10 =	vmul.f32 v15, v17  }
.LBB2_10:
0x92: {  	s1 =	sshra.s32 s31, $0x2  }
0x93: {  	v15 =	vadd.f32 $1.000000000e+00, v13;
	v12 =	vsub.f32 $1.500000000e+00, v12;
	v11 =	vmul.f32 v11, v5;
	[tilespmem:s25+$0x18F80] =	vst v8;
	s25 =	smov.u32 s24;
	s24 =	smov.u32 s26;
	p0 =	sne.s32 s31, $0x4E00  }
.Ltmp4:
0x94: {  	s26 =	smov.u32 s28;
	s28 =	smov.u32 s29;
	v13 =	vld [tilespmem:s1+$0x4F80];
	v8 =	vmul.f32 v9, v14;
	v14 =	vmul.f32 v10, v4;
	(pc) =	sbr.rel @p0 .LBB2_10-.Ltmp4, $4  }
0x95: {  	s31 =	sadd.s32 $0x200, s31;
	s29 =	smov.u32 s30;
	v16 =	vshra.s32 v15, $0x1;
	v17 =	vmul.f32 v12, v7;
	v18 =	vsub.f32 $1.500000000e+00, v11;
	v7 =	vmovc v10  }
0x96: {  	s30 =	smov.u32 s1;
	v15 =	vmul.f32 $5.000000000e-01, v15;
	v10 =	vsub.f32 $1.500000000e+00, v8;
	v12 =	vmul.f32 v14, v7  }
0x97: {  	v16 =	vsub.s32 $0x5F3759DF, v16;
	v11 =	vmul.f32 v17, v3;
	v8 =	vmul.f32 v18, v5;
	v5 =	vmovc v17;
	v3 =	vmovc v4  }
0x98: {  	v14 =	vmul.f32 v16, v15;
	v4 =	vmovc v6;
	v6 =	vmovc v15;
	v10 =	vmul.f32 v9, v10;
	v9 =	vmov v16  }
0x99: {  	v13 =	vadd.f32 $1.000000000e+00, v13;
	_ =	sdelay $0x1  }
0x9a: {  	v15 =	vshra.s32 v13, $0x1;
	v13 =	vmul.f32 $5.000000000e-01, v13  }
0x9b: {  	v15 =	vsub.s32 $0x5F3759DF, v15  }
0x9c: {  	v16 =	vmul.f32 v15, v13  }
0x9d: {  	v14 =	vmul.f32 v9, v14  }
0x9e: {  	v16 =	vmul.f32 v15, v16  }
0x9f: {  	v14 =	vsub.f32 $1.500000000e+00, v14  }
0xa0: {  	v16 =	vsub.f32 $1.500000000e+00, v16  }
0xa1: {  	v51 =	vmul.f32 v9, v14  }
0xa2: {  	v52 =	vmul.f32 v10, v4;
	v15 =	vmul.f32 v15, v16  }
0xa3: {  	v53 =	vmul.f32 v51, v6  }
0xa4: {  	v14 =	vmul.f32 v52, v10;
	v17 =	vmul.f32 v15, v13  }
0xa5: {  	v12 =	vsub.f32 $1.500000000e+00, v12;
	v16 =	vmul.f32 v53, v51  }
0xa6: {  	v14 =	vsub.f32 $1.500000000e+00, v14;
	v17 =	vmul.f32 v17, v15  }
0xa7: {  	v7 =	vmul.f32 v12, v7;
	v54 =	vsub.f32 $1.500000000e+00, v16  }
0xa8: {  	v11 =	vmul.f32 v11, v5;
	v55 =	vmul.f32 v14, v10;
	v56 =	vsub.f32 $1.500000000e+00, v17  }
0xa9: {  	v3 =	vmul.f32 v7, v3;
	v9 =	vmul.f32 v54, v51  }
0xaa: {  	v57 =	vmul.f32 v55, v4;
	v58 =	vmul.f32 v56, v15  }
0xab: {  	v3 =	vmul.f32 v3, v7;
	v59 =	vmul.f32 v9, v6  }
0xac: {  	v11 =	vsub.f32 $1.500000000e+00, v11;
	v4 =	vmul.f32 v57, v55;
	v13 =	vmul.f32 v58, v13  }
0xad: {  	v3 =	vsub.f32 $1.500000000e+00, v3;
	v6 =	vmul.f32 v59, v9  }
0xae: {  	v60 =	vmul.f32 v11, v5;
	v4 =	vsub.f32 $1.500000000e+00, v4;
	v61 =	vmul.f32 v13, v58  }
0xaf: {  	[tilespmem:s25+$0x18F80] =	vst v8;
	v3 =	vmul.f32 v3, v7;
	v6 =	vsub.f32 $1.500000000e+00, v6  }
0xb0: {  	[tilespmem:s24+$0x18F80] =	vst v60;
	v4 =	vmul.f32 v4, v55;
	v62 =	vsub.f32 $1.500000000e+00, v61  }
0xb1: {  	[tilespmem:s26+$0x18F80] =	vst v3;
	v3 =	vmul.f32 v6, v9  }
0xb2: {  	s23 =	sadd.s32 $0x1, s23;
	[tilespmem:s28+$0x18F80] =	vst v4;
	v63 =	vmul.f32 v62, v58  }
0xb3: {  	p0 =	sne.s32 s23, s7;
	[tilespmem:s29+$0x18F80] =	vst v3  }
.Ltmp5:
0xb4: {  	[tilespmem:s30+$0x18F80] =	vst v63;
	(pc) =	sbr.rel @p0 .LBB2_1-.Ltmp5, $4  }
0xb5: {  	[hbm4b:s6+s3] =	stream.linear.scatter [tilespmem:s8], [sflag:$0x1], $0x1400, $0x38;
	[tilespmem:$0x1AA00] =	vst v63  }
0xb6: {  	_ =	swait.ge [sflag:s9], $0x1400  }
0xb7: {  	[sflag:s9] =	ssyncset.done $0x0  }
0xb8: {  	[sflag:s9] =	ssyncadd.s32 $0xFFFFEC00  }
0xb9: {  	_ =	sfence.sel $0x180000  }
0xba: {  	[bflag:$0x0] =	sbarrier.arrive $0xFFFF  }
0xbb: {  	_ =	strace $0x90000047  }
0xbc: {  	[bflag:$0x2] =	sbarrier.arrive $0xFFFF  }
0xbd: {  	p0 =	sne.s32 s0, $0x0;
	s0 =	rddreg [dreg:$0x2]  }
0xbe: {  	s0 =	sadd.s32 @!p0 $0x100000, s0  }
0xbf: {  	[sflag:s0] =	ssyncadd.tile.s32 @!p0 $0x1;
	_ =	shalt  }
.Lfunc_end2:
_tile_overlayer_lowered:
.L_overlay_start_2:
0xc0: {  	(tag) =	ssettag $0x2  }
0xc1: {  	s0 =	rddreg [dreg:$0x0];
	s2 =	stileid.u32  }
0xc2: {  	s1 =	rddreg [dreg:$0x1];
	p0 =	sne.s32 s2, $0x0  }
0xc3: {  	s3 =	rddreg [dreg:$0x2];
	[bflag:$0x3] =	sbarrier.arrive $0xFFFF;
	s2 =	simm.s32 @!p0 $0x1C01  }
0xc4: {  	[timem:s3], [sflag:s2] =	dma.local @!p0 [hbm:s0], s1  }
0xc5: {  	s0 =	simm.s32 @!p0 $0x1  }
0xc6: {  	_ =	swait.ge @!p0 [sflag:s0], s1  }
0xc7: {  	s1 =	ssub.s32 @!p0 $0x0, s1;
	[sflag:s0] =	ssyncset.done @!p0 $0x0  }
0xc8: {  	[sflag:s0] =	ssyncadd.s32 @!p0 s1  }
0xc9: {  	[bflag:$0x3] =	sbarrier.arrive $0xFFFF  }
0xca: {  	_ =	shalt  }

</sc_bundles>
